<compile_context>
chip_gen: v7x
topology: tpu7x:2x2x1
jax: 0.10.2.dev20260603
libtpu: 0.0.44.dev20260713+nightly
codegen_flags: <defaults>
</compile_context>

<pallas_src>
import functools

import jax
import jax.numpy as jnp
from jax import lax
from jax.experimental import pallas as pl
from jax.experimental.pallas import tpu as pltpu
from jax.experimental.pallas import tpu_sc as plsc

NN = 10000
EE = 320000
DD = 128
NP = 10240
NC = 2
NS = 16
NW = NC * NS
EPW = EE // NW
K = 80
T = EPW // K
UC = 5
RPT = NP // NS
ZR = 160

_MESH = dict(core_axis_name="c", subcore_axis_name="s")


def _sc_hist(dst):

    @functools.partial(
        pl.kernel,
        out_type=jax.ShapeDtypeStruct((NC, NP), jnp.float32),
        mesh=plsc.VectorSubcoreMesh(**_MESH),
        scratch_types=[
            pltpu.VMEM((RPT,), jnp.float32),
            pltpu.VMEM((K,), jnp.float32),
            pltpu.VMEM((K,), jnp.int32),
            pltpu.VMEM((K,), jnp.int32),
            pltpu.VMEM_SHARED((NP,), jnp.float32),
            pltpu.SemaphoreType.DMA,
            pltpu.SemaphoreType.DMA,
        ],
    )
    def run(dst_hbm, out_hbm, zbuf, ones_v, idx0, idx1, acc, sa, sb):
        cid = lax.axis_index("c")
        sid = lax.axis_index("s")
        wid = cid * NS + sid
        idx = [idx0, idx1]
        ssem = [sa, sb]
        for j in range(RPT // 16):
            zbuf[pl.ds(j * 16, 16)] = jnp.zeros((16,), jnp.float32)
        for j in range(K // 16):
            ones_v[pl.ds(j * 16, 16)] = jnp.ones((16,), jnp.float32)
        pltpu.sync_copy(zbuf, acc.at[pl.ds(sid * RPT, RPT)])
        plsc.subcore_barrier()

        def body(r, carry):
            hs = [None, None]
            for u in range(UC):
                b = u % 2
                if hs[b] is not None:
                    hs[b].wait()
                base = wid * EPW + (r * UC + u) * K
                pltpu.sync_copy(dst_hbm.at[pl.ds(base, K)], idx[b])
                hs[b] = pltpu.async_copy(ones_v, acc.at[idx[b]], ssem[b],
                                         add=True)
            hs[0].wait()
            hs[1].wait()
            return carry

        lax.fori_loop(0, T // UC, body, 0)
        plsc.subcore_barrier()
        pltpu.sync_copy(acc.at[pl.ds(sid * RPT, RPT)],
                        out_hbm.at[cid, pl.ds(sid * RPT, RPT)])

    return run(dst)


def _sc_agg(src, dst, z):

    @functools.partial(
        pl.kernel,
        out_type=jax.ShapeDtypeStruct((NC, NP, DD), jnp.float32),
        mesh=plsc.VectorSubcoreMesh(**_MESH),
        scratch_types=[
            pltpu.VMEM((ZR, DD), jnp.float32),
            pltpu.VMEM((K,), jnp.int32),
            pltpu.VMEM((K,), jnp.int32),
            pltpu.VMEM((K, DD), jnp.float32),
            pltpu.VMEM((K,), jnp.int32),
            pltpu.VMEM((K,), jnp.int32),
            pltpu.VMEM((K, DD), jnp.float32),
            pltpu.VMEM_SHARED((NP, DD), jnp.float32),
            pltpu.SemaphoreType.DMA,
            pltpu.SemaphoreType.DMA,
            pltpu.SemaphoreType.DMA,
            pltpu.SemaphoreType.DMA,
        ],
    )
    def run(src_hbm, dst_hbm, z_hbm, out_hbm, zbuf,
            isrc0, idst0, rows0, isrc1, idst1, rows1, acc,
            ga, gb, sa, sb):
        cid = lax.axis_index("c")
        sid = lax.axis_index("s")
        wid = cid * NS + sid
        isrc = [isrc0, isrc1]
        idst = [idst0, idst1]
        rows = [rows0, rows1]
        gsem = [ga, gb]
        ssem = [sa, sb]

        def zrow(i, carry):
            for j in range(DD // 16):
                zbuf[i, pl.ds(j * 16, 16)] = jnp.zeros((16,), jnp.float32)
            return carry

        lax.fori_loop(0, ZR, zrow, 0)
        for c in range(RPT // ZR):
            pltpu.sync_copy(zbuf, acc.at[pl.ds(sid * RPT + c * ZR, ZR)])
        plsc.subcore_barrier()

        def body(r, carry):
            hg = [None, None]
            hs = [None, None]
            for u in range(UC):
                b = u % 2
                if hs[b] is not None:
                    hs[b].wait()
                base = wid * EPW + (r * UC + u) * K
                pltpu.sync_copy(src_hbm.at[pl.ds(base, K)], isrc[b])
                pltpu.sync_copy(dst_hbm.at[pl.ds(base, K)], idst[b])
                hg[b] = pltpu.async_copy(z_hbm.at[isrc[b]], rows[b], gsem[b])
                if u >= 1:
                    pb = 1 - b
                    hg[pb].wait()
                    hs[pb] = pltpu.async_copy(rows[pb], acc.at[idst[pb]],
                                              ssem[pb], add=True)
            bl = (UC - 1) % 2
            hg[bl].wait()
            hs[1 - bl].wait()
            hs[bl] = pltpu.async_copy(rows[bl], acc.at[idst[bl]], ssem[bl],
                                      add=True)
            hs[bl].wait()
            return carry

        lax.fori_loop(0, T // UC, body, 0)
        plsc.subcore_barrier()
        for c in range(RPT // ZR):
            r0 = sid * RPT + c * ZR
            pltpu.sync_copy(acc.at[pl.ds(r0, ZR)], out_hbm.at[cid, pl.ds(r0, ZR)])

    return run(src, dst, z)


_RB = 2000
_GRID = NN // _RB


def _tc_head(hist_col, x, w):

    def body(h_ref, x_ref, w_ref, z_ref, d_ref):
        h = h_ref[...]
        d = lax.rsqrt(h[0] + h[1] + 1.0)
        y = jnp.dot(x_ref[...], w_ref[...], preferred_element_type=jnp.float32)
        z_ref[...] = y * d
        d_ref[...] = d

    return pl.pallas_call(
        body,
        grid=(_GRID,),
        in_specs=[
            pl.BlockSpec((NC, _RB, 1), lambda i: (0, i, 0)),
            pl.BlockSpec((_RB, DD), lambda i: (i, 0)),
            pl.BlockSpec((DD, DD), lambda i: (0, 0)),
        ],
        out_specs=(
            pl.BlockSpec((_RB, DD), lambda i: (i, 0)),
            pl.BlockSpec((_RB, 1), lambda i: (i, 0)),
        ),
        out_shape=(
            jax.ShapeDtypeStruct((NN, DD), jnp.float32),
            jax.ShapeDtypeStruct((NN, 1), jnp.float32),
        ),
    )(hist_col, x, w)


def _tc_mid(part, z1, dinv, b1, w2):

    def body(p_ref, z_ref, d_ref, b_ref, w_ref, z2_ref):
        p = p_ref[...]
        d = d_ref[...]
        h = jnp.maximum((p[0] + p[1] + z_ref[...]) * d + b_ref[...], 0.0)
        z2_ref[...] = jnp.dot(h, w_ref[...], preferred_element_type=jnp.float32) * d

    return pl.pallas_call(
        body,
        grid=(_GRID,),
        in_specs=[
            pl.BlockSpec((NC, _RB, DD), lambda i: (0, i, 0)),
            pl.BlockSpec((_RB, DD), lambda i: (i, 0)),
            pl.BlockSpec((_RB, 1), lambda i: (i, 0)),
            pl.BlockSpec((1, DD), lambda i: (0, 0)),
            pl.BlockSpec((DD, DD), lambda i: (0, 0)),
        ],
        out_specs=pl.BlockSpec((_RB, DD), lambda i: (i, 0)),
        out_shape=jax.ShapeDtypeStruct((NN, DD), jnp.float32),
    )(part, z1, dinv, b1, w2)


def _tc_tail(part, z2, dinv, b2):

    def body(p_ref, z_ref, d_ref, b_ref, o_ref):
        p = p_ref[...]
        o_ref[...] = (p[0] + p[1] + z_ref[...]) * d_ref[...] + b_ref[...]

    return pl.pallas_call(
        body,
        grid=(_GRID,),
        in_specs=[
            pl.BlockSpec((NC, _RB, DD), lambda i: (0, i, 0)),
            pl.BlockSpec((_RB, DD), lambda i: (i, 0)),
            pl.BlockSpec((_RB, 1), lambda i: (i, 0)),
            pl.BlockSpec((1, DD), lambda i: (0, 0)),
        ],
        out_specs=pl.BlockSpec((_RB, DD), lambda i: (i, 0)),
        out_shape=jax.ShapeDtypeStruct((NN, DD), jnp.float32),
    )(part, z2, dinv, b2)


def kernel(edge_index, emb, W1, b1, W2, b2):
    src = edge_index[0]
    dst = edge_index[1]
    hist = _sc_hist(dst)
    hist_col = hist.reshape(NC, NP, 1)
    z1, dinv = _tc_head(hist_col, emb, W1)
    p1 = _sc_agg(src, dst, z1)
    z2 = _tc_mid(p1, z1, dinv, b1.reshape(1, DD), W2)
    p2 = _sc_agg(src, dst, z2)
    return _tc_tail(p2, z2, dinv, b2.reshape(1, DD))

# --- scband reference (transcript-rebuilt; emitter-appended) ---
"""Pipeline reference for scband-gcnencoder-19997367730401 (READ-ONLY COPY).

The authoritative reference and input builder live on the scoring server;
editing this copy changes nothing except your own understanding.
"""

import jax, jax.numpy as jnp
import numpy as np

N = 10000
E = 320000
D = 128  # embedding_dim
H = 128  # hidden_channels


def gcn_conv(x, edge_index, W, b, num_nodes):
    # GCNConv: x' = D^{-1/2} (A + I) D^{-1/2} (X W) + b
    loop = jnp.arange(num_nodes, dtype=edge_index.dtype)
    src = jnp.concatenate([edge_index[0], loop])
    dst = jnp.concatenate([edge_index[1], loop])
    x = x @ W
    ones = jnp.ones(src.shape[0], dtype=x.dtype)
    deg = jnp.zeros((num_nodes,), dtype=x.dtype).at[dst].add(ones)
    dinv = jnp.where(deg > 0, deg ** -0.5, 0.0)
    norm = dinv[src] * dinv[dst]
    msg = x[src] * norm[:, None]
    out = jnp.zeros((num_nodes, W.shape[1]), dtype=x.dtype).at[dst].add(msg)
    return out + b


def setup_inputs(seed: int = 0) -> dict:
    key = jax.random.key(seed)
    k1, k2, k3, k4, k5 = jax.random.split(key, 5)
    edge_index = jax.random.randint(k1, (2, E), 0, N, dtype=jnp.int32)
    emb = jax.random.normal(k2, (N, D), dtype=jnp.float32)
    W1 = jax.random.normal(k3, (D, H), dtype=jnp.float32) * (1.0 / np.sqrt(D))
    b1 = jnp.zeros((H,), dtype=jnp.float32)
    W2 = jax.random.normal(k4, (H, D), dtype=jnp.float32) * (1.0 / np.sqrt(H))
    b2 = jnp.zeros((D,), dtype=jnp.float32)
    return {"edge_index": edge_index, "emb": emb, "W1": W1, "b1": b1, "W2": W2, "b2": b2}


def reference(edge_index, emb, W1, b1, W2, b2):
    # x = self.embedding(torch.arange(num_nodes)) -> full embedding table
    x = emb
    x = gcn_conv(x, edge_index, W1, b1, N)
    x = jax.nn.relu(x)
    x = gcn_conv(x, edge_index, W2, b2, N)
    return x

if __name__ == "__main__":
    import jax
    _d = setup_inputs()
    print(jax.jit(kernel)(*tuple(_d.values())))

</pallas_src>

<mosaic_0001>
#map = affine_map<(d0, d1) -> (0)>
#map1 = affine_map<(d0, d1) -> (0, 0)>
#map2 = affine_map<(d0, d1) -> (0, 0, 0)>
module attributes {stable_mosaic.version = 14 : i64} {
  func.func @run(%arg0: i32, %arg1: i32, %arg2: memref<320000xi32, #tpu.memory_space<hbm>>, %arg3: memref<320000xi32, #tpu.memory_space<hbm>>, %arg4: memref<10000x128xf32, #tpu.memory_space<hbm>>, %arg5: memref<2x10240x128xf32, #tpu.memory_space<hbm>>, %arg6: memref<160x128xf32, #tpu.memory_space<vmem>>, %arg7: memref<80xi32, #tpu.memory_space<vmem>>, %arg8: memref<80xi32, #tpu.memory_space<vmem>>, %arg9: memref<80x128xf32, #tpu.memory_space<vmem>>, %arg10: memref<80xi32, #tpu.memory_space<vmem>>, %arg11: memref<80xi32, #tpu.memory_space<vmem>>, %arg12: memref<80x128xf32, #tpu.memory_space<vmem>>, %arg13: memref<10240x128xf32, #tpu.memory_space<vmem_shared>>, %arg14: memref<!tpu.dma_semaphore, #tpu.memory_space<semaphore_mem>>, %arg15: memref<!tpu.dma_semaphore, #tpu.memory_space<semaphore_mem>>, %arg16: memref<!tpu.dma_semaphore, #tpu.memory_space<semaphore_mem>>, %arg17: memref<!tpu.dma_semaphore, #tpu.memory_space<semaphore_mem>>) attributes {dimension_semantics = [#tpu.dimension_semantics<core_parallel>, #tpu.dimension_semantics<subcore_parallel>], iteration_bounds = array<i64: 2, 16>, scalar_prefetch = 0 : i64, scratch_operands = 12 : i64, tpu.core_type = #tpu.core_type<sc_vector_subcore>, window_params = [{transform_indices = #map}, {transform_indices = #map}, {transform_indices = #map1}, {transform_indices = #map2}]} {
    %mul3A = arith.constant 16 : i32
    %mul3A_0 = arith.muli %arg0, %mul3A : i32
    %add3A = arith.addi %mul3A_0, %arg1 : i32
    %scan3A = arith.constant 0 : i32
    %scan3A_1 = arith.constant 0 : i32
    %scan3A_2 = arith.constant 160 : i32
    %scan3A_3 = arith.addi %scan3A_1, %scan3A_2 : i32
    %scan3A_4 = arith.constant 1 : i32
    scf.for %scan3A_45 = %scan3A_1 to %scan3A_3 step %scan3A_4  : i32 {
      %broadcast_in_dim3A = arith.constant 0.000000e+00 : f32
      %broadcast_in_dim3A_46 = vector.broadcast %broadcast_in_dim3A : f32 to vector<16xf32>
      %swap3A = arith.index_cast %scan3A_45 : i32 to index
      %swap3A_47 = arith.constant 0 : index
      %swap3A_48 = tpu.vector_load %arg6[%swap3A, %swap3A_47] {strides = array<i32>} : memref<160x128xf32, #tpu.memory_space<vmem>>, vector<1x16xf32>,
      %swap3A_49 = vector.shape_cast %swap3A_48 : vector<1x16xf32> to vector<16xf32>
      %swap3A_50 = vector.shape_cast %broadcast_in_dim3A_46 : vector<16xf32> to vector<1x16xf32>
      tpu.vector_store %arg6[%swap3A, %swap3A_47], %swap3A_50 {strides = array<i32>} : memref<160x128xf32, #tpu.memory_space<vmem>>, vector<1x16xf32>,
      %broadcast_in_dim3A_51 = arith.constant 0.000000e+00 : f32
      %broadcast_in_dim3A_52 = vector.broadcast %broadcast_in_dim3A_51 : f32 to vector<16xf32>
      %swap3A_53 = arith.index_cast %scan3A_45 : i32 to index
      %swap3A_54 = arith.constant 16 : index
      %swap3A_55 = tpu.vector_load %arg6[%swap3A_53, %swap3A_54] {strides = array<i32>} : memref<160x128xf32, #tpu.memory_space<vmem>>, vector<1x16xf32>,
      %swap3A_56 = vector.shape_cast %swap3A_55 : vector<1x16xf32> to vector<16xf32>
      %swap3A_57 = vector.shape_cast %broadcast_in_dim3A_52 : vector<16xf32> to vector<1x16xf32>
      tpu.vector_store %arg6[%swap3A_53, %swap3A_54], %swap3A_57 {strides = array<i32>} : memref<160x128xf32, #tpu.memory_space<vmem>>, vector<1x16xf32>,
      %broadcast_in_dim3A_58 = arith.constant 0.000000e+00 : f32
      %broadcast_in_dim3A_59 = vector.broadcast %broadcast_in_dim3A_58 : f32 to vector<16xf32>
      %swap3A_60 = arith.index_cast %scan3A_45 : i32 to index
      %swap3A_61 = arith.constant 32 : index
      %swap3A_62 = tpu.vector_load %arg6[%swap3A_60, %swap3A_61] {strides = array<i32>} : memref<160x128xf32, #tpu.memory_space<vmem>>, vector<1x16xf32>,
      %swap3A_63 = vector.shape_cast %swap3A_62 : vector<1x16xf32> to vector<16xf32>
      %swap3A_64 = vector.shape_cast %broadcast_in_dim3A_59 : vector<16xf32> to vector<1x16xf32>
      tpu.vector_store %arg6[%swap3A_60, %swap3A_61], %swap3A_64 {strides = array<i32>} : memref<160x128xf32, #tpu.memory_space<vmem>>, vector<1x16xf32>,
      %broadcast_in_dim3A_65 = arith.constant 0.000000e+00 : f32
      %broadcast_in_dim3A_66 = vector.broadcast %broadcast_in_dim3A_65 : f32 to vector<16xf32>
      %swap3A_67 = arith.index_cast %scan3A_45 : i32 to index
      %swap3A_68 = arith.constant 48 : index
      %swap3A_69 = tpu.vector_load %arg6[%swap3A_67, %swap3A_68] {strides = array<i32>} : memref<160x128xf32, #tpu.memory_space<vmem>>, vector<1x16xf32>,
      %swap3A_70 = vector.shape_cast %swap3A_69 : vector<1x16xf32> to vector<16xf32>
      %swap3A_71 = vector.shape_cast %broadcast_in_dim3A_66 : vector<16xf32> to vector<1x16xf32>
      tpu.vector_store %arg6[%swap3A_67, %swap3A_68], %swap3A_71 {strides = array<i32>} : memref<160x128xf32, #tpu.memory_space<vmem>>, vector<1x16xf32>,
      %broadcast_in_dim3A_72 = arith.constant 0.000000e+00 : f32
      %broadcast_in_dim3A_73 = vector.broadcast %broadcast_in_dim3A_72 : f32 to vector<16xf32>
      %swap3A_74 = arith.index_cast %scan3A_45 : i32 to index
      %swap3A_75 = arith.constant 64 : index
      %swap3A_76 = tpu.vector_load %arg6[%swap3A_74, %swap3A_75] {strides = array<i32>} : memref<160x128xf32, #tpu.memory_space<vmem>>, vector<1x16xf32>,
      %swap3A_77 = vector.shape_cast %swap3A_76 : vector<1x16xf32> to vector<16xf32>
      %swap3A_78 = vector.shape_cast %broadcast_in_dim3A_73 : vector<16xf32> to vector<1x16xf32>
      tpu.vector_store %arg6[%swap3A_74, %swap3A_75], %swap3A_78 {strides = array<i32>} : memref<160x128xf32, #tpu.memory_space<vmem>>, vector<1x16xf32>,
      %broadcast_in_dim3A_79 = arith.constant 0.000000e+00 : f32
      %broadcast_in_dim3A_80 = vector.broadcast %broadcast_in_dim3A_79 : f32 to vector<16xf32>
      %swap3A_81 = arith.index_cast %scan3A_45 : i32 to index
      %swap3A_82 = arith.constant 80 : index
      %swap3A_83 = tpu.vector_load %arg6[%swap3A_81, %swap3A_82] {strides = array<i32>} : memref<160x128xf32, #tpu.memory_space<vmem>>, vector<1x16xf32>,
      %swap3A_84 = vector.shape_cast %swap3A_83 : vector<1x16xf32> to vector<16xf32>
      %swap3A_85 = vector.shape_cast %broadcast_in_dim3A_80 : vector<16xf32> to vector<1x16xf32>
      tpu.vector_store %arg6[%swap3A_81, %swap3A_82], %swap3A_85 {strides = array<i32>} : memref<160x128xf32, #tpu.memory_space<vmem>>, vector<1x16xf32>,
      %broadcast_in_dim3A_86 = arith.constant 0.000000e+00 : f32
      %broadcast_in_dim3A_87 = vector.broadcast %broadcast_in_dim3A_86 : f32 to vector<16xf32>
      %swap3A_88 = arith.index_cast %scan3A_45 : i32 to index
      %swap3A_89 = arith.constant 96 : index
      %swap3A_90 = tpu.vector_load %arg6[%swap3A_88, %swap3A_89] {strides = array<i32>} : memref<160x128xf32, #tpu.memory_space<vmem>>, vector<1x16xf32>,
      %swap3A_91 = vector.shape_cast %swap3A_90 : vector<1x16xf32> to vector<16xf32>
      %swap3A_92 = vector.shape_cast %broadcast_in_dim3A_87 : vector<16xf32> to vector<1x16xf32>
      tpu.vector_store %arg6[%swap3A_88, %swap3A_89], %swap3A_92 {strides = array<i32>} : memref<160x128xf32, #tpu.memory_space<vmem>>, vector<1x16xf32>,
      %broadcast_in_dim3A_93 = arith.constant 0.000000e+00 : f32
      %broadcast_in_dim3A_94 = vector.broadcast %broadcast_in_dim3A_93 : f32 to vector<16xf32>
      %swap3A_95 = arith.index_cast %scan3A_45 : i32 to index
      %swap3A_96 = arith.constant 112 : index
      %swap3A_97 = tpu.vector_load %arg6[%swap3A_95, %swap3A_96] {strides = array<i32>} : memref<160x128xf32, #tpu.memory_space<vmem>>, vector<1x16xf32>,
      %swap3A_98 = vector.shape_cast %swap3A_97 : vector<1x16xf32> to vector<16xf32>
      %swap3A_99 = vector.shape_cast %broadcast_in_dim3A_94 : vector<16xf32> to vector<1x16xf32>
      tpu.vector_store %arg6[%swap3A_95, %swap3A_96], %swap3A_99 {strides = array<i32>} : memref<160x128xf32, #tpu.memory_space<vmem>>, vector<1x16xf32>,
    }
    %scan3A_5 = arith.constant 160 : i32
    %mul3A_6 = arith.constant 640 : i32
    %mul3A_7 = arith.muli %arg1, %mul3A_6 : i32
    %add3A_8 = arith.constant 0 : i32
    %add3A_9 = arith.addi %mul3A_7, %add3A_8 : i32
    "tpu.region"() ({
      %run_scoped3A = tpu.sem_alloc : memref<!tpu.dma_semaphore, #tpu.memory_space<semaphore_mem>>
      %dma_start3A = arith.constant 0 : i32
      %dma_start3A_45 = tpu.memref_slice %arg13[%add3A_9, %dma_start3A] : memref<10240x128xf32, #tpu.memory_space<vmem_shared>> -> memref<160x128xf32, #tpu.memory_space<vmem_shared>>
      %dma_start3A_46 = arith.constant 0 : i32
      %dma_start3A_47 = tpu.memref_slice %arg13[%add3A_9, %dma_start3A_46] : memref<10240x128xf32, #tpu.memory_space<vmem_shared>> -> memref<160x128xf32, #tpu.memory_space<vmem_shared>>
      tpu.enqueue_dma source(%arg6 : memref<160x128xf32, #tpu.memory_space<vmem>>) target(%dma_start3A_47 : memref<160x128xf32, #tpu.memory_space<vmem_shared>>) target_semaphore(%run_scoped3A : memref<!tpu.dma_semaphore, #tpu.memory_space<semaphore_mem>>)
      %dma_wait3A = arith.constant 0 : i32
      %dma_wait3A_48 = tpu.memref_slice %arg13[%add3A_9, %dma_wait3A] : memref<10240x128xf32, #tpu.memory_space<vmem_shared>> -> memref<160x128xf32, #tpu.memory_space<vmem_shared>>
      %dma_wait3A_49 = arith.constant 0 : i32
      %dma_wait3A_50 = tpu.memref_slice %arg13[%add3A_9, %dma_wait3A_49] : memref<10240x128xf32, #tpu.memory_space<vmem_shared>> -> memref<160x128xf32, #tpu.memory_space<vmem_shared>>
      tpu.wait_dma2 semaphore(%run_scoped3A : memref<!tpu.dma_semaphore, #tpu.memory_space<semaphore_mem>>) src(%arg6 : memref<160x128xf32, #tpu.memory_space<vmem>>) dst(%dma_wait3A_50 : memref<160x128xf32, #tpu.memory_space<vmem_shared>>)
      tpu.yield
    }) : () -> ()
    %mul3A_10 = arith.constant 640 : i32
    %mul3A_11 = arith.muli %arg1, %mul3A_10 : i32
    %add3A_12 = arith.constant 160 : i32
    %add3A_13 = arith.addi %mul3A_11, %add3A_12 : i32
    "tpu.region"() ({
      %run_scoped3A = tpu.sem_alloc : memref<!tpu.dma_semaphore, #tpu.memory_space<semaphore_mem>>
      %dma_start3A = arith.constant 0 : i32
      %dma_start3A_45 = tpu.memref_slice %arg13[%add3A_13, %dma_start3A] : memref<10240x128xf32, #tpu.memory_space<vmem_shared>> -> memref<160x128xf32, #tpu.memory_space<vmem_shared>>
      %dma_start3A_46 = arith.constant 0 : i32
      %dma_start3A_47 = tpu.memref_slice %arg13[%add3A_13, %dma_start3A_46] : memref<10240x128xf32, #tpu.memory_space<vmem_shared>> -> memref<160x128xf32, #tpu.memory_space<vmem_shared>>
      tpu.enqueue_dma source(%arg6 : memref<160x128xf32, #tpu.memory_space<vmem>>) target(%dma_start3A_47 : memref<160x128xf32, #tpu.memory_space<vmem_shared>>) target_semaphore(%run_scoped3A : memref<!tpu.dma_semaphore, #tpu.memory_space<semaphore_mem>>)
      %dma_wait3A = arith.constant 0 : i32
      %dma_wait3A_48 = tpu.memref_slice %arg13[%add3A_13, %dma_wait3A] : memref<10240x128xf32, #tpu.memory_space<vmem_shared>> -> memref<160x128xf32, #tpu.memory_space<vmem_shared>>
      %dma_wait3A_49 = arith.constant 0 : i32
      %dma_wait3A_50 = tpu.memref_slice %arg13[%add3A_13, %dma_wait3A_49] : memref<10240x128xf32, #tpu.memory_space<vmem_shared>> -> memref<160x128xf32, #tpu.memory_space<vmem_shared>>
      tpu.wait_dma2 semaphore(%run_scoped3A : memref<!tpu.dma_semaphore, #tpu.memory_space<semaphore_mem>>) src(%arg6 : memref<160x128xf32, #tpu.memory_space<vmem>>) dst(%dma_wait3A_50 : memref<160x128xf32, #tpu.memory_space<vmem_shared>>)
      tpu.yield
    }) : () -> ()
    %mul3A_14 = arith.constant 640 : i32
    %mul3A_15 = arith.muli %arg1, %mul3A_14 : i32
    %add3A_16 = arith.constant 320 : i32
    %add3A_17 = arith.addi %mul3A_15, %add3A_16 : i32
    "tpu.region"() ({
      %run_scoped3A = tpu.sem_alloc : memref<!tpu.dma_semaphore, #tpu.memory_space<semaphore_mem>>
      %dma_start3A = arith.constant 0 : i32
      %dma_start3A_45 = tpu.memref_slice %arg13[%add3A_17, %dma_start3A] : memref<10240x128xf32, #tpu.memory_space<vmem_shared>> -> memref<160x128xf32, #tpu.memory_space<vmem_shared>>
      %dma_start3A_46 = arith.constant 0 : i32
      %dma_start3A_47 = tpu.memref_slice %arg13[%add3A_17, %dma_start3A_46] : memref<10240x128xf32, #tpu.memory_space<vmem_shared>> -> memref<160x128xf32, #tpu.memory_space<vmem_shared>>
      tpu.enqueue_dma source(%arg6 : memref<160x128xf32, #tpu.memory_space<vmem>>) target(%dma_start3A_47 : memref<160x128xf32, #tpu.memory_space<vmem_shared>>) target_semaphore(%run_scoped3A : memref<!tpu.dma_semaphore, #tpu.memory_space<semaphore_mem>>)
      %dma_wait3A = arith.constant 0 : i32
      %dma_wait3A_48 = tpu.memref_slice %arg13[%add3A_17, %dma_wait3A] : memref<10240x128xf32, #tpu.memory_space<vmem_shared>> -> memref<160x128xf32, #tpu.memory_space<vmem_shared>>
      %dma_wait3A_49 = arith.constant 0 : i32
      %dma_wait3A_50 = tpu.memref_slice %arg13[%add3A_17, %dma_wait3A_49] : memref<10240x128xf32, #tpu.memory_space<vmem_shared>> -> memref<160x128xf32, #tpu.memory_space<vmem_shared>>
      tpu.wait_dma2 semaphore(%run_scoped3A : memref<!tpu.dma_semaphore, #tpu.memory_space<semaphore_mem>>) src(%arg6 : memref<160x128xf32, #tpu.memory_space<vmem>>) dst(%dma_wait3A_50 : memref<160x128xf32, #tpu.memory_space<vmem_shared>>)
      tpu.yield
    }) : () -> ()
    %mul3A_18 = arith.constant 640 : i32
    %mul3A_19 = arith.muli %arg1, %mul3A_18 : i32
    %add3A_20 = arith.constant 480 : i32
    %add3A_21 = arith.addi %mul3A_19, %add3A_20 : i32
    "tpu.region"() ({
      %run_scoped3A = tpu.sem_alloc : memref<!tpu.dma_semaphore, #tpu.memory_space<semaphore_mem>>
      %dma_start3A = arith.constant 0 : i32
      %dma_start3A_45 = tpu.memref_slice %arg13[%add3A_21, %dma_start3A] : memref<10240x128xf32, #tpu.memory_space<vmem_shared>> -> memref<160x128xf32, #tpu.memory_space<vmem_shared>>
      %dma_start3A_46 = arith.constant 0 : i32
      %dma_start3A_47 = tpu.memref_slice %arg13[%add3A_21, %dma_start3A_46] : memref<10240x128xf32, #tpu.memory_space<vmem_shared>> -> memref<160x128xf32, #tpu.memory_space<vmem_shared>>
      tpu.enqueue_dma source(%arg6 : memref<160x128xf32, #tpu.memory_space<vmem>>) target(%dma_start3A_47 : memref<160x128xf32, #tpu.memory_space<vmem_shared>>) target_semaphore(%run_scoped3A : memref<!tpu.dma_semaphore, #tpu.memory_space<semaphore_mem>>)
      %dma_wait3A = arith.constant 0 : i32
      %dma_wait3A_48 = tpu.memref_slice %arg13[%add3A_21, %dma_wait3A] : memref<10240x128xf32, #tpu.memory_space<vmem_shared>> -> memref<160x128xf32, #tpu.memory_space<vmem_shared>>
      %dma_wait3A_49 = arith.constant 0 : i32
      %dma_wait3A_50 = tpu.memref_slice %arg13[%add3A_21, %dma_wait3A_49] : memref<10240x128xf32, #tpu.memory_space<vmem_shared>> -> memref<160x128xf32, #tpu.memory_space<vmem_shared>>
      tpu.wait_dma2 semaphore(%run_scoped3A : memref<!tpu.dma_semaphore, #tpu.memory_space<semaphore_mem>>) src(%arg6 : memref<160x128xf32, #tpu.memory_space<vmem>>) dst(%dma_wait3A_50 : memref<160x128xf32, #tpu.memory_space<vmem_shared>>)
      tpu.yield
    }) : () -> ()
    %barrier3A = arith.constant 0 : index
    tpu.barrier barrier_id(%barrier3A)
    %scan3A_22 = arith.constant 0 : i32
    %scan3A_23 = arith.constant 0 : i32
    %scan3A_24 = arith.constant 25 : i32
    %scan3A_25 = arith.addi %scan3A_23, %scan3A_24 : i32
    %scan3A_26 = arith.constant 1 : i32
    scf.for %scan3A_45 = %scan3A_23 to %scan3A_25 step %scan3A_26  : i32 {
      %mul3A_46 = arith.constant 10000 : i32
      %mul3A_47 = arith.muli %add3A, %mul3A_46 : i32
      %mul3A_48 = arith.constant 5 : i32
      %mul3A_49 = arith.muli %scan3A_45, %mul3A_48 : i32
      %add3A_50 = arith.constant 0 : i32
      %add3A_51 = arith.addi %mul3A_49, %add3A_50 : i32
      %mul3A_52 = arith.constant 80 : i32
      %mul3A_53 = arith.muli %add3A_51, %mul3A_52 : i32
      %add3A_54 = arith.addi %mul3A_47, %mul3A_53 : i32
      "tpu.region"() ({
        %run_scoped3A = tpu.sem_alloc : memref<!tpu.dma_semaphore, #tpu.memory_space<semaphore_mem>>
        %dma_start3A_149 = tpu.memref_slice %arg2[%add3A_54] : memref<320000xi32, #tpu.memory_space<hbm>> -> memref<80xi32, #tpu.memory_space<hbm>>
        %dma_start3A_150 = tpu.memref_slice %arg2[%add3A_54] : memref<320000xi32, #tpu.memory_space<hbm>> -> memref<80xi32, #tpu.memory_space<hbm>>
        tpu.enqueue_dma source(%dma_start3A_150 : memref<80xi32, #tpu.memory_space<hbm>>) target(%arg7 : memref<80xi32, #tpu.memory_space<vmem>>) target_semaphore(%run_scoped3A : memref<!tpu.dma_semaphore, #tpu.memory_space<semaphore_mem>>)
        %dma_wait3A_151 = tpu.memref_slice %arg2[%add3A_54] : memref<320000xi32, #tpu.memory_space<hbm>> -> memref<80xi32, #tpu.memory_space<hbm>>
        %dma_wait3A_152 = tpu.memref_slice %arg2[%add3A_54] : memref<320000xi32, #tpu.memory_space<hbm>> -> memref<80xi32, #tpu.memory_space<hbm>>
        tpu.wait_dma2 semaphore(%run_scoped3A : memref<!tpu.dma_semaphore, #tpu.memory_space<semaphore_mem>>) src(%dma_wait3A_152 : memref<80xi32, #tpu.memory_space<hbm>>) dst(%arg7 : memref<80xi32, #tpu.memory_space<vmem>>)
        tpu.yield
      }) : () -> ()
      "tpu.region"() ({
        %run_scoped3A = tpu.sem_alloc : memref<!tpu.dma_semaphore, #tpu.memory_space<semaphore_mem>>
        %dma_start3A_149 = tpu.memref_slice %arg3[%add3A_54] : memref<320000xi32, #tpu.memory_space<hbm>> -> memref<80xi32, #tpu.memory_space<hbm>>
        %dma_start3A_150 = tpu.memref_slice %arg3[%add3A_54] : memref<320000xi32, #tpu.memory_space<hbm>> -> memref<80xi32, #tpu.memory_space<hbm>>
        tpu.enqueue_dma source(%dma_start3A_150 : memref<80xi32, #tpu.memory_space<hbm>>) target(%arg8 : memref<80xi32, #tpu.memory_space<vmem>>) target_semaphore(%run_scoped3A : memref<!tpu.dma_semaphore, #tpu.memory_space<semaphore_mem>>)
        %dma_wait3A_151 = tpu.memref_slice %arg3[%add3A_54] : memref<320000xi32, #tpu.memory_space<hbm>> -> memref<80xi32, #tpu.memory_space<hbm>>
        %dma_wait3A_152 = tpu.memref_slice %arg3[%add3A_54] : memref<320000xi32, #tpu.memory_space<hbm>> -> memref<80xi32, #tpu.memory_space<hbm>>
        tpu.wait_dma2 semaphore(%run_scoped3A : memref<!tpu.dma_semaphore, #tpu.memory_space<semaphore_mem>>) src(%dma_wait3A_152 : memref<80xi32, #tpu.memory_space<hbm>>) dst(%arg8 : memref<80xi32, #tpu.memory_space<vmem>>)
        tpu.yield
      }) : () -> ()
      %dma_start3A = arith.constant 0 : i32
      %dma_start3A_55 = arith.constant 0 : i32
      %dma_start3A_56 = tpu.memref_slice %arg4[%dma_start3A, %dma_start3A_55] : memref<10000x128xf32, #tpu.memory_space<hbm>> -> memref<10000x128xf32, #tpu.memory_space<hbm>>
      tpu.enqueue_indirect_dma source(%dma_start3A_56 : memref<10000x128xf32, #tpu.memory_space<hbm>>) target(%arg9 : memref<80x128xf32, #tpu.memory_space<vmem>>) offsets(%arg7 : memref<80xi32, #tpu.memory_space<vmem>>) semaphore(%arg14 : memref<!tpu.dma_semaphore, #tpu.memory_space<semaphore_mem>>)
      %mul3A_57 = arith.constant 10000 : i32
      %mul3A_58 = arith.muli %add3A, %mul3A_57 : i32
      %mul3A_59 = arith.constant 5 : i32
      %mul3A_60 = arith.muli %scan3A_45, %mul3A_59 : i32
      %add3A_61 = arith.constant 1 : i32
      %add3A_62 = arith.addi %mul3A_60, %add3A_61 : i32
      %mul3A_63 = arith.constant 80 : i32
      %mul3A_64 = arith.muli %add3A_62, %mul3A_63 : i32
      %add3A_65 = arith.addi %mul3A_58, %mul3A_64 : i32
      "tpu.region"() ({
        %run_scoped3A = tpu.sem_alloc : memref<!tpu.dma_semaphore, #tpu.memory_space<semaphore_mem>>
        %dma_start3A_149 = tpu.memref_slice %arg2[%add3A_65] : memref<320000xi32, #tpu.memory_space<hbm>> -> memref<80xi32, #tpu.memory_space<hbm>>
        %dma_start3A_150 = tpu.memref_slice %arg2[%add3A_65] : memref<320000xi32, #tpu.memory_space<hbm>> -> memref<80xi32, #tpu.memory_space<hbm>>
        tpu.enqueue_dma source(%dma_start3A_150 : memref<80xi32, #tpu.memory_space<hbm>>) target(%arg10 : memref<80xi32, #tpu.memory_space<vmem>>) target_semaphore(%run_scoped3A : memref<!tpu.dma_semaphore, #tpu.memory_space<semaphore_mem>>)
        %dma_wait3A_151 = tpu.memref_slice %arg2[%add3A_65] : memref<320000xi32, #tpu.memory_space<hbm>> -> memref<80xi32, #tpu.memory_space<hbm>>
        %dma_wait3A_152 = tpu.memref_slice %arg2[%add3A_65] : memref<320000xi32, #tpu.memory_space<hbm>> -> memref<80xi32, #tpu.memory_space<hbm>>
        tpu.wait_dma2 semaphore(%run_scoped3A : memref<!tpu.dma_semaphore, #tpu.memory_space<semaphore_mem>>) src(%dma_wait3A_152 : memref<80xi32, #tpu.memory_space<hbm>>) dst(%arg10 : memref<80xi32, #tpu.memory_space<vmem>>)
        tpu.yield
      }) : () -> ()
      "tpu.region"() ({
        %run_scoped3A = tpu.sem_alloc : memref<!tpu.dma_semaphore, #tpu.memory_space<semaphore_mem>>
        %dma_start3A_149 = tpu.memref_slice %arg3[%add3A_65] : memref<320000xi32, #tpu.memory_space<hbm>> -> memref<80xi32, #tpu.memory_space<hbm>>
        %dma_start3A_150 = tpu.memref_slice %arg3[%add3A_65] : memref<320000xi32, #tpu.memory_space<hbm>> -> memref<80xi32, #tpu.memory_space<hbm>>
        tpu.enqueue_dma source(%dma_start3A_150 : memref<80xi32, #tpu.memory_space<hbm>>) target(%arg11 : memref<80xi32, #tpu.memory_space<vmem>>) target_semaphore(%run_scoped3A : memref<!tpu.dma_semaphore, #tpu.memory_space<semaphore_mem>>)
        %dma_wait3A_151 = tpu.memref_slice %arg3[%add3A_65] : memref<320000xi32, #tpu.memory_space<hbm>> -> memref<80xi32, #tpu.memory_space<hbm>>
        %dma_wait3A_152 = tpu.memref_slice %arg3[%add3A_65] : memref<320000xi32, #tpu.memory_space<hbm>> -> memref<80xi32, #tpu.memory_space<hbm>>
        tpu.wait_dma2 semaphore(%run_scoped3A : memref<!tpu.dma_semaphore, #tpu.memory_space<semaphore_mem>>) src(%dma_wait3A_152 : memref<80xi32, #tpu.memory_space<hbm>>) dst(%arg11 : memref<80xi32, #tpu.memory_space<vmem>>)
        tpu.yield
      }) : () -> ()
      %dma_start3A_66 = arith.constant 0 : i32
      %dma_start3A_67 = arith.constant 0 : i32
      %dma_start3A_68 = tpu.memref_slice %arg4[%dma_start3A_66, %dma_start3A_67] : memref<10000x128xf32, #tpu.memory_space<hbm>> -> memref<10000x128xf32, #tpu.memory_space<hbm>>
      tpu.enqueue_indirect_dma source(%dma_start3A_68 : memref<10000x128xf32, #tpu.memory_space<hbm>>) target(%arg12 : memref<80x128xf32, #tpu.memory_space<vmem>>) offsets(%arg10 : memref<80xi32, #tpu.memory_space<vmem>>) semaphore(%arg15 : memref<!tpu.dma_semaphore, #tpu.memory_space<semaphore_mem>>)
      %dma_wait3A = arith.constant 0 : i32
      %dma_wait3A_69 = arith.constant 0 : i32
      %dma_wait3A_70 = tpu.memref_slice %arg4[%dma_wait3A, %dma_wait3A_69] : memref<10000x128xf32, #tpu.memory_space<hbm>> -> memref<10000x128xf32, #tpu.memory_space<hbm>>
      tpu.wait_indirect_dma semaphore(%arg14 : memref<!tpu.dma_semaphore, #tpu.memory_space<semaphore_mem>>) src(%dma_wait3A_70 : memref<10000x128xf32, #tpu.memory_space<hbm>>) dst(%arg9 : memref<80x128xf32, #tpu.memory_space<vmem>>)
      %dma_start3A_71 = arith.constant 0 : i32
      %dma_start3A_72 = arith.constant 0 : i32
      %dma_start3A_73 = tpu.memref_slice %arg13[%dma_start3A_71, %dma_start3A_72] : memref<10240x128xf32, #tpu.memory_space<vmem_shared>> -> memref<10240x128xf32, #tpu.memory_space<vmem_shared>>
      tpu.enqueue_indirect_dma source(%arg9 : memref<80x128xf32, #tpu.memory_space<vmem>>) target(%dma_start3A_73 : memref<10240x128xf32, #tpu.memory_space<vmem_shared>>) offsets(%arg8 : memref<80xi32, #tpu.memory_space<vmem>>) semaphore(%arg16 : memref<!tpu.dma_semaphore, #tpu.memory_space<semaphore_mem>>) {add = true}
      %dma_wait3A_74 = arith.constant 0 : i32
      %dma_wait3A_75 = arith.constant 0 : i32
      %dma_wait3A_76 = tpu.memref_slice %arg13[%dma_wait3A_74, %dma_wait3A_75] : memref<10240x128xf32, #tpu.memory_space<vmem_shared>> -> memref<10240x128xf32, #tpu.memory_space<vmem_shared>>
      tpu.wait_indirect_dma semaphore(%arg16 : memref<!tpu.dma_semaphore, #tpu.memory_space<semaphore_mem>>) src(%arg9 : memref<80x128xf32, #tpu.memory_space<vmem>>) dst(%dma_wait3A_76 : memref<10240x128xf32, #tpu.memory_space<vmem_shared>>)
      %mul3A_77 = arith.constant 10000 : i32
      %mul3A_78 = arith.muli %add3A, %mul3A_77 : i32
      %mul3A_79 = arith.constant 5 : i32
      %mul3A_80 = arith.muli %scan3A_45, %mul3A_79 : i32
      %add3A_81 = arith.constant 2 : i32
      %add3A_82 = arith.addi %mul3A_80, %add3A_81 : i32
      %mul3A_83 = arith.constant 80 : i32
      %mul3A_84 = arith.muli %add3A_82, %mul3A_83 : i32
      %add3A_85 = arith.addi %mul3A_78, %mul3A_84 : i32
      "tpu.region"() ({
        %run_scoped3A = tpu.sem_alloc : memref<!tpu.dma_semaphore, #tpu.memory_space<semaphore_mem>>
        %dma_start3A_149 = tpu.memref_slice %arg2[%add3A_85] : memref<320000xi32, #tpu.memory_space<hbm>> -> memref<80xi32, #tpu.memory_space<hbm>>
        %dma_start3A_150 = tpu.memref_slice %arg2[%add3A_85] : memref<320000xi32, #tpu.memory_space<hbm>> -> memref<80xi32, #tpu.memory_space<hbm>>
        tpu.enqueue_dma source(%dma_start3A_150 : memref<80xi32, #tpu.memory_space<hbm>>) target(%arg7 : memref<80xi32, #tpu.memory_space<vmem>>) target_semaphore(%run_scoped3A : memref<!tpu.dma_semaphore, #tpu.memory_space<semaphore_mem>>)
        %dma_wait3A_151 = tpu.memref_slice %arg2[%add3A_85] : memref<320000xi32, #tpu.memory_space<hbm>> -> memref<80xi32, #tpu.memory_space<hbm>>
        %dma_wait3A_152 = tpu.memref_slice %arg2[%add3A_85] : memref<320000xi32, #tpu.memory_space<hbm>> -> memref<80xi32, #tpu.memory_space<hbm>>
        tpu.wait_dma2 semaphore(%run_scoped3A : memref<!tpu.dma_semaphore, #tpu.memory_space<semaphore_mem>>) src(%dma_wait3A_152 : memref<80xi32, #tpu.memory_space<hbm>>) dst(%arg7 : memref<80xi32, #tpu.memory_space<vmem>>)
        tpu.yield
      }) : () -> ()
      "tpu.region"() ({
        %run_scoped3A = tpu.sem_alloc : memref<!tpu.dma_semaphore, #tpu.memory_space<semaphore_mem>>
        %dma_start3A_149 = tpu.memref_slice %arg3[%add3A_85] : memref<320000xi32, #tpu.memory_space<hbm>> -> memref<80xi32, #tpu.memory_space<hbm>>
        %dma_start3A_150 = tpu.memref_slice %arg3[%add3A_85] : memref<320000xi32, #tpu.memory_space<hbm>> -> memref<80xi32, #tpu.memory_space<hbm>>
        tpu.enqueue_dma source(%dma_start3A_150 : memref<80xi32, #tpu.memory_space<hbm>>) target(%arg8 : memref<80xi32, #tpu.memory_space<vmem>>) target_semaphore(%run_scoped3A : memref<!tpu.dma_semaphore, #tpu.memory_space<semaphore_mem>>)
        %dma_wait3A_151 = tpu.memref_slice %arg3[%add3A_85] : memref<320000xi32, #tpu.memory_space<hbm>> -> memref<80xi32, #tpu.memory_space<hbm>>
        %dma_wait3A_152 = tpu.memref_slice %arg3[%add3A_85] : memref<320000xi32, #tpu.memory_space<hbm>> -> memref<80xi32, #tpu.memory_space<hbm>>
        tpu.wait_dma2 semaphore(%run_scoped3A : memref<!tpu.dma_semaphore, #tpu.memory_space<semaphore_mem>>) src(%dma_wait3A_152 : memref<80xi32, #tpu.memory_space<hbm>>) dst(%arg8 : memref<80xi32, #tpu.memory_space<vmem>>)
        tpu.yield
      }) : () -> ()
      %dma_start3A_86 = arith.constant 0 : i32
      %dma_start3A_87 = arith.constant 0 : i32
      %dma_start3A_88 = tpu.memref_slice %arg4[%dma_start3A_86, %dma_start3A_87] : memref<10000x128xf32, #tpu.memory_space<hbm>> -> memref<10000x128xf32, #tpu.memory_space<hbm>>
      tpu.enqueue_indirect_dma source(%dma_start3A_88 : memref<10000x128xf32, #tpu.memory_space<hbm>>) target(%arg9 : memref<80x128xf32, #tpu.memory_space<vmem>>) offsets(%arg7 : memref<80xi32, #tpu.memory_space<vmem>>) semaphore(%arg14 : memref<!tpu.dma_semaphore, #tpu.memory_space<semaphore_mem>>)
      %dma_wait3A_89 = arith.constant 0 : i32
      %dma_wait3A_90 = arith.constant 0 : i32
      %dma_wait3A_91 = tpu.memref_slice %arg4[%dma_wait3A_89, %dma_wait3A_90] : memref<10000x128xf32, #tpu.memory_space<hbm>> -> memref<10000x128xf32, #tpu.memory_space<hbm>>
      tpu.wait_indirect_dma semaphore(%arg15 : memref<!tpu.dma_semaphore, #tpu.memory_space<semaphore_mem>>) src(%dma_wait3A_91 : memref<10000x128xf32, #tpu.memory_space<hbm>>) dst(%arg12 : memref<80x128xf32, #tpu.memory_space<vmem>>)
      %dma_start3A_92 = arith.constant 0 : i32
      %dma_start3A_93 = arith.constant 0 : i32
      %dma_start3A_94 = tpu.memref_slice %arg13[%dma_start3A_92, %dma_start3A_93] : memref<10240x128xf32, #tpu.memory_space<vmem_shared>> -> memref<10240x128xf32, #tpu.memory_space<vmem_shared>>
      tpu.enqueue_indirect_dma source(%arg12 : memref<80x128xf32, #tpu.memory_space<vmem>>) target(%dma_start3A_94 : memref<10240x128xf32, #tpu.memory_space<vmem_shared>>) offsets(%arg11 : memref<80xi32, #tpu.memory_space<vmem>>) semaphore(%arg17 : memref<!tpu.dma_semaphore, #tpu.memory_space<semaphore_mem>>) {add = true}
      %dma_wait3A_95 = arith.constant 0 : i32
      %dma_wait3A_96 = arith.constant 0 : i32
      %dma_wait3A_97 = tpu.memref_slice %arg13[%dma_wait3A_95, %dma_wait3A_96] : memref<10240x128xf32, #tpu.memory_space<vmem_shared>> -> memref<10240x128xf32, #tpu.memory_space<vmem_shared>>
      tpu.wait_indirect_dma semaphore(%arg17 : memref<!tpu.dma_semaphore, #tpu.memory_space<semaphore_mem>>) src(%arg12 : memref<80x128xf32, #tpu.memory_space<vmem>>) dst(%dma_wait3A_97 : memref<10240x128xf32, #tpu.memory_space<vmem_shared>>)
      %mul3A_98 = arith.constant 10000 : i32
      %mul3A_99 = arith.muli %add3A, %mul3A_98 : i32
      %mul3A_100 = arith.constant 5 : i32
      %mul3A_101 = arith.muli %scan3A_45, %mul3A_100 : i32
      %add3A_102 = arith.constant 3 : i32
      %add3A_103 = arith.addi %mul3A_101, %add3A_102 : i32
      %mul3A_104 = arith.constant 80 : i32
      %mul3A_105 = arith.muli %add3A_103, %mul3A_104 : i32
      %add3A_106 = arith.addi %mul3A_99, %mul3A_105 : i32
      "tpu.region"() ({
        %run_scoped3A = tpu.sem_alloc : memref<!tpu.dma_semaphore, #tpu.memory_space<semaphore_mem>>
        %dma_start3A_149 = tpu.memref_slice %arg2[%add3A_106] : memref<320000xi32, #tpu.memory_space<hbm>> -> memref<80xi32, #tpu.memory_space<hbm>>
        %dma_start3A_150 = tpu.memref_slice %arg2[%add3A_106] : memref<320000xi32, #tpu.memory_space<hbm>> -> memref<80xi32, #tpu.memory_space<hbm>>
        tpu.enqueue_dma source(%dma_start3A_150 : memref<80xi32, #tpu.memory_space<hbm>>) target(%arg10 : memref<80xi32, #tpu.memory_space<vmem>>) target_semaphore(%run_scoped3A : memref<!tpu.dma_semaphore, #tpu.memory_space<semaphore_mem>>)
        %dma_wait3A_151 = tpu.memref_slice %arg2[%add3A_106] : memref<320000xi32, #tpu.memory_space<hbm>> -> memref<80xi32, #tpu.memory_space<hbm>>
        %dma_wait3A_152 = tpu.memref_slice %arg2[%add3A_106] : memref<320000xi32, #tpu.memory_space<hbm>> -> memref<80xi32, #tpu.memory_space<hbm>>
        tpu.wait_dma2 semaphore(%run_scoped3A : memref<!tpu.dma_semaphore, #tpu.memory_space<semaphore_mem>>) src(%dma_wait3A_152 : memref<80xi32, #tpu.memory_space<hbm>>) dst(%arg10 : memref<80xi32, #tpu.memory_space<vmem>>)
        tpu.yield
      }) : () -> ()
      "tpu.region"() ({
        %run_scoped3A = tpu.sem_alloc : memref<!tpu.dma_semaphore, #tpu.memory_space<semaphore_mem>>
        %dma_start3A_149 = tpu.memref_slice %arg3[%add3A_106] : memref<320000xi32, #tpu.memory_space<hbm>> -> memref<80xi32, #tpu.memory_space<hbm>>
        %dma_start3A_150 = tpu.memref_slice %arg3[%add3A_106] : memref<320000xi32, #tpu.memory_space<hbm>> -> memref<80xi32, #tpu.memory_space<hbm>>
        tpu.enqueue_dma source(%dma_start3A_150 : memref<80xi32, #tpu.memory_space<hbm>>) target(%arg11 : memref<80xi32, #tpu.memory_space<vmem>>) target_semaphore(%run_scoped3A : memref<!tpu.dma_semaphore, #tpu.memory_space<semaphore_mem>>)
        %dma_wait3A_151 = tpu.memref_slice %arg3[%add3A_106] : memref<320000xi32, #tpu.memory_space<hbm>> -> memref<80xi32, #tpu.memory_space<hbm>>
        %dma_wait3A_152 = tpu.memref_slice %arg3[%add3A_106] : memref<320000xi32, #tpu.memory_space<hbm>> -> memref<80xi32, #tpu.memory_space<hbm>>
        tpu.wait_dma2 semaphore(%run_scoped3A : memref<!tpu.dma_semaphore, #tpu.memory_space<semaphore_mem>>) src(%dma_wait3A_152 : memref<80xi32, #tpu.memory_space<hbm>>) dst(%arg11 : memref<80xi32, #tpu.memory_space<vmem>>)
        tpu.yield
      }) : () -> ()
      %dma_start3A_107 = arith.constant 0 : i32
      %dma_start3A_108 = arith.constant 0 : i32
      %dma_start3A_109 = tpu.memref_slice %arg4[%dma_start3A_107, %dma_start3A_108] : memref<10000x128xf32, #tpu.memory_space<hbm>> -> memref<10000x128xf32, #tpu.memory_space<hbm>>
      tpu.enqueue_indirect_dma source(%dma_start3A_109 : memref<10000x128xf32, #tpu.memory_space<hbm>>) target(%arg12 : memref<80x128xf32, #tpu.memory_space<vmem>>) offsets(%arg10 : memref<80xi32, #tpu.memory_space<vmem>>) semaphore(%arg15 : memref<!tpu.dma_semaphore, #tpu.memory_space<semaphore_mem>>)
      %dma_wait3A_110 = arith.constant 0 : i32
      %dma_wait3A_111 = arith.constant 0 : i32
      %dma_wait3A_112 = tpu.memref_slice %arg4[%dma_wait3A_110, %dma_wait3A_111] : memref<10000x128xf32, #tpu.memory_space<hbm>> -> memref<10000x128xf32, #tpu.memory_space<hbm>>
      tpu.wait_indirect_dma semaphore(%arg14 : memref<!tpu.dma_semaphore, #tpu.memory_space<semaphore_mem>>) src(%dma_wait3A_112 : memref<10000x128xf32, #tpu.memory_space<hbm>>) dst(%arg9 : memref<80x128xf32, #tpu.memory_space<vmem>>)
      %dma_start3A_113 = arith.constant 0 : i32
      %dma_start3A_114 = arith.constant 0 : i32
      %dma_start3A_115 = tpu.memref_slice %arg13[%dma_start3A_113, %dma_start3A_114] : memref<10240x128xf32, #tpu.memory_space<vmem_shared>> -> memref<10240x128xf32, #tpu.memory_space<vmem_shared>>
      tpu.enqueue_indirect_dma source(%arg9 : memref<80x128xf32, #tpu.memory_space<vmem>>) target(%dma_start3A_115 : memref<10240x128xf32, #tpu.memory_space<vmem_shared>>) offsets(%arg8 : memref<80xi32, #tpu.memory_space<vmem>>) semaphore(%arg16 : memref<!tpu.dma_semaphore, #tpu.memory_space<semaphore_mem>>) {add = true}
      %dma_wait3A_116 = arith.constant 0 : i32
      %dma_wait3A_117 = arith.constant 0 : i32
      %dma_wait3A_118 = tpu.memref_slice %arg13[%dma_wait3A_116, %dma_wait3A_117] : memref<10240x128xf32, #tpu.memory_space<vmem_shared>> -> memref<10240x128xf32, #tpu.memory_space<vmem_shared>>
      tpu.wait_indirect_dma semaphore(%arg16 : memref<!tpu.dma_semaphore, #tpu.memory_space<semaphore_mem>>) src(%arg9 : memref<80x128xf32, #tpu.memory_space<vmem>>) dst(%dma_wait3A_118 : memref<10240x128xf32, #tpu.memory_space<vmem_shared>>)
      %mul3A_119 = arith.constant 10000 : i32
      %mul3A_120 = arith.muli %add3A, %mul3A_119 : i32
      %mul3A_121 = arith.constant 5 : i32
      %mul3A_122 = arith.muli %scan3A_45, %mul3A_121 : i32
      %add3A_123 = arith.constant 4 : i32
      %add3A_124 = arith.addi %mul3A_122, %add3A_123 : i32
      %mul3A_125 = arith.constant 80 : i32
      %mul3A_126 = arith.muli %add3A_124, %mul3A_125 : i32
      %add3A_127 = arith.addi %mul3A_120, %mul3A_126 : i32
      "tpu.region"() ({
        %run_scoped3A = tpu.sem_alloc : memref<!tpu.dma_semaphore, #tpu.memory_space<semaphore_mem>>
        %dma_start3A_149 = tpu.memref_slice %arg2[%add3A_127] : memref<320000xi32, #tpu.memory_space<hbm>> -> memref<80xi32, #tpu.memory_space<hbm>>
        %dma_start3A_150 = tpu.memref_slice %arg2[%add3A_127] : memref<320000xi32, #tpu.memory_space<hbm>> -> memref<80xi32, #tpu.memory_space<hbm>>
        tpu.enqueue_dma source(%dma_start3A_150 : memref<80xi32, #tpu.memory_space<hbm>>) target(%arg7 : memref<80xi32, #tpu.memory_space<vmem>>) target_semaphore(%run_scoped3A : memref<!tpu.dma_semaphore, #tpu.memory_space<semaphore_mem>>)
        %dma_wait3A_151 = tpu.memref_slice %arg2[%add3A_127] : memref<320000xi32, #tpu.memory_space<hbm>> -> memref<80xi32, #tpu.memory_space<hbm>>
        %dma_wait3A_152 = tpu.memref_slice %arg2[%add3A_127] : memref<320000xi32, #tpu.memory_space<hbm>> -> memref<80xi32, #tpu.memory_space<hbm>>
        tpu.wait_dma2 semaphore(%run_scoped3A : memref<!tpu.dma_semaphore, #tpu.memory_space<semaphore_mem>>) src(%dma_wait3A_152 : memref<80xi32, #tpu.memory_space<hbm>>) dst(%arg7 : memref<80xi32, #tpu.memory_space<vmem>>)
        tpu.yield
      }) : () -> ()
      "tpu.region"() ({
        %run_scoped3A = tpu.sem_alloc : memref<!tpu.dma_semaphore, #tpu.memory_space<semaphore_mem>>
        %dma_start3A_149 = tpu.memref_slice %arg3[%add3A_127] : memref<320000xi32, #tpu.memory_space<hbm>> -> memref<80xi32, #tpu.memory_space<hbm>>
        %dma_start3A_150 = tpu.memref_slice %arg3[%add3A_127] : memref<320000xi32, #tpu.memory_space<hbm>> -> memref<80xi32, #tpu.memory_space<hbm>>
        tpu.enqueue_dma source(%dma_start3A_150 : memref<80xi32, #tpu.memory_space<hbm>>) target(%arg8 : memref<80xi32, #tpu.memory_space<vmem>>) target_semaphore(%run_scoped3A : memref<!tpu.dma_semaphore, #tpu.memory_space<semaphore_mem>>)
        %dma_wait3A_151 = tpu.memref_slice %arg3[%add3A_127] : memref<320000xi32, #tpu.memory_space<hbm>> -> memref<80xi32, #tpu.memory_space<hbm>>
        %dma_wait3A_152 = tpu.memref_slice %arg3[%add3A_127] : memref<320000xi32, #tpu.memory_space<hbm>> -> memref<80xi32, #tpu.memory_space<hbm>>
        tpu.wait_dma2 semaphore(%run_scoped3A : memref<!tpu.dma_semaphore, #tpu.memory_space<semaphore_mem>>) src(%dma_wait3A_152 : memref<80xi32, #tpu.memory_space<hbm>>) dst(%arg8 : memref<80xi32, #tpu.memory_space<vmem>>)
        tpu.yield
      }) : () -> ()
      %dma_start3A_128 = arith.constant 0 : i32
      %dma_start3A_129 = arith.constant 0 : i32
      %dma_start3A_130 = tpu.memref_slice %arg4[%dma_start3A_128, %dma_start3A_129] : memref<10000x128xf32, #tpu.memory_space<hbm>> -> memref<10000x128xf32, #tpu.memory_space<hbm>>
      tpu.enqueue_indirect_dma source(%dma_start3A_130 : memref<10000x128xf32, #tpu.memory_space<hbm>>) target(%arg9 : memref<80x128xf32, #tpu.memory_space<vmem>>) offsets(%arg7 : memref<80xi32, #tpu.memory_space<vmem>>) semaphore(%arg14 : memref<!tpu.dma_semaphore, #tpu.memory_space<semaphore_mem>>)
      %dma_wait3A_131 = arith.constant 0 : i32
      %dma_wait3A_132 = arith.constant 0 : i32
      %dma_wait3A_133 = tpu.memref_slice %arg4[%dma_wait3A_131, %dma_wait3A_132] : memref<10000x128xf32, #tpu.memory_space<hbm>> -> memref<10000x128xf32, #tpu.memory_space<hbm>>
      tpu.wait_indirect_dma semaphore(%arg15 : memref<!tpu.dma_semaphore, #tpu.memory_space<semaphore_mem>>) src(%dma_wait3A_133 : memref<10000x128xf32, #tpu.memory_space<hbm>>) dst(%arg12 : memref<80x128xf32, #tpu.memory_space<vmem>>)
      %dma_start3A_134 = arith.constant 0 : i32
      %dma_start3A_135 = arith.constant 0 : i32
      %dma_start3A_136 = tpu.memref_slice %arg13[%dma_start3A_134, %dma_start3A_135] : memref<10240x128xf32, #tpu.memory_space<vmem_shared>> -> memref<10240x128xf32, #tpu.memory_space<vmem_shared>>
      tpu.enqueue_indirect_dma source(%arg12 : memref<80x128xf32, #tpu.memory_space<vmem>>) target(%dma_start3A_136 : memref<10240x128xf32, #tpu.memory_space<vmem_shared>>) offsets(%arg11 : memref<80xi32, #tpu.memory_space<vmem>>) semaphore(%arg17 : memref<!tpu.dma_semaphore, #tpu.memory_space<semaphore_mem>>) {add = true}
      %dma_wait3A_137 = arith.constant 0 : i32
      %dma_wait3A_138 = arith.constant 0 : i32
      %dma_wait3A_139 = tpu.memref_slice %arg4[%dma_wait3A_137, %dma_wait3A_138] : memref<10000x128xf32, #tpu.memory_space<hbm>> -> memref<10000x128xf32, #tpu.memory_space<hbm>>
      tpu.wait_indirect_dma semaphore(%arg14 : memref<!tpu.dma_semaphore, #tpu.memory_space<semaphore_mem>>) src(%dma_wait3A_139 : memref<10000x128xf32, #tpu.memory_space<hbm>>) dst(%arg9 : memref<80x128xf32, #tpu.memory_space<vmem>>)
      %dma_wait3A_140 = arith.constant 0 : i32
      %dma_wait3A_141 = arith.constant 0 : i32
      %dma_wait3A_142 = tpu.memref_slice %arg13[%dma_wait3A_140, %dma_wait3A_141] : memref<10240x128xf32, #tpu.memory_space<vmem_shared>> -> memref<10240x128xf32, #tpu.memory_space<vmem_shared>>
      tpu.wait_indirect_dma semaphore(%arg17 : memref<!tpu.dma_semaphore, #tpu.memory_space<semaphore_mem>>) src(%arg12 : memref<80x128xf32, #tpu.memory_space<vmem>>) dst(%dma_wait3A_142 : memref<10240x128xf32, #tpu.memory_space<vmem_shared>>)
      %dma_start3A_143 = arith.constant 0 : i32
      %dma_start3A_144 = arith.constant 0 : i32
      %dma_start3A_145 = tpu.memref_slice %arg13[%dma_start3A_143, %dma_start3A_144] : memref<10240x128xf32, #tpu.memory_space<vmem_shared>> -> memref<10240x128xf32, #tpu.memory_space<vmem_shared>>
      tpu.enqueue_indirect_dma source(%arg9 : memref<80x128xf32, #tpu.memory_space<vmem>>) target(%dma_start3A_145 : memref<10240x128xf32, #tpu.memory_space<vmem_shared>>) offsets(%arg8 : memref<80xi32, #tpu.memory_space<vmem>>) semaphore(%arg16 : memref<!tpu.dma_semaphore, #tpu.memory_space<semaphore_mem>>) {add = true}
      %dma_wait3A_146 = arith.constant 0 : i32
      %dma_wait3A_147 = arith.constant 0 : i32
      %dma_wait3A_148 = tpu.memref_slice %arg13[%dma_wait3A_146, %dma_wait3A_147] : memref<10240x128xf32, #tpu.memory_space<vmem_shared>> -> memref<10240x128xf32, #tpu.memory_space<vmem_shared>>
      tpu.wait_indirect_dma semaphore(%arg16 : memref<!tpu.dma_semaphore, #tpu.memory_space<semaphore_mem>>) src(%arg9 : memref<80x128xf32, #tpu.memory_space<vmem>>) dst(%dma_wait3A_148 : memref<10240x128xf32, #tpu.memory_space<vmem_shared>>)
    }
    %scan3A_27 = arith.constant 25 : i32
    %barrier3A_28 = arith.constant 0 : index
    tpu.barrier barrier_id(%barrier3A_28)
    %mul3A_29 = arith.constant 640 : i32
    %mul3A_30 = arith.muli %arg1, %mul3A_29 : i32
    %add3A_31 = arith.constant 0 : i32
    %add3A_32 = arith.addi %mul3A_30, %add3A_31 : i32
    "tpu.region"() ({
      %run_scoped3A = tpu.sem_alloc : memref<!tpu.dma_semaphore, #tpu.memory_space<semaphore_mem>>
      %dma_start3A = arith.constant 0 : i32
      %dma_start3A_45 = tpu.memref_slice %arg5[%arg0, %add3A_32, %dma_start3A] : memref<2x10240x128xf32, #tpu.memory_space<hbm>> -> memref<1x160x128xf32, #tpu.memory_space<hbm>>
      %dma_start3A_46 = tpu.memref_squeeze %dma_start3A_45 : memref<1x160x128xf32, #tpu.memory_space<hbm>> -> memref<160x128xf32, #tpu.memory_space<hbm>>
      %dma_start3A_47 = arith.constant 0 : i32
      %dma_start3A_48 = tpu.memref_slice %arg13[%add3A_32, %dma_start3A_47] : memref<10240x128xf32, #tpu.memory_space<vmem_shared>> -> memref<160x128xf32, #tpu.memory_space<vmem_shared>>
      tpu.enqueue_dma source(%dma_start3A_48 : memref<160x128xf32, #tpu.memory_space<vmem_shared>>) target(%dma_start3A_46 : memref<160x128xf32, #tpu.memory_space<hbm>>) target_semaphore(%run_scoped3A : memref<!tpu.dma_semaphore, #tpu.memory_space<semaphore_mem>>)
      %dma_wait3A = arith.constant 0 : i32
      %dma_wait3A_49 = tpu.memref_slice %arg5[%arg0, %add3A_32, %dma_wait3A] : memref<2x10240x128xf32, #tpu.memory_space<hbm>> -> memref<1x160x128xf32, #tpu.memory_space<hbm>>
      %dma_wait3A_50 = tpu.memref_squeeze %dma_wait3A_49 : memref<1x160x128xf32, #tpu.memory_space<hbm>> -> memref<160x128xf32, #tpu.memory_space<hbm>>
      %dma_wait3A_51 = arith.constant 0 : i32
      %dma_wait3A_52 = tpu.memref_slice %arg13[%add3A_32, %dma_wait3A_51] : memref<10240x128xf32, #tpu.memory_space<vmem_shared>> -> memref<160x128xf32, #tpu.memory_space<vmem_shared>>
      tpu.wait_dma2 semaphore(%run_scoped3A : memref<!tpu.dma_semaphore, #tpu.memory_space<semaphore_mem>>) src(%dma_wait3A_52 : memref<160x128xf32, #tpu.memory_space<vmem_shared>>) dst(%dma_wait3A_50 : memref<160x128xf32, #tpu.memory_space<hbm>>)
      tpu.yield
    }) : () -> ()
    %mul3A_33 = arith.constant 640 : i32
    %mul3A_34 = arith.muli %arg1, %mul3A_33 : i32
    %add3A_35 = arith.constant 160 : i32
    %add3A_36 = arith.addi %mul3A_34, %add3A_35 : i32
    "tpu.region"() ({
      %run_scoped3A = tpu.sem_alloc : memref<!tpu.dma_semaphore, #tpu.memory_space<semaphore_mem>>
      %dma_start3A = arith.constant 0 : i32
      %dma_start3A_45 = tpu.memref_slice %arg5[%arg0, %add3A_36, %dma_start3A] : memref<2x10240x128xf32, #tpu.memory_space<hbm>> -> memref<1x160x128xf32, #tpu.memory_space<hbm>>
      %dma_start3A_46 = tpu.memref_squeeze %dma_start3A_45 : memref<1x160x128xf32, #tpu.memory_space<hbm>> -> memref<160x128xf32, #tpu.memory_space<hbm>>
      %dma_start3A_47 = arith.constant 0 : i32
      %dma_start3A_48 = tpu.memref_slice %arg13[%add3A_36, %dma_start3A_47] : memref<10240x128xf32, #tpu.memory_space<vmem_shared>> -> memref<160x128xf32, #tpu.memory_space<vmem_shared>>
      tpu.enqueue_dma source(%dma_start3A_48 : memref<160x128xf32, #tpu.memory_space<vmem_shared>>) target(%dma_start3A_46 : memref<160x128xf32, #tpu.memory_space<hbm>>) target_semaphore(%run_scoped3A : memref<!tpu.dma_semaphore, #tpu.memory_space<semaphore_mem>>)
      %dma_wait3A = arith.constant 0 : i32
      %dma_wait3A_49 = tpu.memref_slice %arg5[%arg0, %add3A_36, %dma_wait3A] : memref<2x10240x128xf32, #tpu.memory_space<hbm>> -> memref<1x160x128xf32, #tpu.memory_space<hbm>>
      %dma_wait3A_50 = tpu.memref_squeeze %dma_wait3A_49 : memref<1x160x128xf32, #tpu.memory_space<hbm>> -> memref<160x128xf32, #tpu.memory_space<hbm>>
      %dma_wait3A_51 = arith.constant 0 : i32
      %dma_wait3A_52 = tpu.memref_slice %arg13[%add3A_36, %dma_wait3A_51] : memref<10240x128xf32, #tpu.memory_space<vmem_shared>> -> memref<160x128xf32, #tpu.memory_space<vmem_shared>>
      tpu.wait_dma2 semaphore(%run_scoped3A : memref<!tpu.dma_semaphore, #tpu.memory_space<semaphore_mem>>) src(%dma_wait3A_52 : memref<160x128xf32, #tpu.memory_space<vmem_shared>>) dst(%dma_wait3A_50 : memref<160x128xf32, #tpu.memory_space<hbm>>)
      tpu.yield
    }) : () -> ()
    %mul3A_37 = arith.constant 640 : i32
    %mul3A_38 = arith.muli %arg1, %mul3A_37 : i32
    %add3A_39 = arith.constant 320 : i32
    %add3A_40 = arith.addi %mul3A_38, %add3A_39 : i32
    "tpu.region"() ({
      %run_scoped3A = tpu.sem_alloc : memref<!tpu.dma_semaphore, #tpu.memory_space<semaphore_mem>>
      %dma_start3A = arith.constant 0 : i32
      %dma_start3A_45 = tpu.memref_slice %arg5[%arg0, %add3A_40, %dma_start3A] : memref<2x10240x128xf32, #tpu.memory_space<hbm>> -> memref<1x160x128xf32, #tpu.memory_space<hbm>>
      %dma_start3A_46 = tpu.memref_squeeze %dma_start3A_45 : memref<1x160x128xf32, #tpu.memory_space<hbm>> -> memref<160x128xf32, #tpu.memory_space<hbm>>
      %dma_start3A_47 = arith.constant 0 : i32
      %dma_start3A_48 = tpu.memref_slice %arg13[%add3A_40, %dma_start3A_47] : memref<10240x128xf32, #tpu.memory_space<vmem_shared>> -> memref<160x128xf32, #tpu.memory_space<vmem_shared>>
      tpu.enqueue_dma source(%dma_start3A_48 : memref<160x128xf32, #tpu.memory_space<vmem_shared>>) target(%dma_start3A_46 : memref<160x128xf32, #tpu.memory_space<hbm>>) target_semaphore(%run_scoped3A : memref<!tpu.dma_semaphore, #tpu.memory_space<semaphore_mem>>)
      %dma_wait3A = arith.constant 0 : i32
      %dma_wait3A_49 = tpu.memref_slice %arg5[%arg0, %add3A_40, %dma_wait3A] : memref<2x10240x128xf32, #tpu.memory_space<hbm>> -> memref<1x160x128xf32, #tpu.memory_space<hbm>>
      %dma_wait3A_50 = tpu.memref_squeeze %dma_wait3A_49 : memref<1x160x128xf32, #tpu.memory_space<hbm>> -> memref<160x128xf32, #tpu.memory_space<hbm>>
      %dma_wait3A_51 = arith.constant 0 : i32
      %dma_wait3A_52 = tpu.memref_slice %arg13[%add3A_40, %dma_wait3A_51] : memref<10240x128xf32, #tpu.memory_space<vmem_shared>> -> memref<160x128xf32, #tpu.memory_space<vmem_shared>>
      tpu.wait_dma2 semaphore(%run_scoped3A : memref<!tpu.dma_semaphore, #tpu.memory_space<semaphore_mem>>) src(%dma_wait3A_52 : memref<160x128xf32, #tpu.memory_space<vmem_shared>>) dst(%dma_wait3A_50 : memref<160x128xf32, #tpu.memory_space<hbm>>)
      tpu.yield
    }) : () -> ()
    %mul3A_41 = arith.constant 640 : i32
    %mul3A_42 = arith.muli %arg1, %mul3A_41 : i32
    %add3A_43 = arith.constant 480 : i32
    %add3A_44 = arith.addi %mul3A_42, %add3A_43 : i32
    "tpu.region"() ({
      %run_scoped3A = tpu.sem_alloc : memref<!tpu.dma_semaphore, #tpu.memory_space<semaphore_mem>>
      %dma_start3A = arith.constant 0 : i32
      %dma_start3A_45 = tpu.memref_slice %arg5[%arg0, %add3A_44, %dma_start3A] : memref<2x10240x128xf32, #tpu.memory_space<hbm>> -> memref<1x160x128xf32, #tpu.memory_space<hbm>>
      %dma_start3A_46 = tpu.memref_squeeze %dma_start3A_45 : memref<1x160x128xf32, #tpu.memory_space<hbm>> -> memref<160x128xf32, #tpu.memory_space<hbm>>
      %dma_start3A_47 = arith.constant 0 : i32
      %dma_start3A_48 = tpu.memref_slice %arg13[%add3A_44, %dma_start3A_47] : memref<10240x128xf32, #tpu.memory_space<vmem_shared>> -> memref<160x128xf32, #tpu.memory_space<vmem_shared>>
      tpu.enqueue_dma source(%dma_start3A_48 : memref<160x128xf32, #tpu.memory_space<vmem_shared>>) target(%dma_start3A_46 : memref<160x128xf32, #tpu.memory_space<hbm>>) target_semaphore(%run_scoped3A : memref<!tpu.dma_semaphore, #tpu.memory_space<semaphore_mem>>)
      %dma_wait3A = arith.constant 0 : i32
      %dma_wait3A_49 = tpu.memref_slice %arg5[%arg0, %add3A_44, %dma_wait3A] : memref<2x10240x128xf32, #tpu.memory_space<hbm>> -> memref<1x160x128xf32, #tpu.memory_space<hbm>>
      %dma_wait3A_50 = tpu.memref_squeeze %dma_wait3A_49 : memref<1x160x128xf32, #tpu.memory_space<hbm>> -> memref<160x128xf32, #tpu.memory_space<hbm>>
      %dma_wait3A_51 = arith.constant 0 : i32
      %dma_wait3A_52 = tpu.memref_slice %arg13[%add3A_44, %dma_wait3A_51] : memref<10240x128xf32, #tpu.memory_space<vmem_shared>> -> memref<160x128xf32, #tpu.memory_space<vmem_shared>>
      tpu.wait_dma2 semaphore(%run_scoped3A : memref<!tpu.dma_semaphore, #tpu.memory_space<semaphore_mem>>) src(%dma_wait3A_52 : memref<160x128xf32, #tpu.memory_space<vmem_shared>>) dst(%dma_wait3A_50 : memref<160x128xf32, #tpu.memory_space<hbm>>)
      tpu.yield
    }) : () -> ()
    return
  }
}

#map = affine_map<(d0, d1) -> (0)>
#map1 = affine_map<(d0, d1) -> (0, 0)>
module attributes {stable_mosaic.version = 14 : i64} {
  func.func @run(%arg0: i32, %arg1: i32, %arg2: memref<320000xi32, #tpu.memory_space<hbm>>, %arg3: memref<2x10240xf32, #tpu.memory_space<hbm>>, %arg4: memref<640xf32, #tpu.memory_space<vmem>>, %arg5: memref<80xf32, #tpu.memory_space<vmem>>, %arg6: memref<80xi32, #tpu.memory_space<vmem>>, %arg7: memref<80xi32, #tpu.memory_space<vmem>>, %arg8: memref<10240xf32, #tpu.memory_space<vmem_shared>>, %arg9: memref<!tpu.dma_semaphore, #tpu.memory_space<semaphore_mem>>, %arg10: memref<!tpu.dma_semaphore, #tpu.memory_space<semaphore_mem>>) attributes {dimension_semantics = [#tpu.dimension_semantics<core_parallel>, #tpu.dimension_semantics<subcore_parallel>], iteration_bounds = array<i64: 2, 16>, scalar_prefetch = 0 : i64, scratch_operands = 7 : i64, tpu.core_type = #tpu.core_type<sc_vector_subcore>, window_params = [{transform_indices = #map}, {transform_indices = #map1}]} {
    %mul3A = arith.constant 16 : i32
    %mul3A_0 = arith.muli %arg0, %mul3A : i32
    %add3A = arith.addi %mul3A_0, %arg1 : i32
    %broadcast_in_dim3A = arith.constant 0.000000e+00 : f32
    %broadcast_in_dim3A_1 = vector.broadcast %broadcast_in_dim3A : f32 to vector<16xf32>
    %swap3A = arith.constant 0 : index
    %swap3A_2 = tpu.vector_load %arg4[%swap3A] {strides = array<i32>} : memref<640xf32, #tpu.memory_space<vmem>>, vector<16xf32>,
    %swap3A_3 = vector.shape_cast %swap3A_2 : vector<16xf32> to vector<16xf32>
    %swap3A_4 = vector.shape_cast %broadcast_in_dim3A_1 : vector<16xf32> to vector<16xf32>
    tpu.vector_store %arg4[%swap3A], %swap3A_4 {strides = array<i32>} : memref<640xf32, #tpu.memory_space<vmem>>, vector<16xf32>,
    %broadcast_in_dim3A_5 = arith.constant 0.000000e+00 : f32
    %broadcast_in_dim3A_6 = vector.broadcast %broadcast_in_dim3A_5 : f32 to vector<16xf32>
    %swap3A_7 = arith.constant 16 : index
    %swap3A_8 = tpu.vector_load %arg4[%swap3A_7] {strides = array<i32>} : memref<640xf32, #tpu.memory_space<vmem>>, vector<16xf32>,
    %swap3A_9 = vector.shape_cast %swap3A_8 : vector<16xf32> to vector<16xf32>
    %swap3A_10 = vector.shape_cast %broadcast_in_dim3A_6 : vector<16xf32> to vector<16xf32>
    tpu.vector_store %arg4[%swap3A_7], %swap3A_10 {strides = array<i32>} : memref<640xf32, #tpu.memory_space<vmem>>, vector<16xf32>,
    %broadcast_in_dim3A_11 = arith.constant 0.000000e+00 : f32
    %broadcast_in_dim3A_12 = vector.broadcast %broadcast_in_dim3A_11 : f32 to vector<16xf32>
    %swap3A_13 = arith.constant 32 : index
    %swap3A_14 = tpu.vector_load %arg4[%swap3A_13] {strides = array<i32>} : memref<640xf32, #tpu.memory_space<vmem>>, vector<16xf32>,
    %swap3A_15 = vector.shape_cast %swap3A_14 : vector<16xf32> to vector<16xf32>
    %swap3A_16 = vector.shape_cast %broadcast_in_dim3A_12 : vector<16xf32> to vector<16xf32>
    tpu.vector_store %arg4[%swap3A_13], %swap3A_16 {strides = array<i32>} : memref<640xf32, #tpu.memory_space<vmem>>, vector<16xf32>,
    %broadcast_in_dim3A_17 = arith.constant 0.000000e+00 : f32
    %broadcast_in_dim3A_18 = vector.broadcast %broadcast_in_dim3A_17 : f32 to vector<16xf32>
    %swap3A_19 = arith.constant 48 : index
    %swap3A_20 = tpu.vector_load %arg4[%swap3A_19] {strides = array<i32>} : memref<640xf32, #tpu.memory_space<vmem>>, vector<16xf32>,
    %swap3A_21 = vector.shape_cast %swap3A_20 : vector<16xf32> to vector<16xf32>
    %swap3A_22 = vector.shape_cast %broadcast_in_dim3A_18 : vector<16xf32> to vector<16xf32>
    tpu.vector_store %arg4[%swap3A_19], %swap3A_22 {strides = array<i32>} : memref<640xf32, #tpu.memory_space<vmem>>, vector<16xf32>,
    %broadcast_in_dim3A_23 = arith.constant 0.000000e+00 : f32
    %broadcast_in_dim3A_24 = vector.broadcast %broadcast_in_dim3A_23 : f32 to vector<16xf32>
    %swap3A_25 = arith.constant 64 : index
    %swap3A_26 = tpu.vector_load %arg4[%swap3A_25] {strides = array<i32>} : memref<640xf32, #tpu.memory_space<vmem>>, vector<16xf32>,
    %swap3A_27 = vector.shape_cast %swap3A_26 : vector<16xf32> to vector<16xf32>
    %swap3A_28 = vector.shape_cast %broadcast_in_dim3A_24 : vector<16xf32> to vector<16xf32>
    tpu.vector_store %arg4[%swap3A_25], %swap3A_28 {strides = array<i32>} : memref<640xf32, #tpu.memory_space<vmem>>, vector<16xf32>,
    %broadcast_in_dim3A_29 = arith.constant 0.000000e+00 : f32
    %broadcast_in_dim3A_30 = vector.broadcast %broadcast_in_dim3A_29 : f32 to vector<16xf32>
    %swap3A_31 = arith.constant 80 : index
    %swap3A_32 = tpu.vector_load %arg4[%swap3A_31] {strides = array<i32>} : memref<640xf32, #tpu.memory_space<vmem>>, vector<16xf32>,
    %swap3A_33 = vector.shape_cast %swap3A_32 : vector<16xf32> to vector<16xf32>
    %swap3A_34 = vector.shape_cast %broadcast_in_dim3A_30 : vector<16xf32> to vector<16xf32>
    tpu.vector_store %arg4[%swap3A_31], %swap3A_34 {strides = array<i32>} : memref<640xf32, #tpu.memory_space<vmem>>, vector<16xf32>,
    %broadcast_in_dim3A_35 = arith.constant 0.000000e+00 : f32
    %broadcast_in_dim3A_36 = vector.broadcast %broadcast_in_dim3A_35 : f32 to vector<16xf32>
    %swap3A_37 = arith.constant 96 : index
    %swap3A_38 = tpu.vector_load %arg4[%swap3A_37] {strides = array<i32>} : memref<640xf32, #tpu.memory_space<vmem>>, vector<16xf32>,
    %swap3A_39 = vector.shape_cast %swap3A_38 : vector<16xf32> to vector<16xf32>
    %swap3A_40 = vector.shape_cast %broadcast_in_dim3A_36 : vector<16xf32> to vector<16xf32>
    tpu.vector_store %arg4[%swap3A_37], %swap3A_40 {strides = array<i32>} : memref<640xf32, #tpu.memory_space<vmem>>, vector<16xf32>,
    %broadcast_in_dim3A_41 = arith.constant 0.000000e+00 : f32
    %broadcast_in_dim3A_42 = vector.broadcast %broadcast_in_dim3A_41 : f32 to vector<16xf32>
    %swap3A_43 = arith.constant 112 : index
    %swap3A_44 = tpu.vector_load %arg4[%swap3A_43] {strides = array<i32>} : memref<640xf32, #tpu.memory_space<vmem>>, vector<16xf32>,
    %swap3A_45 = vector.shape_cast %swap3A_44 : vector<16xf32> to vector<16xf32>
    %swap3A_46 = vector.shape_cast %broadcast_in_dim3A_42 : vector<16xf32> to vector<16xf32>
    tpu.vector_store %arg4[%swap3A_43], %swap3A_46 {strides = array<i32>} : memref<640xf32, #tpu.memory_space<vmem>>, vector<16xf32>,
    %broadcast_in_dim3A_47 = arith.constant 0.000000e+00 : f32
    %broadcast_in_dim3A_48 = vector.broadcast %broadcast_in_dim3A_47 : f32 to vector<16xf32>
    %swap3A_49 = arith.constant 128 : index
    %swap3A_50 = tpu.vector_load %arg4[%swap3A_49] {strides = array<i32>} : memref<640xf32, #tpu.memory_space<vmem>>, vector<16xf32>,
    %swap3A_51 = vector.shape_cast %swap3A_50 : vector<16xf32> to vector<16xf32>
    %swap3A_52 = vector.shape_cast %broadcast_in_dim3A_48 : vector<16xf32> to vector<16xf32>
    tpu.vector_store %arg4[%swap3A_49], %swap3A_52 {strides = array<i32>} : memref<640xf32, #tpu.memory_space<vmem>>, vector<16xf32>,
    %broadcast_in_dim3A_53 = arith.constant 0.000000e+00 : f32
    %broadcast_in_dim3A_54 = vector.broadcast %broadcast_in_dim3A_53 : f32 to vector<16xf32>
    %swap3A_55 = arith.constant 144 : index
    %swap3A_56 = tpu.vector_load %arg4[%swap3A_55] {strides = array<i32>} : memref<640xf32, #tpu.memory_space<vmem>>, vector<16xf32>,
    %swap3A_57 = vector.shape_cast %swap3A_56 : vector<16xf32> to vector<16xf32>
    %swap3A_58 = vector.shape_cast %broadcast_in_dim3A_54 : vector<16xf32> to vector<16xf32>
    tpu.vector_store %arg4[%swap3A_55], %swap3A_58 {strides = array<i32>} : memref<640xf32, #tpu.memory_space<vmem>>, vector<16xf32>,
    %broadcast_in_dim3A_59 = arith.constant 0.000000e+00 : f32
    %broadcast_in_dim3A_60 = vector.broadcast %broadcast_in_dim3A_59 : f32 to vector<16xf32>
    %swap3A_61 = arith.constant 160 : index
    %swap3A_62 = tpu.vector_load %arg4[%swap3A_61] {strides = array<i32>} : memref<640xf32, #tpu.memory_space<vmem>>, vector<16xf32>,
    %swap3A_63 = vector.shape_cast %swap3A_62 : vector<16xf32> to vector<16xf32>
    %swap3A_64 = vector.shape_cast %broadcast_in_dim3A_60 : vector<16xf32> to vector<16xf32>
    tpu.vector_store %arg4[%swap3A_61], %swap3A_64 {strides = array<i32>} : memref<640xf32, #tpu.memory_space<vmem>>, vector<16xf32>,
    %broadcast_in_dim3A_65 = arith.constant 0.000000e+00 : f32
    %broadcast_in_dim3A_66 = vector.broadcast %broadcast_in_dim3A_65 : f32 to vector<16xf32>
    %swap3A_67 = arith.constant 176 : index
    %swap3A_68 = tpu.vector_load %arg4[%swap3A_67] {strides = array<i32>} : memref<640xf32, #tpu.memory_space<vmem>>, vector<16xf32>,
    %swap3A_69 = vector.shape_cast %swap3A_68 : vector<16xf32> to vector<16xf32>
    %swap3A_70 = vector.shape_cast %broadcast_in_dim3A_66 : vector<16xf32> to vector<16xf32>
    tpu.vector_store %arg4[%swap3A_67], %swap3A_70 {strides = array<i32>} : memref<640xf32, #tpu.memory_space<vmem>>, vector<16xf32>,
    %broadcast_in_dim3A_71 = arith.constant 0.000000e+00 : f32
    %broadcast_in_dim3A_72 = vector.broadcast %broadcast_in_dim3A_71 : f32 to vector<16xf32>
    %swap3A_73 = arith.constant 192 : index
    %swap3A_74 = tpu.vector_load %arg4[%swap3A_73] {strides = array<i32>} : memref<640xf32, #tpu.memory_space<vmem>>, vector<16xf32>,
    %swap3A_75 = vector.shape_cast %swap3A_74 : vector<16xf32> to vector<16xf32>
    %swap3A_76 = vector.shape_cast %broadcast_in_dim3A_72 : vector<16xf32> to vector<16xf32>
    tpu.vector_store %arg4[%swap3A_73], %swap3A_76 {strides = array<i32>} : memref<640xf32, #tpu.memory_space<vmem>>, vector<16xf32>,
    %broadcast_in_dim3A_77 = arith.constant 0.000000e+00 : f32
    %broadcast_in_dim3A_78 = vector.broadcast %broadcast_in_dim3A_77 : f32 to vector<16xf32>
    %swap3A_79 = arith.constant 208 : index
    %swap3A_80 = tpu.vector_load %arg4[%swap3A_79] {strides = array<i32>} : memref<640xf32, #tpu.memory_space<vmem>>, vector<16xf32>,
    %swap3A_81 = vector.shape_cast %swap3A_80 : vector<16xf32> to vector<16xf32>
    %swap3A_82 = vector.shape_cast %broadcast_in_dim3A_78 : vector<16xf32> to vector<16xf32>
    tpu.vector_store %arg4[%swap3A_79], %swap3A_82 {strides = array<i32>} : memref<640xf32, #tpu.memory_space<vmem>>, vector<16xf32>,
    %broadcast_in_dim3A_83 = arith.constant 0.000000e+00 : f32
    %broadcast_in_dim3A_84 = vector.broadcast %broadcast_in_dim3A_83 : f32 to vector<16xf32>
    %swap3A_85 = arith.constant 224 : index
    %swap3A_86 = tpu.vector_load %arg4[%swap3A_85] {strides = array<i32>} : memref<640xf32, #tpu.memory_space<vmem>>, vector<16xf32>,
    %swap3A_87 = vector.shape_cast %swap3A_86 : vector<16xf32> to vector<16xf32>
    %swap3A_88 = vector.shape_cast %broadcast_in_dim3A_84 : vector<16xf32> to vector<16xf32>
    tpu.vector_store %arg4[%swap3A_85], %swap3A_88 {strides = array<i32>} : memref<640xf32, #tpu.memory_space<vmem>>, vector<16xf32>,
    %broadcast_in_dim3A_89 = arith.constant 0.000000e+00 : f32
    %broadcast_in_dim3A_90 = vector.broadcast %broadcast_in_dim3A_89 : f32 to vector<16xf32>
    %swap3A_91 = arith.constant 240 : index
    %swap3A_92 = tpu.vector_load %arg4[%swap3A_91] {strides = array<i32>} : memref<640xf32, #tpu.memory_space<vmem>>, vector<16xf32>,
    %swap3A_93 = vector.shape_cast %swap3A_92 : vector<16xf32> to vector<16xf32>
    %swap3A_94 = vector.shape_cast %broadcast_in_dim3A_90 : vector<16xf32> to vector<16xf32>
    tpu.vector_store %arg4[%swap3A_91], %swap3A_94 {strides = array<i32>} : memref<640xf32, #tpu.memory_space<vmem>>, vector<16xf32>,
    %broadcast_in_dim3A_95 = arith.constant 0.000000e+00 : f32
    %broadcast_in_dim3A_96 = vector.broadcast %broadcast_in_dim3A_95 : f32 to vector<16xf32>
    %swap3A_97 = arith.constant 256 : index
    %swap3A_98 = tpu.vector_load %arg4[%swap3A_97] {strides = array<i32>} : memref<640xf32, #tpu.memory_space<vmem>>, vector<16xf32>,
    %swap3A_99 = vector.shape_cast %swap3A_98 : vector<16xf32> to vector<16xf32>
    %swap3A_100 = vector.shape_cast %broadcast_in_dim3A_96 : vector<16xf32> to vector<16xf32>
    tpu.vector_store %arg4[%swap3A_97], %swap3A_100 {strides = array<i32>} : memref<640xf32, #tpu.memory_space<vmem>>, vector<16xf32>,
    %broadcast_in_dim3A_101 = arith.constant 0.000000e+00 : f32
    %broadcast_in_dim3A_102 = vector.broadcast %broadcast_in_dim3A_101 : f32 to vector<16xf32>
    %swap3A_103 = arith.constant 272 : index
    %swap3A_104 = tpu.vector_load %arg4[%swap3A_103] {strides = array<i32>} : memref<640xf32, #tpu.memory_space<vmem>>, vector<16xf32>,
    %swap3A_105 = vector.shape_cast %swap3A_104 : vector<16xf32> to vector<16xf32>
    %swap3A_106 = vector.shape_cast %broadcast_in_dim3A_102 : vector<16xf32> to vector<16xf32>
    tpu.vector_store %arg4[%swap3A_103], %swap3A_106 {strides = array<i32>} : memref<640xf32, #tpu.memory_space<vmem>>, vector<16xf32>,
    %broadcast_in_dim3A_107 = arith.constant 0.000000e+00 : f32
    %broadcast_in_dim3A_108 = vector.broadcast %broadcast_in_dim3A_107 : f32 to vector<16xf32>
    %swap3A_109 = arith.constant 288 : index
    %swap3A_110 = tpu.vector_load %arg4[%swap3A_109] {strides = array<i32>} : memref<640xf32, #tpu.memory_space<vmem>>, vector<16xf32>,
    %swap3A_111 = vector.shape_cast %swap3A_110 : vector<16xf32> to vector<16xf32>
    %swap3A_112 = vector.shape_cast %broadcast_in_dim3A_108 : vector<16xf32> to vector<16xf32>
    tpu.vector_store %arg4[%swap3A_109], %swap3A_112 {strides = array<i32>} : memref<640xf32, #tpu.memory_space<vmem>>, vector<16xf32>,
    %broadcast_in_dim3A_113 = arith.constant 0.000000e+00 : f32
    %broadcast_in_dim3A_114 = vector.broadcast %broadcast_in_dim3A_113 : f32 to vector<16xf32>
    %swap3A_115 = arith.constant 304 : index
    %swap3A_116 = tpu.vector_load %arg4[%swap3A_115] {strides = array<i32>} : memref<640xf32, #tpu.memory_space<vmem>>, vector<16xf32>,
    %swap3A_117 = vector.shape_cast %swap3A_116 : vector<16xf32> to vector<16xf32>
    %swap3A_118 = vector.shape_cast %broadcast_in_dim3A_114 : vector<16xf32> to vector<16xf32>
    tpu.vector_store %arg4[%swap3A_115], %swap3A_118 {strides = array<i32>} : memref<640xf32, #tpu.memory_space<vmem>>, vector<16xf32>,
    %broadcast_in_dim3A_119 = arith.constant 0.000000e+00 : f32
    %broadcast_in_dim3A_120 = vector.broadcast %broadcast_in_dim3A_119 : f32 to vector<16xf32>
    %swap3A_121 = arith.constant 320 : index
    %swap3A_122 = tpu.vector_load %arg4[%swap3A_121] {strides = array<i32>} : memref<640xf32, #tpu.memory_space<vmem>>, vector<16xf32>,
    %swap3A_123 = vector.shape_cast %swap3A_122 : vector<16xf32> to vector<16xf32>
    %swap3A_124 = vector.shape_cast %broadcast_in_dim3A_120 : vector<16xf32> to vector<16xf32>
    tpu.vector_store %arg4[%swap3A_121], %swap3A_124 {strides = array<i32>} : memref<640xf32, #tpu.memory_space<vmem>>, vector<16xf32>,
    %broadcast_in_dim3A_125 = arith.constant 0.000000e+00 : f32
    %broadcast_in_dim3A_126 = vector.broadcast %broadcast_in_dim3A_125 : f32 to vector<16xf32>
    %swap3A_127 = arith.constant 336 : index
    %swap3A_128 = tpu.vector_load %arg4[%swap3A_127] {strides = array<i32>} : memref<640xf32, #tpu.memory_space<vmem>>, vector<16xf32>,
    %swap3A_129 = vector.shape_cast %swap3A_128 : vector<16xf32> to vector<16xf32>
    %swap3A_130 = vector.shape_cast %broadcast_in_dim3A_126 : vector<16xf32> to vector<16xf32>
    tpu.vector_store %arg4[%swap3A_127], %swap3A_130 {strides = array<i32>} : memref<640xf32, #tpu.memory_space<vmem>>, vector<16xf32>,
    %broadcast_in_dim3A_131 = arith.constant 0.000000e+00 : f32
    %broadcast_in_dim3A_132 = vector.broadcast %broadcast_in_dim3A_131 : f32 to vector<16xf32>
    %swap3A_133 = arith.constant 352 : index
    %swap3A_134 = tpu.vector_load %arg4[%swap3A_133] {strides = array<i32>} : memref<640xf32, #tpu.memory_space<vmem>>, vector<16xf32>,
    %swap3A_135 = vector.shape_cast %swap3A_134 : vector<16xf32> to vector<16xf32>
    %swap3A_136 = vector.shape_cast %broadcast_in_dim3A_132 : vector<16xf32> to vector<16xf32>
    tpu.vector_store %arg4[%swap3A_133], %swap3A_136 {strides = array<i32>} : memref<640xf32, #tpu.memory_space<vmem>>, vector<16xf32>,
    %broadcast_in_dim3A_137 = arith.constant 0.000000e+00 : f32
    %broadcast_in_dim3A_138 = vector.broadcast %broadcast_in_dim3A_137 : f32 to vector<16xf32>
    %swap3A_139 = arith.constant 368 : index
    %swap3A_140 = tpu.vector_load %arg4[%swap3A_139] {strides = array<i32>} : memref<640xf32, #tpu.memory_space<vmem>>, vector<16xf32>,
    %swap3A_141 = vector.shape_cast %swap3A_140 : vector<16xf32> to vector<16xf32>
    %swap3A_142 = vector.shape_cast %broadcast_in_dim3A_138 : vector<16xf32> to vector<16xf32>
    tpu.vector_store %arg4[%swap3A_139], %swap3A_142 {strides = array<i32>} : memref<640xf32, #tpu.memory_space<vmem>>, vector<16xf32>,
    %broadcast_in_dim3A_143 = arith.constant 0.000000e+00 : f32
    %broadcast_in_dim3A_144 = vector.broadcast %broadcast_in_dim3A_143 : f32 to vector<16xf32>
    %swap3A_145 = arith.constant 384 : index
    %swap3A_146 = tpu.vector_load %arg4[%swap3A_145] {strides = array<i32>} : memref<640xf32, #tpu.memory_space<vmem>>, vector<16xf32>,
    %swap3A_147 = vector.shape_cast %swap3A_146 : vector<16xf32> to vector<16xf32>
    %swap3A_148 = vector.shape_cast %broadcast_in_dim3A_144 : vector<16xf32> to vector<16xf32>
    tpu.vector_store %arg4[%swap3A_145], %swap3A_148 {strides = array<i32>} : memref<640xf32, #tpu.memory_space<vmem>>, vector<16xf32>,
    %broadcast_in_dim3A_149 = arith.constant 0.000000e+00 : f32
    %broadcast_in_dim3A_150 = vector.broadcast %broadcast_in_dim3A_149 : f32 to vector<16xf32>
    %swap3A_151 = arith.constant 400 : index
    %swap3A_152 = tpu.vector_load %arg4[%swap3A_151] {strides = array<i32>} : memref<640xf32, #tpu.memory_space<vmem>>, vector<16xf32>,
    %swap3A_153 = vector.shape_cast %swap3A_152 : vector<16xf32> to vector<16xf32>
    %swap3A_154 = vector.shape_cast %broadcast_in_dim3A_150 : vector<16xf32> to vector<16xf32>
    tpu.vector_store %arg4[%swap3A_151], %swap3A_154 {strides = array<i32>} : memref<640xf32, #tpu.memory_space<vmem>>, vector<16xf32>,
    %broadcast_in_dim3A_155 = arith.constant 0.000000e+00 : f32
    %broadcast_in_dim3A_156 = vector.broadcast %broadcast_in_dim3A_155 : f32 to vector<16xf32>
    %swap3A_157 = arith.constant 416 : index
    %swap3A_158 = tpu.vector_load %arg4[%swap3A_157] {strides = array<i32>} : memref<640xf32, #tpu.memory_space<vmem>>, vector<16xf32>,
    %swap3A_159 = vector.shape_cast %swap3A_158 : vector<16xf32> to vector<16xf32>
    %swap3A_160 = vector.shape_cast %broadcast_in_dim3A_156 : vector<16xf32> to vector<16xf32>
    tpu.vector_store %arg4[%swap3A_157], %swap3A_160 {strides = array<i32>} : memref<640xf32, #tpu.memory_space<vmem>>, vector<16xf32>,
    %broadcast_in_dim3A_161 = arith.constant 0.000000e+00 : f32
    %broadcast_in_dim3A_162 = vector.broadcast %broadcast_in_dim3A_161 : f32 to vector<16xf32>
    %swap3A_163 = arith.constant 432 : index
    %swap3A_164 = tpu.vector_load %arg4[%swap3A_163] {strides = array<i32>} : memref<640xf32, #tpu.memory_space<vmem>>, vector<16xf32>,
    %swap3A_165 = vector.shape_cast %swap3A_164 : vector<16xf32> to vector<16xf32>
    %swap3A_166 = vector.shape_cast %broadcast_in_dim3A_162 : vector<16xf32> to vector<16xf32>
    tpu.vector_store %arg4[%swap3A_163], %swap3A_166 {strides = array<i32>} : memref<640xf32, #tpu.memory_space<vmem>>, vector<16xf32>,
    %broadcast_in_dim3A_167 = arith.constant 0.000000e+00 : f32
    %broadcast_in_dim3A_168 = vector.broadcast %broadcast_in_dim3A_167 : f32 to vector<16xf32>
    %swap3A_169 = arith.constant 448 : index
    %swap3A_170 = tpu.vector_load %arg4[%swap3A_169] {strides = array<i32>} : memref<640xf32, #tpu.memory_space<vmem>>, vector<16xf32>,
    %swap3A_171 = vector.shape_cast %swap3A_170 : vector<16xf32> to vector<16xf32>
    %swap3A_172 = vector.shape_cast %broadcast_in_dim3A_168 : vector<16xf32> to vector<16xf32>
    tpu.vector_store %arg4[%swap3A_169], %swap3A_172 {strides = array<i32>} : memref<640xf32, #tpu.memory_space<vmem>>, vector<16xf32>,
    %broadcast_in_dim3A_173 = arith.constant 0.000000e+00 : f32
    %broadcast_in_dim3A_174 = vector.broadcast %broadcast_in_dim3A_173 : f32 to vector<16xf32>
    %swap3A_175 = arith.constant 464 : index
    %swap3A_176 = tpu.vector_load %arg4[%swap3A_175] {strides = array<i32>} : memref<640xf32, #tpu.memory_space<vmem>>, vector<16xf32>,
    %swap3A_177 = vector.shape_cast %swap3A_176 : vector<16xf32> to vector<16xf32>
    %swap3A_178 = vector.shape_cast %broadcast_in_dim3A_174 : vector<16xf32> to vector<16xf32>
    tpu.vector_store %arg4[%swap3A_175], %swap3A_178 {strides = array<i32>} : memref<640xf32, #tpu.memory_space<vmem>>, vector<16xf32>,
    %broadcast_in_dim3A_179 = arith.constant 0.000000e+00 : f32
    %broadcast_in_dim3A_180 = vector.broadcast %broadcast_in_dim3A_179 : f32 to vector<16xf32>
    %swap3A_181 = arith.constant 480 : index
    %swap3A_182 = tpu.vector_load %arg4[%swap3A_181] {strides = array<i32>} : memref<640xf32, #tpu.memory_space<vmem>>, vector<16xf32>,
    %swap3A_183 = vector.shape_cast %swap3A_182 : vector<16xf32> to vector<16xf32>
    %swap3A_184 = vector.shape_cast %broadcast_in_dim3A_180 : vector<16xf32> to vector<16xf32>
    tpu.vector_store %arg4[%swap3A_181], %swap3A_184 {strides = array<i32>} : memref<640xf32, #tpu.memory_space<vmem>>, vector<16xf32>,
    %broadcast_in_dim3A_185 = arith.constant 0.000000e+00 : f32
    %broadcast_in_dim3A_186 = vector.broadcast %broadcast_in_dim3A_185 : f32 to vector<16xf32>
    %swap3A_187 = arith.constant 496 : index
    %swap3A_188 = tpu.vector_load %arg4[%swap3A_187] {strides = array<i32>} : memref<640xf32, #tpu.memory_space<vmem>>, vector<16xf32>,
    %swap3A_189 = vector.shape_cast %swap3A_188 : vector<16xf32> to vector<16xf32>
    %swap3A_190 = vector.shape_cast %broadcast_in_dim3A_186 : vector<16xf32> to vector<16xf32>
    tpu.vector_store %arg4[%swap3A_187], %swap3A_190 {strides = array<i32>} : memref<640xf32, #tpu.memory_space<vmem>>, vector<16xf32>,
    %broadcast_in_dim3A_191 = arith.constant 0.000000e+00 : f32
    %broadcast_in_dim3A_192 = vector.broadcast %broadcast_in_dim3A_191 : f32 to vector<16xf32>
    %swap3A_193 = arith.constant 512 : index
    %swap3A_194 = tpu.vector_load %arg4[%swap3A_193] {strides = array<i32>} : memref<640xf32, #tpu.memory_space<vmem>>, vector<16xf32>,
    %swap3A_195 = vector.shape_cast %swap3A_194 : vector<16xf32> to vector<16xf32>
    %swap3A_196 = vector.shape_cast %broadcast_in_dim3A_192 : vector<16xf32> to vector<16xf32>
    tpu.vector_store %arg4[%swap3A_193], %swap3A_196 {strides = array<i32>} : memref<640xf32, #tpu.memory_space<vmem>>, vector<16xf32>,
    %broadcast_in_dim3A_197 = arith.constant 0.000000e+00 : f32
    %broadcast_in_dim3A_198 = vector.broadcast %broadcast_in_dim3A_197 : f32 to vector<16xf32>
    %swap3A_199 = arith.constant 528 : index
    %swap3A_200 = tpu.vector_load %arg4[%swap3A_199] {strides = array<i32>} : memref<640xf32, #tpu.memory_space<vmem>>, vector<16xf32>,
    %swap3A_201 = vector.shape_cast %swap3A_200 : vector<16xf32> to vector<16xf32>
    %swap3A_202 = vector.shape_cast %broadcast_in_dim3A_198 : vector<16xf32> to vector<16xf32>
    tpu.vector_store %arg4[%swap3A_199], %swap3A_202 {strides = array<i32>} : memref<640xf32, #tpu.memory_space<vmem>>, vector<16xf32>,
    %broadcast_in_dim3A_203 = arith.constant 0.000000e+00 : f32
    %broadcast_in_dim3A_204 = vector.broadcast %broadcast_in_dim3A_203 : f32 to vector<16xf32>
    %swap3A_205 = arith.constant 544 : index
    %swap3A_206 = tpu.vector_load %arg4[%swap3A_205] {strides = array<i32>} : memref<640xf32, #tpu.memory_space<vmem>>, vector<16xf32>,
    %swap3A_207 = vector.shape_cast %swap3A_206 : vector<16xf32> to vector<16xf32>
    %swap3A_208 = vector.shape_cast %broadcast_in_dim3A_204 : vector<16xf32> to vector<16xf32>
    tpu.vector_store %arg4[%swap3A_205], %swap3A_208 {strides = array<i32>} : memref<640xf32, #tpu.memory_space<vmem>>, vector<16xf32>,
    %broadcast_in_dim3A_209 = arith.constant 0.000000e+00 : f32
    %broadcast_in_dim3A_210 = vector.broadcast %broadcast_in_dim3A_209 : f32 to vector<16xf32>
    %swap3A_211 = arith.constant 560 : index
    %swap3A_212 = tpu.vector_load %arg4[%swap3A_211] {strides = array<i32>} : memref<640xf32, #tpu.memory_space<vmem>>, vector<16xf32>,
    %swap3A_213 = vector.shape_cast %swap3A_212 : vector<16xf32> to vector<16xf32>
    %swap3A_214 = vector.shape_cast %broadcast_in_dim3A_210 : vector<16xf32> to vector<16xf32>
    tpu.vector_store %arg4[%swap3A_211], %swap3A_214 {strides = array<i32>} : memref<640xf32, #tpu.memory_space<vmem>>, vector<16xf32>,
    %broadcast_in_dim3A_215 = arith.constant 0.000000e+00 : f32
    %broadcast_in_dim3A_216 = vector.broadcast %broadcast_in_dim3A_215 : f32 to vector<16xf32>
    %swap3A_217 = arith.constant 576 : index
    %swap3A_218 = tpu.vector_load %arg4[%swap3A_217] {strides = array<i32>} : memref<640xf32, #tpu.memory_space<vmem>>, vector<16xf32>,
    %swap3A_219 = vector.shape_cast %swap3A_218 : vector<16xf32> to vector<16xf32>
    %swap3A_220 = vector.shape_cast %broadcast_in_dim3A_216 : vector<16xf32> to vector<16xf32>
    tpu.vector_store %arg4[%swap3A_217], %swap3A_220 {strides = array<i32>} : memref<640xf32, #tpu.memory_space<vmem>>, vector<16xf32>,
    %broadcast_in_dim3A_221 = arith.constant 0.000000e+00 : f32
    %broadcast_in_dim3A_222 = vector.broadcast %broadcast_in_dim3A_221 : f32 to vector<16xf32>
    %swap3A_223 = arith.constant 592 : index
    %swap3A_224 = tpu.vector_load %arg4[%swap3A_223] {strides = array<i32>} : memref<640xf32, #tpu.memory_space<vmem>>, vector<16xf32>,
    %swap3A_225 = vector.shape_cast %swap3A_224 : vector<16xf32> to vector<16xf32>
    %swap3A_226 = vector.shape_cast %broadcast_in_dim3A_222 : vector<16xf32> to vector<16xf32>
    tpu.vector_store %arg4[%swap3A_223], %swap3A_226 {strides = array<i32>} : memref<640xf32, #tpu.memory_space<vmem>>, vector<16xf32>,
    %broadcast_in_dim3A_227 = arith.constant 0.000000e+00 : f32
    %broadcast_in_dim3A_228 = vector.broadcast %broadcast_in_dim3A_227 : f32 to vector<16xf32>
    %swap3A_229 = arith.constant 608 : index
    %swap3A_230 = tpu.vector_load %arg4[%swap3A_229] {strides = array<i32>} : memref<640xf32, #tpu.memory_space<vmem>>, vector<16xf32>,
    %swap3A_231 = vector.shape_cast %swap3A_230 : vector<16xf32> to vector<16xf32>
    %swap3A_232 = vector.shape_cast %broadcast_in_dim3A_228 : vector<16xf32> to vector<16xf32>
    tpu.vector_store %arg4[%swap3A_229], %swap3A_232 {strides = array<i32>} : memref<640xf32, #tpu.memory_space<vmem>>, vector<16xf32>,
    %broadcast_in_dim3A_233 = arith.constant 0.000000e+00 : f32
    %broadcast_in_dim3A_234 = vector.broadcast %broadcast_in_dim3A_233 : f32 to vector<16xf32>
    %swap3A_235 = arith.constant 624 : index
    %swap3A_236 = tpu.vector_load %arg4[%swap3A_235] {strides = array<i32>} : memref<640xf32, #tpu.memory_space<vmem>>, vector<16xf32>,
    %swap3A_237 = vector.shape_cast %swap3A_236 : vector<16xf32> to vector<16xf32>
    %swap3A_238 = vector.shape_cast %broadcast_in_dim3A_234 : vector<16xf32> to vector<16xf32>
    tpu.vector_store %arg4[%swap3A_235], %swap3A_238 {strides = array<i32>} : memref<640xf32, #tpu.memory_space<vmem>>, vector<16xf32>,
    %broadcast_in_dim3A_239 = arith.constant 1.000000e+00 : f32
    %broadcast_in_dim3A_240 = vector.broadcast %broadcast_in_dim3A_239 : f32 to vector<16xf32>
    %swap3A_241 = arith.constant 0 : index
    %swap3A_242 = tpu.vector_load %arg5[%swap3A_241] {strides = array<i32>} : memref<80xf32, #tpu.memory_space<vmem>>, vector<16xf32>,
    %swap3A_243 = vector.shape_cast %swap3A_242 : vector<16xf32> to vector<16xf32>
    %swap3A_244 = vector.shape_cast %broadcast_in_dim3A_240 : vector<16xf32> to vector<16xf32>
    tpu.vector_store %arg5[%swap3A_241], %swap3A_244 {strides = array<i32>} : memref<80xf32, #tpu.memory_space<vmem>>, vector<16xf32>,
    %broadcast_in_dim3A_245 = arith.constant 1.000000e+00 : f32
    %broadcast_in_dim3A_246 = vector.broadcast %broadcast_in_dim3A_245 : f32 to vector<16xf32>
    %swap3A_247 = arith.constant 16 : index
    %swap3A_248 = tpu.vector_load %arg5[%swap3A_247] {strides = array<i32>} : memref<80xf32, #tpu.memory_space<vmem>>, vector<16xf32>,
    %swap3A_249 = vector.shape_cast %swap3A_248 : vector<16xf32> to vector<16xf32>
    %swap3A_250 = vector.shape_cast %broadcast_in_dim3A_246 : vector<16xf32> to vector<16xf32>
    tpu.vector_store %arg5[%swap3A_247], %swap3A_250 {strides = array<i32>} : memref<80xf32, #tpu.memory_space<vmem>>, vector<16xf32>,
    %broadcast_in_dim3A_251 = arith.constant 1.000000e+00 : f32
    %broadcast_in_dim3A_252 = vector.broadcast %broadcast_in_dim3A_251 : f32 to vector<16xf32>
    %swap3A_253 = arith.constant 32 : index
    %swap3A_254 = tpu.vector_load %arg5[%swap3A_253] {strides = array<i32>} : memref<80xf32, #tpu.memory_space<vmem>>, vector<16xf32>,
    %swap3A_255 = vector.shape_cast %swap3A_254 : vector<16xf32> to vector<16xf32>
    %swap3A_256 = vector.shape_cast %broadcast_in_dim3A_252 : vector<16xf32> to vector<16xf32>
    tpu.vector_store %arg5[%swap3A_253], %swap3A_256 {strides = array<i32>} : memref<80xf32, #tpu.memory_space<vmem>>, vector<16xf32>,
    %broadcast_in_dim3A_257 = arith.constant 1.000000e+00 : f32
    %broadcast_in_dim3A_258 = vector.broadcast %broadcast_in_dim3A_257 : f32 to vector<16xf32>
    %swap3A_259 = arith.constant 48 : index
    %swap3A_260 = tpu.vector_load %arg5[%swap3A_259] {strides = array<i32>} : memref<80xf32, #tpu.memory_space<vmem>>, vector<16xf32>,
    %swap3A_261 = vector.shape_cast %swap3A_260 : vector<16xf32> to vector<16xf32>
    %swap3A_262 = vector.shape_cast %broadcast_in_dim3A_258 : vector<16xf32> to vector<16xf32>
    tpu.vector_store %arg5[%swap3A_259], %swap3A_262 {strides = array<i32>} : memref<80xf32, #tpu.memory_space<vmem>>, vector<16xf32>,
    %broadcast_in_dim3A_263 = arith.constant 1.000000e+00 : f32
    %broadcast_in_dim3A_264 = vector.broadcast %broadcast_in_dim3A_263 : f32 to vector<16xf32>
    %swap3A_265 = arith.constant 64 : index
    %swap3A_266 = tpu.vector_load %arg5[%swap3A_265] {strides = array<i32>} : memref<80xf32, #tpu.memory_space<vmem>>, vector<16xf32>,
    %swap3A_267 = vector.shape_cast %swap3A_266 : vector<16xf32> to vector<16xf32>
    %swap3A_268 = vector.shape_cast %broadcast_in_dim3A_264 : vector<16xf32> to vector<16xf32>
    tpu.vector_store %arg5[%swap3A_265], %swap3A_268 {strides = array<i32>} : memref<80xf32, #tpu.memory_space<vmem>>, vector<16xf32>,
    %mul3A_269 = arith.constant 640 : i32
    %mul3A_270 = arith.muli %arg1, %mul3A_269 : i32
    "tpu.region"() ({
      %run_scoped3A = tpu.sem_alloc : memref<!tpu.dma_semaphore, #tpu.memory_space<semaphore_mem>>
      %dma_start3A = tpu.memref_slice %arg8[%mul3A_270] : memref<10240xf32, #tpu.memory_space<vmem_shared>> -> memref<640xf32, #tpu.memory_space<vmem_shared>>
      %dma_start3A_281 = tpu.memref_slice %arg8[%mul3A_270] : memref<10240xf32, #tpu.memory_space<vmem_shared>> -> memref<640xf32, #tpu.memory_space<vmem_shared>>
      tpu.enqueue_dma source(%arg4 : memref<640xf32, #tpu.memory_space<vmem>>) target(%dma_start3A_281 : memref<640xf32, #tpu.memory_space<vmem_shared>>) target_semaphore(%run_scoped3A : memref<!tpu.dma_semaphore, #tpu.memory_space<semaphore_mem>>)
      %dma_wait3A = tpu.memref_slice %arg8[%mul3A_270] : memref<10240xf32, #tpu.memory_space<vmem_shared>> -> memref<640xf32, #tpu.memory_space<vmem_shared>>
      %dma_wait3A_282 = tpu.memref_slice %arg8[%mul3A_270] : memref<10240xf32, #tpu.memory_space<vmem_shared>> -> memref<640xf32, #tpu.memory_space<vmem_shared>>
      tpu.wait_dma2 semaphore(%run_scoped3A : memref<!tpu.dma_semaphore, #tpu.memory_space<semaphore_mem>>) src(%arg4 : memref<640xf32, #tpu.memory_space<vmem>>) dst(%dma_wait3A_282 : memref<640xf32, #tpu.memory_space<vmem_shared>>)
      tpu.yield
    }) : () -> ()
    %barrier3A = arith.constant 0 : index
    tpu.barrier barrier_id(%barrier3A)
    %scan3A = arith.constant 0 : i32
    %scan3A_271 = arith.constant 0 : i32
    %scan3A_272 = arith.constant 25 : i32
    %scan3A_273 = arith.addi %scan3A_271, %scan3A_272 : i32
    %scan3A_274 = arith.constant 1 : i32
    scf.for %scan3A_281 = %scan3A_271 to %scan3A_273 step %scan3A_274  : i32 {
      %mul3A_282 = arith.constant 10000 : i32
      %mul3A_283 = arith.muli %add3A, %mul3A_282 : i32
      %mul3A_284 = arith.constant 5 : i32
      %mul3A_285 = arith.muli %scan3A_281, %mul3A_284 : i32
      %add3A_286 = arith.constant 0 : i32
      %add3A_287 = arith.addi %mul3A_285, %add3A_286 : i32
      %mul3A_288 = arith.constant 80 : i32
      %mul3A_289 = arith.muli %add3A_287, %mul3A_288 : i32
      %add3A_290 = arith.addi %mul3A_283, %mul3A_289 : i32
      "tpu.region"() ({
        %run_scoped3A = tpu.sem_alloc : memref<!tpu.dma_semaphore, #tpu.memory_space<semaphore_mem>>
        %dma_start3A_345 = tpu.memref_slice %arg2[%add3A_290] : memref<320000xi32, #tpu.memory_space<hbm>> -> memref<80xi32, #tpu.memory_space<hbm>>
        %dma_start3A_346 = tpu.memref_slice %arg2[%add3A_290] : memref<320000xi32, #tpu.memory_space<hbm>> -> memref<80xi32, #tpu.memory_space<hbm>>
        tpu.enqueue_dma source(%dma_start3A_346 : memref<80xi32, #tpu.memory_space<hbm>>) target(%arg6 : memref<80xi32, #tpu.memory_space<vmem>>) target_semaphore(%run_scoped3A : memref<!tpu.dma_semaphore, #tpu.memory_space<semaphore_mem>>)
        %dma_wait3A_347 = tpu.memref_slice %arg2[%add3A_290] : memref<320000xi32, #tpu.memory_space<hbm>> -> memref<80xi32, #tpu.memory_space<hbm>>
        %dma_wait3A_348 = tpu.memref_slice %arg2[%add3A_290] : memref<320000xi32, #tpu.memory_space<hbm>> -> memref<80xi32, #tpu.memory_space<hbm>>
        tpu.wait_dma2 semaphore(%run_scoped3A : memref<!tpu.dma_semaphore, #tpu.memory_space<semaphore_mem>>) src(%dma_wait3A_348 : memref<80xi32, #tpu.memory_space<hbm>>) dst(%arg6 : memref<80xi32, #tpu.memory_space<vmem>>)
        tpu.yield
      }) : () -> ()
      %dma_start3A = arith.constant 0 : i32
      %dma_start3A_291 = tpu.memref_slice %arg8[%dma_start3A] : memref<10240xf32, #tpu.memory_space<vmem_shared>> -> memref<10240xf32, #tpu.memory_space<vmem_shared>>
      tpu.enqueue_indirect_dma source(%arg5 : memref<80xf32, #tpu.memory_space<vmem>>) target(%dma_start3A_291 : memref<10240xf32, #tpu.memory_space<vmem_shared>>) offsets(%arg6 : memref<80xi32, #tpu.memory_space<vmem>>) semaphore(%arg9 : memref<!tpu.dma_semaphore, #tpu.memory_space<semaphore_mem>>) {add = true}
      %mul3A_292 = arith.constant 10000 : i32
      %mul3A_293 = arith.muli %add3A, %mul3A_292 : i32
      %mul3A_294 = arith.constant 5 : i32
      %mul3A_295 = arith.muli %scan3A_281, %mul3A_294 : i32
      %add3A_296 = arith.constant 1 : i32
      %add3A_297 = arith.addi %mul3A_295, %add3A_296 : i32
      %mul3A_298 = arith.constant 80 : i32
      %mul3A_299 = arith.muli %add3A_297, %mul3A_298 : i32
      %add3A_300 = arith.addi %mul3A_293, %mul3A_299 : i32
      "tpu.region"() ({
        %run_scoped3A = tpu.sem_alloc : memref<!tpu.dma_semaphore, #tpu.memory_space<semaphore_mem>>
        %dma_start3A_345 = tpu.memref_slice %arg2[%add3A_300] : memref<320000xi32, #tpu.memory_space<hbm>> -> memref<80xi32, #tpu.memory_space<hbm>>
        %dma_start3A_346 = tpu.memref_slice %arg2[%add3A_300] : memref<320000xi32, #tpu.memory_space<hbm>> -> memref<80xi32, #tpu.memory_space<hbm>>
        tpu.enqueue_dma source(%dma_start3A_346 : memref<80xi32, #tpu.memory_space<hbm>>) target(%arg7 : memref<80xi32, #tpu.memory_space<vmem>>) target_semaphore(%run_scoped3A : memref<!tpu.dma_semaphore, #tpu.memory_space<semaphore_mem>>)
        %dma_wait3A_347 = tpu.memref_slice %arg2[%add3A_300] : memref<320000xi32, #tpu.memory_space<hbm>> -> memref<80xi32, #tpu.memory_space<hbm>>
        %dma_wait3A_348 = tpu.memref_slice %arg2[%add3A_300] : memref<320000xi32, #tpu.memory_space<hbm>> -> memref<80xi32, #tpu.memory_space<hbm>>
        tpu.wait_dma2 semaphore(%run_scoped3A : memref<!tpu.dma_semaphore, #tpu.memory_space<semaphore_mem>>) src(%dma_wait3A_348 : memref<80xi32, #tpu.memory_space<hbm>>) dst(%arg7 : memref<80xi32, #tpu.memory_space<vmem>>)
        tpu.yield
      }) : () -> ()
      %dma_start3A_301 = arith.constant 0 : i32
      %dma_start3A_302 = tpu.memref_slice %arg8[%dma_start3A_301] : memref<10240xf32, #tpu.memory_space<vmem_shared>> -> memref<10240xf32, #tpu.memory_space<vmem_shared>>
      tpu.enqueue_indirect_dma source(%arg5 : memref<80xf32, #tpu.memory_space<vmem>>) target(%dma_start3A_302 : memref<10240xf32, #tpu.memory_space<vmem_shared>>) offsets(%arg7 : memref<80xi32, #tpu.memory_space<vmem>>) semaphore(%arg10 : memref<!tpu.dma_semaphore, #tpu.memory_space<semaphore_mem>>) {add = true}
      %dma_wait3A = arith.constant 0 : i32
      %dma_wait3A_303 = tpu.memref_slice %arg8[%dma_wait3A] : memref<10240xf32, #tpu.memory_space<vmem_shared>> -> memref<10240xf32, #tpu.memory_space<vmem_shared>>
      tpu.wait_indirect_dma semaphore(%arg9 : memref<!tpu.dma_semaphore, #tpu.memory_space<semaphore_mem>>) src(%arg5 : memref<80xf32, #tpu.memory_space<vmem>>) dst(%dma_wait3A_303 : memref<10240xf32, #tpu.memory_space<vmem_shared>>)
      %mul3A_304 = arith.constant 10000 : i32
      %mul3A_305 = arith.muli %add3A, %mul3A_304 : i32
      %mul3A_306 = arith.constant 5 : i32
      %mul3A_307 = arith.muli %scan3A_281, %mul3A_306 : i32
      %add3A_308 = arith.constant 2 : i32
      %add3A_309 = arith.addi %mul3A_307, %add3A_308 : i32
      %mul3A_310 = arith.constant 80 : i32
      %mul3A_311 = arith.muli %add3A_309, %mul3A_310 : i32
      %add3A_312 = arith.addi %mul3A_305, %mul3A_311 : i32
      "tpu.region"() ({
        %run_scoped3A = tpu.sem_alloc : memref<!tpu.dma_semaphore, #tpu.memory_space<semaphore_mem>>
        %dma_start3A_345 = tpu.memref_slice %arg2[%add3A_312] : memref<320000xi32, #tpu.memory_space<hbm>> -> memref<80xi32, #tpu.memory_space<hbm>>
        %dma_start3A_346 = tpu.memref_slice %arg2[%add3A_312] : memref<320000xi32, #tpu.memory_space<hbm>> -> memref<80xi32, #tpu.memory_space<hbm>>
        tpu.enqueue_dma source(%dma_start3A_346 : memref<80xi32, #tpu.memory_space<hbm>>) target(%arg6 : memref<80xi32, #tpu.memory_space<vmem>>) target_semaphore(%run_scoped3A : memref<!tpu.dma_semaphore, #tpu.memory_space<semaphore_mem>>)
        %dma_wait3A_347 = tpu.memref_slice %arg2[%add3A_312] : memref<320000xi32, #tpu.memory_space<hbm>> -> memref<80xi32, #tpu.memory_space<hbm>>
        %dma_wait3A_348 = tpu.memref_slice %arg2[%add3A_312] : memref<320000xi32, #tpu.memory_space<hbm>> -> memref<80xi32, #tpu.memory_space<hbm>>
        tpu.wait_dma2 semaphore(%run_scoped3A : memref<!tpu.dma_semaphore, #tpu.memory_space<semaphore_mem>>) src(%dma_wait3A_348 : memref<80xi32, #tpu.memory_space<hbm>>) dst(%arg6 : memref<80xi32, #tpu.memory_space<vmem>>)
        tpu.yield
      }) : () -> ()
      %dma_start3A_313 = arith.constant 0 : i32
      %dma_start3A_314 = tpu.memref_slice %arg8[%dma_start3A_313] : memref<10240xf32, #tpu.memory_space<vmem_shared>> -> memref<10240xf32, #tpu.memory_space<vmem_shared>>
      tpu.enqueue_indirect_dma source(%arg5 : memref<80xf32, #tpu.memory_space<vmem>>) target(%dma_start3A_314 : memref<10240xf32, #tpu.memory_space<vmem_shared>>) offsets(%arg6 : memref<80xi32, #tpu.memory_space<vmem>>) semaphore(%arg9 : memref<!tpu.dma_semaphore, #tpu.memory_space<semaphore_mem>>) {add = true}
      %dma_wait3A_315 = arith.constant 0 : i32
      %dma_wait3A_316 = tpu.memref_slice %arg8[%dma_wait3A_315] : memref<10240xf32, #tpu.memory_space<vmem_shared>> -> memref<10240xf32, #tpu.memory_space<vmem_shared>>
      tpu.wait_indirect_dma semaphore(%arg10 : memref<!tpu.dma_semaphore, #tpu.memory_space<semaphore_mem>>) src(%arg5 : memref<80xf32, #tpu.memory_space<vmem>>) dst(%dma_wait3A_316 : memref<10240xf32, #tpu.memory_space<vmem_shared>>)
      %mul3A_317 = arith.constant 10000 : i32
      %mul3A_318 = arith.muli %add3A, %mul3A_317 : i32
      %mul3A_319 = arith.constant 5 : i32
      %mul3A_320 = arith.muli %scan3A_281, %mul3A_319 : i32
      %add3A_321 = arith.constant 3 : i32
      %add3A_322 = arith.addi %mul3A_320, %add3A_321 : i32
      %mul3A_323 = arith.constant 80 : i32
      %mul3A_324 = arith.muli %add3A_322, %mul3A_323 : i32
      %add3A_325 = arith.addi %mul3A_318, %mul3A_324 : i32
      "tpu.region"() ({
        %run_scoped3A = tpu.sem_alloc : memref<!tpu.dma_semaphore, #tpu.memory_space<semaphore_mem>>
        %dma_start3A_345 = tpu.memref_slice %arg2[%add3A_325] : memref<320000xi32, #tpu.memory_space<hbm>> -> memref<80xi32, #tpu.memory_space<hbm>>
        %dma_start3A_346 = tpu.memref_slice %arg2[%add3A_325] : memref<320000xi32, #tpu.memory_space<hbm>> -> memref<80xi32, #tpu.memory_space<hbm>>
        tpu.enqueue_dma source(%dma_start3A_346 : memref<80xi32, #tpu.memory_space<hbm>>) target(%arg7 : memref<80xi32, #tpu.memory_space<vmem>>) target_semaphore(%run_scoped3A : memref<!tpu.dma_semaphore, #tpu.memory_space<semaphore_mem>>)
        %dma_wait3A_347 = tpu.memref_slice %arg2[%add3A_325] : memref<320000xi32, #tpu.memory_space<hbm>> -> memref<80xi32, #tpu.memory_space<hbm>>
        %dma_wait3A_348 = tpu.memref_slice %arg2[%add3A_325] : memref<320000xi32, #tpu.memory_space<hbm>> -> memref<80xi32, #tpu.memory_space<hbm>>
        tpu.wait_dma2 semaphore(%run_scoped3A : memref<!tpu.dma_semaphore, #tpu.memory_space<semaphore_mem>>) src(%dma_wait3A_348 : memref<80xi32, #tpu.memory_space<hbm>>) dst(%arg7 : memref<80xi32, #tpu.memory_space<vmem>>)
        tpu.yield
      }) : () -> ()
      %dma_start3A_326 = arith.constant 0 : i32
      %dma_start3A_327 = tpu.memref_slice %arg8[%dma_start3A_326] : memref<10240xf32, #tpu.memory_space<vmem_shared>> -> memref<10240xf32, #tpu.memory_space<vmem_shared>>
      tpu.enqueue_indirect_dma source(%arg5 : memref<80xf32, #tpu.memory_space<vmem>>) target(%dma_start3A_327 : memref<10240xf32, #tpu.memory_space<vmem_shared>>) offsets(%arg7 : memref<80xi32, #tpu.memory_space<vmem>>) semaphore(%arg10 : memref<!tpu.dma_semaphore, #tpu.memory_space<semaphore_mem>>) {add = true}
      %dma_wait3A_328 = arith.constant 0 : i32
      %dma_wait3A_329 = tpu.memref_slice %arg8[%dma_wait3A_328] : memref<10240xf32, #tpu.memory_space<vmem_shared>> -> memref<10240xf32, #tpu.memory_space<vmem_shared>>
      tpu.wait_indirect_dma semaphore(%arg9 : memref<!tpu.dma_semaphore, #tpu.memory_space<semaphore_mem>>) src(%arg5 : memref<80xf32, #tpu.memory_space<vmem>>) dst(%dma_wait3A_329 : memref<10240xf32, #tpu.memory_space<vmem_shared>>)
      %mul3A_330 = arith.constant 10000 : i32
      %mul3A_331 = arith.muli %add3A, %mul3A_330 : i32
      %mul3A_332 = arith.constant 5 : i32
      %mul3A_333 = arith.muli %scan3A_281, %mul3A_332 : i32
      %add3A_334 = arith.constant 4 : i32
      %add3A_335 = arith.addi %mul3A_333, %add3A_334 : i32
      %mul3A_336 = arith.constant 80 : i32
      %mul3A_337 = arith.muli %add3A_335, %mul3A_336 : i32
      %add3A_338 = arith.addi %mul3A_331, %mul3A_337 : i32
      "tpu.region"() ({
        %run_scoped3A = tpu.sem_alloc : memref<!tpu.dma_semaphore, #tpu.memory_space<semaphore_mem>>
        %dma_start3A_345 = tpu.memref_slice %arg2[%add3A_338] : memref<320000xi32, #tpu.memory_space<hbm>> -> memref<80xi32, #tpu.memory_space<hbm>>
        %dma_start3A_346 = tpu.memref_slice %arg2[%add3A_338] : memref<320000xi32, #tpu.memory_space<hbm>> -> memref<80xi32, #tpu.memory_space<hbm>>
        tpu.enqueue_dma source(%dma_start3A_346 : memref<80xi32, #tpu.memory_space<hbm>>) target(%arg6 : memref<80xi32, #tpu.memory_space<vmem>>) target_semaphore(%run_scoped3A : memref<!tpu.dma_semaphore, #tpu.memory_space<semaphore_mem>>)
        %dma_wait3A_347 = tpu.memref_slice %arg2[%add3A_338] : memref<320000xi32, #tpu.memory_space<hbm>> -> memref<80xi32, #tpu.memory_space<hbm>>
        %dma_wait3A_348 = tpu.memref_slice %arg2[%add3A_338] : memref<320000xi32, #tpu.memory_space<hbm>> -> memref<80xi32, #tpu.memory_space<hbm>>
        tpu.wait_dma2 semaphore(%run_scoped3A : memref<!tpu.dma_semaphore, #tpu.memory_space<semaphore_mem>>) src(%dma_wait3A_348 : memref<80xi32, #tpu.memory_space<hbm>>) dst(%arg6 : memref<80xi32, #tpu.memory_space<vmem>>)
        tpu.yield
      }) : () -> ()
      %dma_start3A_339 = arith.constant 0 : i32
      %dma_start3A_340 = tpu.memref_slice %arg8[%dma_start3A_339] : memref<10240xf32, #tpu.memory_space<vmem_shared>> -> memref<10240xf32, #tpu.memory_space<vmem_shared>>
      tpu.enqueue_indirect_dma source(%arg5 : memref<80xf32, #tpu.memory_space<vmem>>) target(%dma_start3A_340 : memref<10240xf32, #tpu.memory_space<vmem_shared>>) offsets(%arg6 : memref<80xi32, #tpu.memory_space<vmem>>) semaphore(%arg9 : memref<!tpu.dma_semaphore, #tpu.memory_space<semaphore_mem>>) {add = true}
      %dma_wait3A_341 = arith.constant 0 : i32
      %dma_wait3A_342 = tpu.memref_slice %arg8[%dma_wait3A_341] : memref<10240xf32, #tpu.memory_space<vmem_shared>> -> memref<10240xf32, #tpu.memory_space<vmem_shared>>
      tpu.wait_indirect_dma semaphore(%arg9 : memref<!tpu.dma_semaphore, #tpu.memory_space<semaphore_mem>>) src(%arg5 : memref<80xf32, #tpu.memory_space<vmem>>) dst(%dma_wait3A_342 : memref<10240xf32, #tpu.memory_space<vmem_shared>>)
      %dma_wait3A_343 = arith.constant 0 : i32
      %dma_wait3A_344 = tpu.memref_slice %arg8[%dma_wait3A_343] : memref<10240xf32, #tpu.memory_space<vmem_shared>> -> memref<10240xf32, #tpu.memory_space<vmem_shared>>
      tpu.wait_indirect_dma semaphore(%arg10 : memref<!tpu.dma_semaphore, #tpu.memory_space<semaphore_mem>>) src(%arg5 : memref<80xf32, #tpu.memory_space<vmem>>) dst(%dma_wait3A_344 : memref<10240xf32, #tpu.memory_space<vmem_shared>>)
    }
    %scan3A_275 = arith.constant 25 : i32
    %barrier3A_276 = arith.constant 0 : index
    tpu.barrier barrier_id(%barrier3A_276)
    %mul3A_277 = arith.constant 640 : i32
    %mul3A_278 = arith.muli %arg1, %mul3A_277 : i32
    %mul3A_279 = arith.constant 640 : i32
    %mul3A_280 = arith.muli %arg1, %mul3A_279 : i32
    "tpu.region"() ({
      %run_scoped3A = tpu.sem_alloc : memref<!tpu.dma_semaphore, #tpu.memory_space<semaphore_mem>>
      %dma_start3A = tpu.memref_slice %arg3[%arg0, %mul3A_280] : memref<2x10240xf32, #tpu.memory_space<hbm>> -> memref<1x640xf32, #tpu.memory_space<hbm>>
      %dma_start3A_281 = tpu.memref_squeeze %dma_start3A : memref<1x640xf32, #tpu.memory_space<hbm>> -> memref<640xf32, #tpu.memory_space<hbm>>
      %dma_start3A_282 = tpu.memref_slice %arg8[%mul3A_278] : memref<10240xf32, #tpu.memory_space<vmem_shared>> -> memref<640xf32, #tpu.memory_space<vmem_shared>>
      tpu.enqueue_dma source(%dma_start3A_282 : memref<640xf32, #tpu.memory_space<vmem_shared>>) target(%dma_start3A_281 : memref<640xf32, #tpu.memory_space<hbm>>) target_semaphore(%run_scoped3A : memref<!tpu.dma_semaphore, #tpu.memory_space<semaphore_mem>>)
      %dma_wait3A = tpu.memref_slice %arg3[%arg0, %mul3A_280] : memref<2x10240xf32, #tpu.memory_space<hbm>> -> memref<1x640xf32, #tpu.memory_space<hbm>>
      %dma_wait3A_283 = tpu.memref_squeeze %dma_wait3A : memref<1x640xf32, #tpu.memory_space<hbm>> -> memref<640xf32, #tpu.memory_space<hbm>>
      %dma_wait3A_284 = tpu.memref_slice %arg8[%mul3A_278] : memref<10240xf32, #tpu.memory_space<vmem_shared>> -> memref<640xf32, #tpu.memory_space<vmem_shared>>
      tpu.wait_dma2 semaphore(%run_scoped3A : memref<!tpu.dma_semaphore, #tpu.memory_space<semaphore_mem>>) src(%dma_wait3A_284 : memref<640xf32, #tpu.memory_space<vmem_shared>>) dst(%dma_wait3A_283 : memref<640xf32, #tpu.memory_space<hbm>>)
      tpu.yield
    }) : () -> ()
    return
  }
}

#map = affine_map<(d0, d1) -> (0)>
#map1 = affine_map<(d0, d1) -> (0, 0)>
#map2 = affine_map<(d0, d1) -> (0, 0, 0)>
module attributes {stable_mosaic.version = 14 : i64} {
  func.func @run(%arg0: i32, %arg1: i32, %arg2: memref<320000xi32, #tpu.memory_space<hbm>>, %arg3: memref<320000xi32, #tpu.memory_space<hbm>>, %arg4: memref<10000x128xf32, #tpu.memory_space<hbm>>, %arg5: memref<2x10240x128xf32, #tpu.memory_space<hbm>>, %arg6: memref<160x128xf32, #tpu.memory_space<vmem>>, %arg7: memref<80xi32, #tpu.memory_space<vmem>>, %arg8: memref<80xi32, #tpu.memory_space<vmem>>, %arg9: memref<80x128xf32, #tpu.memory_space<vmem>>, %arg10: memref<80xi32, #tpu.memory_space<vmem>>, %arg11: memref<80xi32, #tpu.memory_space<vmem>>, %arg12: memref<80x128xf32, #tpu.memory_space<vmem>>, %arg13: memref<10240x128xf32, #tpu.memory_space<vmem_shared>>, %arg14: memref<!tpu.dma_semaphore, #tpu.memory_space<semaphore_mem>>, %arg15: memref<!tpu.dma_semaphore, #tpu.memory_space<semaphore_mem>>, %arg16: memref<!tpu.dma_semaphore, #tpu.memory_space<semaphore_mem>>, %arg17: memref<!tpu.dma_semaphore, #tpu.memory_space<semaphore_mem>>) attributes {dimension_semantics = [#tpu.dimension_semantics<core_parallel>, #tpu.dimension_semantics<subcore_parallel>], iteration_bounds = array<i64: 2, 16>, scalar_prefetch = 0 : i64, scratch_operands = 12 : i64, tpu.core_type = #tpu.core_type<sc_vector_subcore>, window_params = [{transform_indices = #map}, {transform_indices = #map}, {transform_indices = #map1}, {transform_indices = #map2}]} {
    %mul3A = arith.constant 16 : i32
    %mul3A_0 = arith.muli %arg0, %mul3A : i32
    %add3A = arith.addi %mul3A_0, %arg1 : i32
    %scan3A = arith.constant 0 : i32
    %scan3A_1 = arith.constant 0 : i32
    %scan3A_2 = arith.constant 160 : i32
    %scan3A_3 = arith.addi %scan3A_1, %scan3A_2 : i32
    %scan3A_4 = arith.constant 1 : i32
    scf.for %scan3A_45 = %scan3A_1 to %scan3A_3 step %scan3A_4  : i32 {
      %broadcast_in_dim3A = arith.constant 0.000000e+00 : f32
      %broadcast_in_dim3A_46 = vector.broadcast %broadcast_in_dim3A : f32 to vector<16xf32>
      %swap3A = arith.index_cast %scan3A_45 : i32 to index
      %swap3A_47 = arith.constant 0 : index
      %swap3A_48 = tpu.vector_load %arg6[%swap3A, %swap3A_47] {strides = array<i32>} : memref<160x128xf32, #tpu.memory_space<vmem>>, vector<1x16xf32>,
      %swap3A_49 = vector.shape_cast %swap3A_48 : vector<1x16xf32> to vector<16xf32>
      %swap3A_50 = vector.shape_cast %broadcast_in_dim3A_46 : vector<16xf32> to vector<1x16xf32>
      tpu.vector_store %arg6[%swap3A, %swap3A_47], %swap3A_50 {strides = array<i32>} : memref<160x128xf32, #tpu.memory_space<vmem>>, vector<1x16xf32>,
      %broadcast_in_dim3A_51 = arith.constant 0.000000e+00 : f32
      %broadcast_in_dim3A_52 = vector.broadcast %broadcast_in_dim3A_51 : f32 to vector<16xf32>
      %swap3A_53 = arith.index_cast %scan3A_45 : i32 to index
      %swap3A_54 = arith.constant 16 : index
      %swap3A_55 = tpu.vector_load %arg6[%swap3A_53, %swap3A_54] {strides = array<i32>} : memref<160x128xf32, #tpu.memory_space<vmem>>, vector<1x16xf32>,
      %swap3A_56 = vector.shape_cast %swap3A_55 : vector<1x16xf32> to vector<16xf32>
      %swap3A_57 = vector.shape_cast %broadcast_in_dim3A_52 : vector<16xf32> to vector<1x16xf32>
      tpu.vector_store %arg6[%swap3A_53, %swap3A_54], %swap3A_57 {strides = array<i32>} : memref<160x128xf32, #tpu.memory_space<vmem>>, vector<1x16xf32>,
      %broadcast_in_dim3A_58 = arith.constant 0.000000e+00 : f32
      %broadcast_in_dim3A_59 = vector.broadcast %broadcast_in_dim3A_58 : f32 to vector<16xf32>
      %swap3A_60 = arith.index_cast %scan3A_45 : i32 to index
      %swap3A_61 = arith.constant 32 : index
      %swap3A_62 = tpu.vector_load %arg6[%swap3A_60, %swap3A_61] {strides = array<i32>} : memref<160x128xf32, #tpu.memory_space<vmem>>, vector<1x16xf32>,
      %swap3A_63 = vector.shape_cast %swap3A_62 : vector<1x16xf32> to vector<16xf32>
      %swap3A_64 = vector.shape_cast %broadcast_in_dim3A_59 : vector<16xf32> to vector<1x16xf32>
      tpu.vector_store %arg6[%swap3A_60, %swap3A_61], %swap3A_64 {strides = array<i32>} : memref<160x128xf32, #tpu.memory_space<vmem>>, vector<1x16xf32>,
      %broadcast_in_dim3A_65 = arith.constant 0.000000e+00 : f32
      %broadcast_in_dim3A_66 = vector.broadcast %broadcast_in_dim3A_65 : f32 to vector<16xf32>
      %swap3A_67 = arith.index_cast %scan3A_45 : i32 to index
      %swap3A_68 = arith.constant 48 : index
      %swap3A_69 = tpu.vector_load %arg6[%swap3A_67, %swap3A_68] {strides = array<i32>} : memref<160x128xf32, #tpu.memory_space<vmem>>, vector<1x16xf32>,
      %swap3A_70 = vector.shape_cast %swap3A_69 : vector<1x16xf32> to vector<16xf32>
      %swap3A_71 = vector.shape_cast %broadcast_in_dim3A_66 : vector<16xf32> to vector<1x16xf32>
      tpu.vector_store %arg6[%swap3A_67, %swap3A_68], %swap3A_71 {strides = array<i32>} : memref<160x128xf32, #tpu.memory_space<vmem>>, vector<1x16xf32>,
      %broadcast_in_dim3A_72 = arith.constant 0.000000e+00 : f32
      %broadcast_in_dim3A_73 = vector.broadcast %broadcast_in_dim3A_72 : f32 to vector<16xf32>
      %swap3A_74 = arith.index_cast %scan3A_45 : i32 to index
      %swap3A_75 = arith.constant 64 : index
      %swap3A_76 = tpu.vector_load %arg6[%swap3A_74, %swap3A_75] {strides = array<i32>} : memref<160x128xf32, #tpu.memory_space<vmem>>, vector<1x16xf32>,
      %swap3A_77 = vector.shape_cast %swap3A_76 : vector<1x16xf32> to vector<16xf32>
      %swap3A_78 = vector.shape_cast %broadcast_in_dim3A_73 : vector<16xf32> to vector<1x16xf32>
      tpu.vector_store %arg6[%swap3A_74, %swap3A_75], %swap3A_78 {strides = array<i32>} : memref<160x128xf32, #tpu.memory_space<vmem>>, vector<1x16xf32>,
      %broadcast_in_dim3A_79 = arith.constant 0.000000e+00 : f32
      %broadcast_in_dim3A_80 = vector.broadcast %broadcast_in_dim3A_79 : f32 to vector<16xf32>
      %swap3A_81 = arith.index_cast %scan3A_45 : i32 to index
      %swap3A_82 = arith.constant 80 : index
      %swap3A_83 = tpu.vector_load %arg6[%swap3A_81, %swap3A_82] {strides = array<i32>} : memref<160x128xf32, #tpu.memory_space<vmem>>, vector<1x16xf32>,
      %swap3A_84 = vector.shape_cast %swap3A_83 : vector<1x16xf32> to vector<16xf32>
      %swap3A_85 = vector.shape_cast %broadcast_in_dim3A_80 : vector<16xf32> to vector<1x16xf32>
      tpu.vector_store %arg6[%swap3A_81, %swap3A_82], %swap3A_85 {strides = array<i32>} : memref<160x128xf32, #tpu.memory_space<vmem>>, vector<1x16xf32>,
      %broadcast_in_dim3A_86 = arith.constant 0.000000e+00 : f32
      %broadcast_in_dim3A_87 = vector.broadcast %broadcast_in_dim3A_86 : f32 to vector<16xf32>
      %swap3A_88 = arith.index_cast %scan3A_45 : i32 to index
      %swap3A_89 = arith.constant 96 : index
      %swap3A_90 = tpu.vector_load %arg6[%swap3A_88, %swap3A_89] {strides = array<i32>} : memref<160x128xf32, #tpu.memory_space<vmem>>, vector<1x16xf32>,
      %swap3A_91 = vector.shape_cast %swap3A_90 : vector<1x16xf32> to vector<16xf32>
      %swap3A_92 = vector.shape_cast %broadcast_in_dim3A_87 : vector<16xf32> to vector<1x16xf32>
      tpu.vector_store %arg6[%swap3A_88, %swap3A_89], %swap3A_92 {strides = array<i32>} : memref<160x128xf32, #tpu.memory_space<vmem>>, vector<1x16xf32>,
      %broadcast_in_dim3A_93 = arith.constant 0.000000e+00 : f32
      %broadcast_in_dim3A_94 = vector.broadcast %broadcast_in_dim3A_93 : f32 to vector<16xf32>
      %swap3A_95 = arith.index_cast %scan3A_45 : i32 to index
      %swap3A_96 = arith.constant 112 : index
      %swap3A_97 = tpu.vector_load %arg6[%swap3A_95, %swap3A_96] {strides = array<i32>} : memref<160x128xf32, #tpu.memory_space<vmem>>, vector<1x16xf32>,
      %swap3A_98 = vector.shape_cast %swap3A_97 : vector<1x16xf32> to vector<16xf32>
      %swap3A_99 = vector.shape_cast %broadcast_in_dim3A_94 : vector<16xf32> to vector<1x16xf32>
      tpu.vector_store %arg6[%swap3A_95, %swap3A_96], %swap3A_99 {strides = array<i32>} : memref<160x128xf32, #tpu.memory_space<vmem>>, vector<1x16xf32>,
    }
    %scan3A_5 = arith.constant 160 : i32
    %mul3A_6 = arith.constant 640 : i32
    %mul3A_7 = arith.muli %arg1, %mul3A_6 : i32
    %add3A_8 = arith.constant 0 : i32
    %add3A_9 = arith.addi %mul3A_7, %add3A_8 : i32
    "tpu.region"() ({
      %run_scoped3A = tpu.sem_alloc : memref<!tpu.dma_semaphore, #tpu.memory_space<semaphore_mem>>
      %dma_start3A = arith.constant 0 : i32
      %dma_start3A_45 = tpu.memref_slice %arg13[%add3A_9, %dma_start3A] : memref<10240x128xf32, #tpu.memory_space<vmem_shared>> -> memref<160x128xf32, #tpu.memory_space<vmem_shared>>
      %dma_start3A_46 = arith.constant 0 : i32
      %dma_start3A_47 = tpu.memref_slice %arg13[%add3A_9, %dma_start3A_46] : memref<10240x128xf32, #tpu.memory_space<vmem_shared>> -> memref<160x128xf32, #tpu.memory_space<vmem_shared>>
      tpu.enqueue_dma source(%arg6 : memref<160x128xf32, #tpu.memory_space<vmem>>) target(%dma_start3A_47 : memref<160x128xf32, #tpu.memory_space<vmem_shared>>) target_semaphore(%run_scoped3A : memref<!tpu.dma_semaphore, #tpu.memory_space<semaphore_mem>>)
      %dma_wait3A = arith.constant 0 : i32
      %dma_wait3A_48 = tpu.memref_slice %arg13[%add3A_9, %dma_wait3A] : memref<10240x128xf32, #tpu.memory_space<vmem_shared>> -> memref<160x128xf32, #tpu.memory_space<vmem_shared>>
      %dma_wait3A_49 = arith.constant 0 : i32
      %dma_wait3A_50 = tpu.memref_slice %arg13[%add3A_9, %dma_wait3A_49] : memref<10240x128xf32, #tpu.memory_space<vmem_shared>> -> memref<160x128xf32, #tpu.memory_space<vmem_shared>>
      tpu.wait_dma2 semaphore(%run_scoped3A : memref<!tpu.dma_semaphore, #tpu.memory_space<semaphore_mem>>) src(%arg6 : memref<160x128xf32, #tpu.memory_space<vmem>>) dst(%dma_wait3A_50 : memref<160x128xf32, #tpu.memory_space<vmem_shared>>)
      tpu.yield
    }) : () -> ()
    %mul3A_10 = arith.constant 640 : i32
    %mul3A_11 = arith.muli %arg1, %mul3A_10 : i32
    %add3A_12 = arith.constant 160 : i32
    %add3A_13 = arith.addi %mul3A_11, %add3A_12 : i32
    "tpu.region"() ({
      %run_scoped3A = tpu.sem_alloc : memref<!tpu.dma_semaphore, #tpu.memory_space<semaphore_mem>>
      %dma_start3A = arith.constant 0 : i32
      %dma_start3A_45 = tpu.memref_slice %arg13[%add3A_13, %dma_start3A] : memref<10240x128xf32, #tpu.memory_space<vmem_shared>> -> memref<160x128xf32, #tpu.memory_space<vmem_shared>>
      %dma_start3A_46 = arith.constant 0 : i32
      %dma_start3A_47 = tpu.memref_slice %arg13[%add3A_13, %dma_start3A_46] : memref<10240x128xf32, #tpu.memory_space<vmem_shared>> -> memref<160x128xf32, #tpu.memory_space<vmem_shared>>
      tpu.enqueue_dma source(%arg6 : memref<160x128xf32, #tpu.memory_space<vmem>>) target(%dma_start3A_47 : memref<160x128xf32, #tpu.memory_space<vmem_shared>>) target_semaphore(%run_scoped3A : memref<!tpu.dma_semaphore, #tpu.memory_space<semaphore_mem>>)
      %dma_wait3A = arith.constant 0 : i32
      %dma_wait3A_48 = tpu.memref_slice %arg13[%add3A_13, %dma_wait3A] : memref<10240x128xf32, #tpu.memory_space<vmem_shared>> -> memref<160x128xf32, #tpu.memory_space<vmem_shared>>
      %dma_wait3A_49 = arith.constant 0 : i32
      %dma_wait3A_50 = tpu.memref_slice %arg13[%add3A_13, %dma_wait3A_49] : memref<10240x128xf32, #tpu.memory_space<vmem_shared>> -> memref<160x128xf32, #tpu.memory_space<vmem_shared>>
      tpu.wait_dma2 semaphore(%run_scoped3A : memref<!tpu.dma_semaphore, #tpu.memory_space<semaphore_mem>>) src(%arg6 : memref<160x128xf32, #tpu.memory_space<vmem>>) dst(%dma_wait3A_50 : memref<160x128xf32, #tpu.memory_space<vmem_shared>>)
      tpu.yield
    }) : () -> ()
    %mul3A_14 = arith.constant 640 : i32
    %mul3A_15 = arith.muli %arg1, %mul3A_14 : i32
    %add3A_16 = arith.constant 320 : i32
    %add3A_17 = arith.addi %mul3A_15, %add3A_16 : i32
    "tpu.region"() ({
      %run_scoped3A = tpu.sem_alloc : memref<!tpu.dma_semaphore, #tpu.memory_space<semaphore_mem>>
      %dma_start3A = arith.constant 0 : i32
      %dma_start3A_45 = tpu.memref_slice %arg13[%add3A_17, %dma_start3A] : memref<10240x128xf32, #tpu.memory_space<vmem_shared>> -> memref<160x128xf32, #tpu.memory_space<vmem_shared>>
      %dma_start3A_46 = arith.constant 0 : i32
      %dma_start3A_47 = tpu.memref_slice %arg13[%add3A_17, %dma_start3A_46] : memref<10240x128xf32, #tpu.memory_space<vmem_shared>> -> memref<160x128xf32, #tpu.memory_space<vmem_shared>>
      tpu.enqueue_dma source(%arg6 : memref<160x128xf32, #tpu.memory_space<vmem>>) target(%dma_start3A_47 : memref<160x128xf32, #tpu.memory_space<vmem_shared>>) target_semaphore(%run_scoped3A : memref<!tpu.dma_semaphore, #tpu.memory_space<semaphore_mem>>)
      %dma_wait3A = arith.constant 0 : i32
      %dma_wait3A_48 = tpu.memref_slice %arg13[%add3A_17, %dma_wait3A] : memref<10240x128xf32, #tpu.memory_space<vmem_shared>> -> memref<160x128xf32, #tpu.memory_space<vmem_shared>>
      %dma_wait3A_49 = arith.constant 0 : i32
      %dma_wait3A_50 = tpu.memref_slice %arg13[%add3A_17, %dma_wait3A_49] : memref<10240x128xf32, #tpu.memory_space<vmem_shared>> -> memref<160x128xf32, #tpu.memory_space<vmem_shared>>
      tpu.wait_dma2 semaphore(%run_scoped3A : memref<!tpu.dma_semaphore, #tpu.memory_space<semaphore_mem>>) src(%arg6 : memref<160x128xf32, #tpu.memory_space<vmem>>) dst(%dma_wait3A_50 : memref<160x128xf32, #tpu.memory_space<vmem_shared>>)
      tpu.yield
    }) : () -> ()
    %mul3A_18 = arith.constant 640 : i32
    %mul3A_19 = arith.muli %arg1, %mul3A_18 : i32
    %add3A_20 = arith.constant 480 : i32
    %add3A_21 = arith.addi %mul3A_19, %add3A_20 : i32
    "tpu.region"() ({
      %run_scoped3A = tpu.sem_alloc : memref<!tpu.dma_semaphore, #tpu.memory_space<semaphore_mem>>
      %dma_start3A = arith.constant 0 : i32
      %dma_start3A_45 = tpu.memref_slice %arg13[%add3A_21, %dma_start3A] : memref<10240x128xf32, #tpu.memory_space<vmem_shared>> -> memref<160x128xf32, #tpu.memory_space<vmem_shared>>
      %dma_start3A_46 = arith.constant 0 : i32
      %dma_start3A_47 = tpu.memref_slice %arg13[%add3A_21, %dma_start3A_46] : memref<10240x128xf32, #tpu.memory_space<vmem_shared>> -> memref<160x128xf32, #tpu.memory_space<vmem_shared>>
      tpu.enqueue_dma source(%arg6 : memref<160x128xf32, #tpu.memory_space<vmem>>) target(%dma_start3A_47 : memref<160x128xf32, #tpu.memory_space<vmem_shared>>) target_semaphore(%run_scoped3A : memref<!tpu.dma_semaphore, #tpu.memory_space<semaphore_mem>>)
      %dma_wait3A = arith.constant 0 : i32
      %dma_wait3A_48 = tpu.memref_slice %arg13[%add3A_21, %dma_wait3A] : memref<10240x128xf32, #tpu.memory_space<vmem_shared>> -> memref<160x128xf32, #tpu.memory_space<vmem_shared>>
      %dma_wait3A_49 = arith.constant 0 : i32
      %dma_wait3A_50 = tpu.memref_slice %arg13[%add3A_21, %dma_wait3A_49] : memref<10240x128xf32, #tpu.memory_space<vmem_shared>> -> memref<160x128xf32, #tpu.memory_space<vmem_shared>>
      tpu.wait_dma2 semaphore(%run_scoped3A : memref<!tpu.dma_semaphore, #tpu.memory_space<semaphore_mem>>) src(%arg6 : memref<160x128xf32, #tpu.memory_space<vmem>>) dst(%dma_wait3A_50 : memref<160x128xf32, #tpu.memory_space<vmem_shared>>)
      tpu.yield
    }) : () -> ()
    %barrier3A = arith.constant 0 : index
    tpu.barrier barrier_id(%barrier3A)
    %scan3A_22 = arith.constant 0 : i32
    %scan3A_23 = arith.constant 0 : i32
    %scan3A_24 = arith.constant 25 : i32
    %scan3A_25 = arith.addi %scan3A_23, %scan3A_24 : i32
    %scan3A_26 = arith.constant 1 : i32
    scf.for %scan3A_45 = %scan3A_23 to %scan3A_25 step %scan3A_26  : i32 {
      %mul3A_46 = arith.constant 10000 : i32
      %mul3A_47 = arith.muli %add3A, %mul3A_46 : i32
      %mul3A_48 = arith.constant 5 : i32
      %mul3A_49 = arith.muli %scan3A_45, %mul3A_48 : i32
      %add3A_50 = arith.constant 0 : i32
      %add3A_51 = arith.addi %mul3A_49, %add3A_50 : i32
      %mul3A_52 = arith.constant 80 : i32
      %mul3A_53 = arith.muli %add3A_51, %mul3A_52 : i32
      %add3A_54 = arith.addi %mul3A_47, %mul3A_53 : i32
      "tpu.region"() ({
        %run_scoped3A = tpu.sem_alloc : memref<!tpu.dma_semaphore, #tpu.memory_space<semaphore_mem>>
        %dma_start3A_149 = tpu.memref_slice %arg2[%add3A_54] : memref<320000xi32, #tpu.memory_space<hbm>> -> memref<80xi32, #tpu.memory_space<hbm>>
        %dma_start3A_150 = tpu.memref_slice %arg2[%add3A_54] : memref<320000xi32, #tpu.memory_space<hbm>> -> memref<80xi32, #tpu.memory_space<hbm>>
        tpu.enqueue_dma source(%dma_start3A_150 : memref<80xi32, #tpu.memory_space<hbm>>) target(%arg7 : memref<80xi32, #tpu.memory_space<vmem>>) target_semaphore(%run_scoped3A : memref<!tpu.dma_semaphore, #tpu.memory_space<semaphore_mem>>)
        %dma_wait3A_151 = tpu.memref_slice %arg2[%add3A_54] : memref<320000xi32, #tpu.memory_space<hbm>> -> memref<80xi32, #tpu.memory_space<hbm>>
        %dma_wait3A_152 = tpu.memref_slice %arg2[%add3A_54] : memref<320000xi32, #tpu.memory_space<hbm>> -> memref<80xi32, #tpu.memory_space<hbm>>
        tpu.wait_dma2 semaphore(%run_scoped3A : memref<!tpu.dma_semaphore, #tpu.memory_space<semaphore_mem>>) src(%dma_wait3A_152 : memref<80xi32, #tpu.memory_space<hbm>>) dst(%arg7 : memref<80xi32, #tpu.memory_space<vmem>>)
        tpu.yield
      }) : () -> ()
      "tpu.region"() ({
        %run_scoped3A = tpu.sem_alloc : memref<!tpu.dma_semaphore, #tpu.memory_space<semaphore_mem>>
        %dma_start3A_149 = tpu.memref_slice %arg3[%add3A_54] : memref<320000xi32, #tpu.memory_space<hbm>> -> memref<80xi32, #tpu.memory_space<hbm>>
        %dma_start3A_150 = tpu.memref_slice %arg3[%add3A_54] : memref<320000xi32, #tpu.memory_space<hbm>> -> memref<80xi32, #tpu.memory_space<hbm>>
        tpu.enqueue_dma source(%dma_start3A_150 : memref<80xi32, #tpu.memory_space<hbm>>) target(%arg8 : memref<80xi32, #tpu.memory_space<vmem>>) target_semaphore(%run_scoped3A : memref<!tpu.dma_semaphore, #tpu.memory_space<semaphore_mem>>)
        %dma_wait3A_151 = tpu.memref_slice %arg3[%add3A_54] : memref<320000xi32, #tpu.memory_space<hbm>> -> memref<80xi32, #tpu.memory_space<hbm>>
        %dma_wait3A_152 = tpu.memref_slice %arg3[%add3A_54] : memref<320000xi32, #tpu.memory_space<hbm>> -> memref<80xi32, #tpu.memory_space<hbm>>
        tpu.wait_dma2 semaphore(%run_scoped3A : memref<!tpu.dma_semaphore, #tpu.memory_space<semaphore_mem>>) src(%dma_wait3A_152 : memref<80xi32, #tpu.memory_space<hbm>>) dst(%arg8 : memref<80xi32, #tpu.memory_space<vmem>>)
        tpu.yield
      }) : () -> ()
      %dma_start3A = arith.constant 0 : i32
      %dma_start3A_55 = arith.constant 0 : i32
      %dma_start3A_56 = tpu.memref_slice %arg4[%dma_start3A, %dma_start3A_55] : memref<10000x128xf32, #tpu.memory_space<hbm>> -> memref<10000x128xf32, #tpu.memory_space<hbm>>
      tpu.enqueue_indirect_dma source(%dma_start3A_56 : memref<10000x128xf32, #tpu.memory_space<hbm>>) target(%arg9 : memref<80x128xf32, #tpu.memory_space<vmem>>) offsets(%arg7 : memref<80xi32, #tpu.memory_space<vmem>>) semaphore(%arg14 : memref<!tpu.dma_semaphore, #tpu.memory_space<semaphore_mem>>)
      %mul3A_57 = arith.constant 10000 : i32
      %mul3A_58 = arith.muli %add3A, %mul3A_57 : i32
      %mul3A_59 = arith.constant 5 : i32
      %mul3A_60 = arith.muli %scan3A_45, %mul3A_59 : i32
      %add3A_61 = arith.constant 1 : i32
      %add3A_62 = arith.addi %mul3A_60, %add3A_61 : i32
      %mul3A_63 = arith.constant 80 : i32
      %mul3A_64 = arith.muli %add3A_62, %mul3A_63 : i32
      %add3A_65 = arith.addi %mul3A_58, %mul3A_64 : i32
      "tpu.region"() ({
        %run_scoped3A = tpu.sem_alloc : memref<!tpu.dma_semaphore, #tpu.memory_space<semaphore_mem>>
        %dma_start3A_149 = tpu.memref_slice %arg2[%add3A_65] : memref<320000xi32, #tpu.memory_space<hbm>> -> memref<80xi32, #tpu.memory_space<hbm>>
        %dma_start3A_150 = tpu.memref_slice %arg2[%add3A_65] : memref<320000xi32, #tpu.memory_space<hbm>> -> memref<80xi32, #tpu.memory_space<hbm>>
        tpu.enqueue_dma source(%dma_start3A_150 : memref<80xi32, #tpu.memory_space<hbm>>) target(%arg10 : memref<80xi32, #tpu.memory_space<vmem>>) target_semaphore(%run_scoped3A : memref<!tpu.dma_semaphore, #tpu.memory_space<semaphore_mem>>)
        %dma_wait3A_151 = tpu.memref_slice %arg2[%add3A_65] : memref<320000xi32, #tpu.memory_space<hbm>> -> memref<80xi32, #tpu.memory_space<hbm>>
        %dma_wait3A_152 = tpu.memref_slice %arg2[%add3A_65] : memref<320000xi32, #tpu.memory_space<hbm>> -> memref<80xi32, #tpu.memory_space<hbm>>
        tpu.wait_dma2 semaphore(%run_scoped3A : memref<!tpu.dma_semaphore, #tpu.memory_space<semaphore_mem>>) src(%dma_wait3A_152 : memref<80xi32, #tpu.memory_space<hbm>>) dst(%arg10 : memref<80xi32, #tpu.memory_space<vmem>>)
        tpu.yield
      }) : () -> ()
      "tpu.region"() ({
        %run_scoped3A = tpu.sem_alloc : memref<!tpu.dma_semaphore, #tpu.memory_space<semaphore_mem>>
        %dma_start3A_149 = tpu.memref_slice %arg3[%add3A_65] : memref<320000xi32, #tpu.memory_space<hbm>> -> memref<80xi32, #tpu.memory_space<hbm>>
        %dma_start3A_150 = tpu.memref_slice %arg3[%add3A_65] : memref<320000xi32, #tpu.memory_space<hbm>> -> memref<80xi32, #tpu.memory_space<hbm>>
        tpu.enqueue_dma source(%dma_start3A_150 : memref<80xi32, #tpu.memory_space<hbm>>) target(%arg11 : memref<80xi32, #tpu.memory_space<vmem>>) target_semaphore(%run_scoped3A : memref<!tpu.dma_semaphore, #tpu.memory_space<semaphore_mem>>)
        %dma_wait3A_151 = tpu.memref_slice %arg3[%add3A_65] : memref<320000xi32, #tpu.memory_space<hbm>> -> memref<80xi32, #tpu.memory_space<hbm>>
        %dma_wait3A_152 = tpu.memref_slice %arg3[%add3A_65] : memref<320000xi32, #tpu.memory_space<hbm>> -> memref<80xi32, #tpu.memory_space<hbm>>
        tpu.wait_dma2 semaphore(%run_scoped3A : memref<!tpu.dma_semaphore, #tpu.memory_space<semaphore_mem>>) src(%dma_wait3A_152 : memref<80xi32, #tpu.memory_space<hbm>>) dst(%arg11 : memref<80xi32, #tpu.memory_space<vmem>>)
        tpu.yield
      }) : () -> ()
      %dma_start3A_66 = arith.constant 0 : i32
      %dma_start3A_67 = arith.constant 0 : i32
      %dma_start3A_68 = tpu.memref_slice %arg4[%dma_start3A_66, %dma_start3A_67] : memref<10000x128xf32, #tpu.memory_space<hbm>> -> memref<10000x128xf32, #tpu.memory_space<hbm>>
      tpu.enqueue_indirect_dma source(%dma_start3A_68 : memref<10000x128xf32, #tpu.memory_space<hbm>>) target(%arg12 : memref<80x128xf32, #tpu.memory_space<vmem>>) offsets(%arg10 : memref<80xi32, #tpu.memory_space<vmem>>) semaphore(%arg15 : memref<!tpu.dma_semaphore, #tpu.memory_space<semaphore_mem>>)
      %dma_wait3A = arith.constant 0 : i32
      %dma_wait3A_69 = arith.constant 0 : i32
      %dma_wait3A_70 = tpu.memref_slice %arg4[%dma_wait3A, %dma_wait3A_69] : memref<10000x128xf32, #tpu.memory_space<hbm>> -> memref<10000x128xf32, #tpu.memory_space<hbm>>
      tpu.wait_indirect_dma semaphore(%arg14 : memref<!tpu.dma_semaphore, #tpu.memory_space<semaphore_mem>>) src(%dma_wait3A_70 : memref<10000x128xf32, #tpu.memory_space<hbm>>) dst(%arg9 : memref<80x128xf32, #tpu.memory_space<vmem>>)
      %dma_start3A_71 = arith.constant 0 : i32
      %dma_start3A_72 = arith.constant 0 : i32
      %dma_start3A_73 = tpu.memref_slice %arg13[%dma_start3A_71, %dma_start3A_72] : memref<10240x128xf32, #tpu.memory_space<vmem_shared>> -> memref<10240x128xf32, #tpu.memory_space<vmem_shared>>
      tpu.enqueue_indirect_dma source(%arg9 : memref<80x128xf32, #tpu.memory_space<vmem>>) target(%dma_start3A_73 : memref<10240x128xf32, #tpu.memory_space<vmem_shared>>) offsets(%arg8 : memref<80xi32, #tpu.memory_space<vmem>>) semaphore(%arg16 : memref<!tpu.dma_semaphore, #tpu.memory_space<semaphore_mem>>) {add = true}
      %dma_wait3A_74 = arith.constant 0 : i32
      %dma_wait3A_75 = arith.constant 0 : i32
      %dma_wait3A_76 = tpu.memref_slice %arg13[%dma_wait3A_74, %dma_wait3A_75] : memref<10240x128xf32, #tpu.memory_space<vmem_shared>> -> memref<10240x128xf32, #tpu.memory_space<vmem_shared>>
      tpu.wait_indirect_dma semaphore(%arg16 : memref<!tpu.dma_semaphore, #tpu.memory_space<semaphore_mem>>) src(%arg9 : memref<80x128xf32, #tpu.memory_space<vmem>>) dst(%dma_wait3A_76 : memref<10240x128xf32, #tpu.memory_space<vmem_shared>>)
      %mul3A_77 = arith.constant 10000 : i32
      %mul3A_78 = arith.muli %add3A, %mul3A_77 : i32
      %mul3A_79 = arith.constant 5 : i32
      %mul3A_80 = arith.muli %scan3A_45, %mul3A_79 : i32
      %add3A_81 = arith.constant 2 : i32
      %add3A_82 = arith.addi %mul3A_80, %add3A_81 : i32
      %mul3A_83 = arith.constant 80 : i32
      %mul3A_84 = arith.muli %add3A_82, %mul3A_83 : i32
      %add3A_85 = arith.addi %mul3A_78, %mul3A_84 : i32
      "tpu.region"() ({
        %run_scoped3A = tpu.sem_alloc : memref<!tpu.dma_semaphore, #tpu.memory_space<semaphore_mem>>
        %dma_start3A_149 = tpu.memref_slice %arg2[%add3A_85] : memref<320000xi32, #tpu.memory_space<hbm>> -> memref<80xi32, #tpu.memory_space<hbm>>
        %dma_start3A_150 = tpu.memref_slice %arg2[%add3A_85] : memref<320000xi32, #tpu.memory_space<hbm>> -> memref<80xi32, #tpu.memory_space<hbm>>
        tpu.enqueue_dma source(%dma_start3A_150 : memref<80xi32, #tpu.memory_space<hbm>>) target(%arg7 : memref<80xi32, #tpu.memory_space<vmem>>) target_semaphore(%run_scoped3A : memref<!tpu.dma_semaphore, #tpu.memory_space<semaphore_mem>>)
        %dma_wait3A_151 = tpu.memref_slice %arg2[%add3A_85] : memref<320000xi32, #tpu.memory_space<hbm>> -> memref<80xi32, #tpu.memory_space<hbm>>
        %dma_wait3A_152 = tpu.memref_slice %arg2[%add3A_85] : memref<320000xi32, #tpu.memory_space<hbm>> -> memref<80xi32, #tpu.memory_space<hbm>>
        tpu.wait_dma2 semaphore(%run_scoped3A : memref<!tpu.dma_semaphore, #tpu.memory_space<semaphore_mem>>) src(%dma_wait3A_152 : memref<80xi32, #tpu.memory_space<hbm>>) dst(%arg7 : memref<80xi32, #tpu.memory_space<vmem>>)
        tpu.yield
      }) : () -> ()
      "tpu.region"() ({
        %run_scoped3A = tpu.sem_alloc : memref<!tpu.dma_semaphore, #tpu.memory_space<semaphore_mem>>
        %dma_start3A_149 = tpu.memref_slice %arg3[%add3A_85] : memref<320000xi32, #tpu.memory_space<hbm>> -> memref<80xi32, #tpu.memory_space<hbm>>
        %dma_start3A_150 = tpu.memref_slice %arg3[%add3A_85] : memref<320000xi32, #tpu.memory_space<hbm>> -> memref<80xi32, #tpu.memory_space<hbm>>
        tpu.enqueue_dma source(%dma_start3A_150 : memref<80xi32, #tpu.memory_space<hbm>>) target(%arg8 : memref<80xi32, #tpu.memory_space<vmem>>) target_semaphore(%run_scoped3A : memref<!tpu.dma_semaphore, #tpu.memory_space<semaphore_mem>>)
        %dma_wait3A_151 = tpu.memref_slice %arg3[%add3A_85] : memref<320000xi32, #tpu.memory_space<hbm>> -> memref<80xi32, #tpu.memory_space<hbm>>
        %dma_wait3A_152 = tpu.memref_slice %arg3[%add3A_85] : memref<320000xi32, #tpu.memory_space<hbm>> -> memref<80xi32, #tpu.memory_space<hbm>>
        tpu.wait_dma2 semaphore(%run_scoped3A : memref<!tpu.dma_semaphore, #tpu.memory_space<semaphore_mem>>) src(%dma_wait3A_152 : memref<80xi32, #tpu.memory_space<hbm>>) dst(%arg8 : memref<80xi32, #tpu.memory_space<vmem>>)
        tpu.yield
      }) : () -> ()
      %dma_start3A_86 = arith.constant 0 : i32
      %dma_start3A_87 = arith.constant 0 : i32
      %dma_start3A_88 = tpu.memref_slice %arg4[%dma_start3A_86, %dma_start3A_87] : memref<10000x128xf32, #tpu.memory_space<hbm>> -> memref<10000x128xf32, #tpu.memory_space<hbm>>
      tpu.enqueue_indirect_dma source(%dma_start3A_88 : memref<10000x128xf32, #tpu.memory_space<hbm>>) target(%arg9 : memref<80x128xf32, #tpu.memory_space<vmem>>) offsets(%arg7 : memref<80xi32, #tpu.memory_space<vmem>>) semaphore(%arg14 : memref<!tpu.dma_semaphore, #tpu.memory_space<semaphore_mem>>)
      %dma_wait3A_89 = arith.constant 0 : i32
      %dma_wait3A_90 = arith.constant 0 : i32
      %dma_wait3A_91 = tpu.memref_slice %arg4[%dma_wait3A_89, %dma_wait3A_90] : memref<10000x128xf32, #tpu.memory_space<hbm>> -> memref<10000x128xf32, #tpu.memory_space<hbm>>
      tpu.wait_indirect_dma semaphore(%arg15 : memref<!tpu.dma_semaphore, #tpu.memory_space<semaphore_mem>>) src(%dma_wait3A_91 : memref<10000x128xf32, #tpu.memory_space<hbm>>) dst(%arg12 : memref<80x128xf32, #tpu.memory_space<vmem>>)
      %dma_start3A_92 = arith.constant 0 : i32
      %dma_start3A_93 = arith.constant 0 : i32
      %dma_start3A_94 = tpu.memref_slice %arg13[%dma_start3A_92, %dma_start3A_93] : memref<10240x128xf32, #tpu.memory_space<vmem_shared>> -> memref<10240x128xf32, #tpu.memory_space<vmem_shared>>
      tpu.enqueue_indirect_dma source(%arg12 : memref<80x128xf32, #tpu.memory_space<vmem>>) target(%dma_start3A_94 : memref<10240x128xf32, #tpu.memory_space<vmem_shared>>) offsets(%arg11 : memref<80xi32, #tpu.memory_space<vmem>>) semaphore(%arg17 : memref<!tpu.dma_semaphore, #tpu.memory_space<semaphore_mem>>) {add = true}
      %dma_wait3A_95 = arith.constant 0 : i32
      %dma_wait3A_96 = arith.constant 0 : i32
      %dma_wait3A_97 = tpu.memref_slice %arg13[%dma_wait3A_95, %dma_wait3A_96] : memref<10240x128xf32, #tpu.memory_space<vmem_shared>> -> memref<10240x128xf32, #tpu.memory_space<vmem_shared>>
      tpu.wait_indirect_dma semaphore(%arg17 : memref<!tpu.dma_semaphore, #tpu.memory_space<semaphore_mem>>) src(%arg12 : memref<80x128xf32, #tpu.memory_space<vmem>>) dst(%dma_wait3A_97 : memref<10240x128xf32, #tpu.memory_space<vmem_shared>>)
      %mul3A_98 = arith.constant 10000 : i32
      %mul3A_99 = arith.muli %add3A, %mul3A_98 : i32
      %mul3A_100 = arith.constant 5 : i32
      %mul3A_101 = arith.muli %scan3A_45, %mul3A_100 : i32
      %add3A_102 = arith.constant 3 : i32
      %add3A_103 = arith.addi %mul3A_101, %add3A_102 : i32
      %mul3A_104 = arith.constant 80 : i32
      %mul3A_105 = arith.muli %add3A_103, %mul3A_104 : i32
      %add3A_106 = arith.addi %mul3A_99, %mul3A_105 : i32
      "tpu.region"() ({
        %run_scoped3A = tpu.sem_alloc : memref<!tpu.dma_semaphore, #tpu.memory_space<semaphore_mem>>
        %dma_start3A_149 = tpu.memref_slice %arg2[%add3A_106] : memref<320000xi32, #tpu.memory_space<hbm>> -> memref<80xi32, #tpu.memory_space<hbm>>
        %dma_start3A_150 = tpu.memref_slice %arg2[%add3A_106] : memref<320000xi32, #tpu.memory_space<hbm>> -> memref<80xi32, #tpu.memory_space<hbm>>
        tpu.enqueue_dma source(%dma_start3A_150 : memref<80xi32, #tpu.memory_space<hbm>>) target(%arg10 : memref<80xi32, #tpu.memory_space<vmem>>) target_semaphore(%run_scoped3A : memref<!tpu.dma_semaphore, #tpu.memory_space<semaphore_mem>>)
        %dma_wait3A_151 = tpu.memref_slice %arg2[%add3A_106] : memref<320000xi32, #tpu.memory_space<hbm>> -> memref<80xi32, #tpu.memory_space<hbm>>
        %dma_wait3A_152 = tpu.memref_slice %arg2[%add3A_106] : memref<320000xi32, #tpu.memory_space<hbm>> -> memref<80xi32, #tpu.memory_space<hbm>>
        tpu.wait_dma2 semaphore(%run_scoped3A : memref<!tpu.dma_semaphore, #tpu.memory_space<semaphore_mem>>) src(%dma_wait3A_152 : memref<80xi32, #tpu.memory_space<hbm>>) dst(%arg10 : memref<80xi32, #tpu.memory_space<vmem>>)
        tpu.yield
      }) : () -> ()
      "tpu.region"() ({
        %run_scoped3A = tpu.sem_alloc : memref<!tpu.dma_semaphore, #tpu.memory_space<semaphore_mem>>
        %dma_start3A_149 = tpu.memref_slice %arg3[%add3A_106] : memref<320000xi32, #tpu.memory_space<hbm>> -> memref<80xi32, #tpu.memory_space<hbm>>
        %dma_start3A_150 = tpu.memref_slice %arg3[%add3A_106] : memref<320000xi32, #tpu.memory_space<hbm>> -> memref<80xi32, #tpu.memory_space<hbm>>
        tpu.enqueue_dma source(%dma_start3A_150 : memref<80xi32, #tpu.memory_space<hbm>>) target(%arg11 : memref<80xi32, #tpu.memory_space<vmem>>) target_semaphore(%run_scoped3A : memref<!tpu.dma_semaphore, #tpu.memory_space<semaphore_mem>>)
        %dma_wait3A_151 = tpu.memref_slice %arg3[%add3A_106] : memref<320000xi32, #tpu.memory_space<hbm>> -> memref<80xi32, #tpu.memory_space<hbm>>
        %dma_wait3A_152 = tpu.memref_slice %arg3[%add3A_106] : memref<320000xi32, #tpu.memory_space<hbm>> -> memref<80xi32, #tpu.memory_space<hbm>>
        tpu.wait_dma2 semaphore(%run_scoped3A : memref<!tpu.dma_semaphore, #tpu.memory_space<semaphore_mem>>) src(%dma_wait3A_152 : memref<80xi32, #tpu.memory_space<hbm>>) dst(%arg11 : memref<80xi32, #tpu.memory_space<vmem>>)
        tpu.yield
      }) : () -> ()
      %dma_start3A_107 = arith.constant 0 : i32
      %dma_start3A_108 = arith.constant 0 : i32
      %dma_start3A_109 = tpu.memref_slice %arg4[%dma_start3A_107, %dma_start3A_108] : memref<10000x128xf32, #tpu.memory_space<hbm>> -> memref<10000x128xf32, #tpu.memory_space<hbm>>
      tpu.enqueue_indirect_dma source(%dma_start3A_109 : memref<10000x128xf32, #tpu.memory_space<hbm>>) target(%arg12 : memref<80x128xf32, #tpu.memory_space<vmem>>) offsets(%arg10 : memref<80xi32, #tpu.memory_space<vmem>>) semaphore(%arg15 : memref<!tpu.dma_semaphore, #tpu.memory_space<semaphore_mem>>)
      %dma_wait3A_110 = arith.constant 0 : i32
      %dma_wait3A_111 = arith.constant 0 : i32
      %dma_wait3A_112 = tpu.memref_slice %arg4[%dma_wait3A_110, %dma_wait3A_111] : memref<10000x128xf32, #tpu.memory_space<hbm>> -> memref<10000x128xf32, #tpu.memory_space<hbm>>
      tpu.wait_indirect_dma semaphore(%arg14 : memref<!tpu.dma_semaphore, #tpu.memory_space<semaphore_mem>>) src(%dma_wait3A_112 : memref<10000x128xf32, #tpu.memory_space<hbm>>) dst(%arg9 : memref<80x128xf32, #tpu.memory_space<vmem>>)
      %dma_start3A_113 = arith.constant 0 : i32
      %dma_start3A_114 = arith.constant 0 : i32
      %dma_start3A_115 = tpu.memref_slice %arg13[%dma_start3A_113, %dma_start3A_114] : memref<10240x128xf32, #tpu.memory_space<vmem_shared>> -> memref<10240x128xf32, #tpu.memory_space<vmem_shared>>
      tpu.enqueue_indirect_dma source(%arg9 : memref<80x128xf32, #tpu.memory_space<vmem>>) target(%dma_start3A_115 : memref<10240x128xf32, #tpu.memory_space<vmem_shared>>) offsets(%arg8 : memref<80xi32, #tpu.memory_space<vmem>>) semaphore(%arg16 : memref<!tpu.dma_semaphore, #tpu.memory_space<semaphore_mem>>) {add = true}
      %dma_wait3A_116 = arith.constant 0 : i32
      %dma_wait3A_117 = arith.constant 0 : i32
      %dma_wait3A_118 = tpu.memref_slice %arg13[%dma_wait3A_116, %dma_wait3A_117] : memref<10240x128xf32, #tpu.memory_space<vmem_shared>> -> memref<10240x128xf32, #tpu.memory_space<vmem_shared>>
      tpu.wait_indirect_dma semaphore(%arg16 : memref<!tpu.dma_semaphore, #tpu.memory_space<semaphore_mem>>) src(%arg9 : memref<80x128xf32, #tpu.memory_space<vmem>>) dst(%dma_wait3A_118 : memref<10240x128xf32, #tpu.memory_space<vmem_shared>>)
      %mul3A_119 = arith.constant 10000 : i32
      %mul3A_120 = arith.muli %add3A, %mul3A_119 : i32
      %mul3A_121 = arith.constant 5 : i32
      %mul3A_122 = arith.muli %scan3A_45, %mul3A_121 : i32
      %add3A_123 = arith.constant 4 : i32
      %add3A_124 = arith.addi %mul3A_122, %add3A_123 : i32
      %mul3A_125 = arith.constant 80 : i32
      %mul3A_126 = arith.muli %add3A_124, %mul3A_125 : i32
      %add3A_127 = arith.addi %mul3A_120, %mul3A_126 : i32
      "tpu.region"() ({
        %run_scoped3A = tpu.sem_alloc : memref<!tpu.dma_semaphore, #tpu.memory_space<semaphore_mem>>
        %dma_start3A_149 = tpu.memref_slice %arg2[%add3A_127] : memref<320000xi32, #tpu.memory_space<hbm>> -> memref<80xi32, #tpu.memory_space<hbm>>
        %dma_start3A_150 = tpu.memref_slice %arg2[%add3A_127] : memref<320000xi32, #tpu.memory_space<hbm>> -> memref<80xi32, #tpu.memory_space<hbm>>
        tpu.enqueue_dma source(%dma_start3A_150 : memref<80xi32, #tpu.memory_space<hbm>>) target(%arg7 : memref<80xi32, #tpu.memory_space<vmem>>) target_semaphore(%run_scoped3A : memref<!tpu.dma_semaphore, #tpu.memory_space<semaphore_mem>>)
        %dma_wait3A_151 = tpu.memref_slice %arg2[%add3A_127] : memref<320000xi32, #tpu.memory_space<hbm>> -> memref<80xi32, #tpu.memory_space<hbm>>
        %dma_wait3A_152 = tpu.memref_slice %arg2[%add3A_127] : memref<320000xi32, #tpu.memory_space<hbm>> -> memref<80xi32, #tpu.memory_space<hbm>>
        tpu.wait_dma2 semaphore(%run_scoped3A : memref<!tpu.dma_semaphore, #tpu.memory_space<semaphore_mem>>) src(%dma_wait3A_152 : memref<80xi32, #tpu.memory_space<hbm>>) dst(%arg7 : memref<80xi32, #tpu.memory_space<vmem>>)
        tpu.yield
      }) : () -> ()
      "tpu.region"() ({
        %run_scoped3A = tpu.sem_alloc : memref<!tpu.dma_semaphore, #tpu.memory_space<semaphore_mem>>
        %dma_start3A_149 = tpu.memref_slice %arg3[%add3A_127] : memref<320000xi32, #tpu.memory_space<hbm>> -> memref<80xi32, #tpu.memory_space<hbm>>
        %dma_start3A_150 = tpu.memref_slice %arg3[%add3A_127] : memref<320000xi32, #tpu.memory_space<hbm>> -> memref<80xi32, #tpu.memory_space<hbm>>
        tpu.enqueue_dma source(%dma_start3A_150 : memref<80xi32, #tpu.memory_space<hbm>>) target(%arg8 : memref<80xi32, #tpu.memory_space<vmem>>) target_semaphore(%run_scoped3A : memref<!tpu.dma_semaphore, #tpu.memory_space<semaphore_mem>>)
        %dma_wait3A_151 = tpu.memref_slice %arg3[%add3A_127] : memref<320000xi32, #tpu.memory_space<hbm>> -> memref<80xi32, #tpu.memory_space<hbm>>
        %dma_wait3A_152 = tpu.memref_slice %arg3[%add3A_127] : memref<320000xi32, #tpu.memory_space<hbm>> -> memref<80xi32, #tpu.memory_space<hbm>>
        tpu.wait_dma2 semaphore(%run_scoped3A : memref<!tpu.dma_semaphore, #tpu.memory_space<semaphore_mem>>) src(%dma_wait3A_152 : memref<80xi32, #tpu.memory_space<hbm>>) dst(%arg8 : memref<80xi32, #tpu.memory_space<vmem>>)
        tpu.yield
      }) : () -> ()
      %dma_start3A_128 = arith.constant 0 : i32
      %dma_start3A_129 = arith.constant 0 : i32
      %dma_start3A_130 = tpu.memref_slice %arg4[%dma_start3A_128, %dma_start3A_129] : memref<10000x128xf32, #tpu.memory_space<hbm>> -> memref<10000x128xf32, #tpu.memory_space<hbm>>
      tpu.enqueue_indirect_dma source(%dma_start3A_130 : memref<10000x128xf32, #tpu.memory_space<hbm>>) target(%arg9 : memref<80x128xf32, #tpu.memory_space<vmem>>) offsets(%arg7 : memref<80xi32, #tpu.memory_space<vmem>>) semaphore(%arg14 : memref<!tpu.dma_semaphore, #tpu.memory_space<semaphore_mem>>)
      %dma_wait3A_131 = arith.constant 0 : i32
      %dma_wait3A_132 = arith.constant 0 : i32
      %dma_wait3A_133 = tpu.memref_slice %arg4[%dma_wait3A_131, %dma_wait3A_132] : memref<10000x128xf32, #tpu.memory_space<hbm>> -> memref<10000x128xf32, #tpu.memory_space<hbm>>
      tpu.wait_indirect_dma semaphore(%arg15 : memref<!tpu.dma_semaphore, #tpu.memory_space<semaphore_mem>>) src(%dma_wait3A_133 : memref<10000x128xf32, #tpu.memory_space<hbm>>) dst(%arg12 : memref<80x128xf32, #tpu.memory_space<vmem>>)
      %dma_start3A_134 = arith.constant 0 : i32
      %dma_start3A_135 = arith.constant 0 : i32
      %dma_start3A_136 = tpu.memref_slice %arg13[%dma_start3A_134, %dma_start3A_135] : memref<10240x128xf32, #tpu.memory_space<vmem_shared>> -> memref<10240x128xf32, #tpu.memory_space<vmem_shared>>
      tpu.enqueue_indirect_dma source(%arg12 : memref<80x128xf32, #tpu.memory_space<vmem>>) target(%dma_start3A_136 : memref<10240x128xf32, #tpu.memory_space<vmem_shared>>) offsets(%arg11 : memref<80xi32, #tpu.memory_space<vmem>>) semaphore(%arg17 : memref<!tpu.dma_semaphore, #tpu.memory_space<semaphore_mem>>) {add = true}
      %dma_wait3A_137 = arith.constant 0 : i32
      %dma_wait3A_138 = arith.constant 0 : i32
      %dma_wait3A_139 = tpu.memref_slice %arg4[%dma_wait3A_137, %dma_wait3A_138] : memref<10000x128xf32, #tpu.memory_space<hbm>> -> memref<10000x128xf32, #tpu.memory_space<hbm>>
      tpu.wait_indirect_dma semaphore(%arg14 : memref<!tpu.dma_semaphore, #tpu.memory_space<semaphore_mem>>) src(%dma_wait3A_139 : memref<10000x128xf32, #tpu.memory_space<hbm>>) dst(%arg9 : memref<80x128xf32, #tpu.memory_space<vmem>>)
      %dma_wait3A_140 = arith.constant 0 : i32
      %dma_wait3A_141 = arith.constant 0 : i32
      %dma_wait3A_142 = tpu.memref_slice %arg13[%dma_wait3A_140, %dma_wait3A_141] : memref<10240x128xf32, #tpu.memory_space<vmem_shared>> -> memref<10240x128xf32, #tpu.memory_space<vmem_shared>>
      tpu.wait_indirect_dma semaphore(%arg17 : memref<!tpu.dma_semaphore, #tpu.memory_space<semaphore_mem>>) src(%arg12 : memref<80x128xf32, #tpu.memory_space<vmem>>) dst(%dma_wait3A_142 : memref<10240x128xf32, #tpu.memory_space<vmem_shared>>)
      %dma_start3A_143 = arith.constant 0 : i32
      %dma_start3A_144 = arith.constant 0 : i32
      %dma_start3A_145 = tpu.memref_slice %arg13[%dma_start3A_143, %dma_start3A_144] : memref<10240x128xf32, #tpu.memory_space<vmem_shared>> -> memref<10240x128xf32, #tpu.memory_space<vmem_shared>>
      tpu.enqueue_indirect_dma source(%arg9 : memref<80x128xf32, #tpu.memory_space<vmem>>) target(%dma_start3A_145 : memref<10240x128xf32, #tpu.memory_space<vmem_shared>>) offsets(%arg8 : memref<80xi32, #tpu.memory_space<vmem>>) semaphore(%arg16 : memref<!tpu.dma_semaphore, #tpu.memory_space<semaphore_mem>>) {add = true}
      %dma_wait3A_146 = arith.constant 0 : i32
      %dma_wait3A_147 = arith.constant 0 : i32
      %dma_wait3A_148 = tpu.memref_slice %arg13[%dma_wait3A_146, %dma_wait3A_147] : memref<10240x128xf32, #tpu.memory_space<vmem_shared>> -> memref<10240x128xf32, #tpu.memory_space<vmem_shared>>
      tpu.wait_indirect_dma semaphore(%arg16 : memref<!tpu.dma_semaphore, #tpu.memory_space<semaphore_mem>>) src(%arg9 : memref<80x128xf32, #tpu.memory_space<vmem>>) dst(%dma_wait3A_148 : memref<10240x128xf32, #tpu.memory_space<vmem_shared>>)
    }
    %scan3A_27 = arith.constant 25 : i32
    %barrier3A_28 = arith.constant 0 : index
    tpu.barrier barrier_id(%barrier3A_28)
    %mul3A_29 = arith.constant 640 : i32
    %mul3A_30 = arith.muli %arg1, %mul3A_29 : i32
    %add3A_31 = arith.constant 0 : i32
    %add3A_32 = arith.addi %mul3A_30, %add3A_31 : i32
    "tpu.region"() ({
      %run_scoped3A = tpu.sem_alloc : memref<!tpu.dma_semaphore, #tpu.memory_space<semaphore_mem>>
      %dma_start3A = arith.constant 0 : i32
      %dma_start3A_45 = tpu.memref_slice %arg5[%arg0, %add3A_32, %dma_start3A] : memref<2x10240x128xf32, #tpu.memory_space<hbm>> -> memref<1x160x128xf32, #tpu.memory_space<hbm>>
      %dma_start3A_46 = tpu.memref_squeeze %dma_start3A_45 : memref<1x160x128xf32, #tpu.memory_space<hbm>> -> memref<160x128xf32, #tpu.memory_space<hbm>>
      %dma_start3A_47 = arith.constant 0 : i32
      %dma_start3A_48 = tpu.memref_slice %arg13[%add3A_32, %dma_start3A_47] : memref<10240x128xf32, #tpu.memory_space<vmem_shared>> -> memref<160x128xf32, #tpu.memory_space<vmem_shared>>
      tpu.enqueue_dma source(%dma_start3A_48 : memref<160x128xf32, #tpu.memory_space<vmem_shared>>) target(%dma_start3A_46 : memref<160x128xf32, #tpu.memory_space<hbm>>) target_semaphore(%run_scoped3A : memref<!tpu.dma_semaphore, #tpu.memory_space<semaphore_mem>>)
      %dma_wait3A = arith.constant 0 : i32
      %dma_wait3A_49 = tpu.memref_slice %arg5[%arg0, %add3A_32, %dma_wait3A] : memref<2x10240x128xf32, #tpu.memory_space<hbm>> -> memref<1x160x128xf32, #tpu.memory_space<hbm>>
      %dma_wait3A_50 = tpu.memref_squeeze %dma_wait3A_49 : memref<1x160x128xf32, #tpu.memory_space<hbm>> -> memref<160x128xf32, #tpu.memory_space<hbm>>
      %dma_wait3A_51 = arith.constant 0 : i32
      %dma_wait3A_52 = tpu.memref_slice %arg13[%add3A_32, %dma_wait3A_51] : memref<10240x128xf32, #tpu.memory_space<vmem_shared>> -> memref<160x128xf32, #tpu.memory_space<vmem_shared>>
      tpu.wait_dma2 semaphore(%run_scoped3A : memref<!tpu.dma_semaphore, #tpu.memory_space<semaphore_mem>>) src(%dma_wait3A_52 : memref<160x128xf32, #tpu.memory_space<vmem_shared>>) dst(%dma_wait3A_50 : memref<160x128xf32, #tpu.memory_space<hbm>>)
      tpu.yield
    }) : () -> ()
    %mul3A_33 = arith.constant 640 : i32
    %mul3A_34 = arith.muli %arg1, %mul3A_33 : i32
    %add3A_35 = arith.constant 160 : i32
    %add3A_36 = arith.addi %mul3A_34, %add3A_35 : i32
    "tpu.region"() ({
      %run_scoped3A = tpu.sem_alloc : memref<!tpu.dma_semaphore, #tpu.memory_space<semaphore_mem>>
      %dma_start3A = arith.constant 0 : i32
      %dma_start3A_45 = tpu.memref_slice %arg5[%arg0, %add3A_36, %dma_start3A] : memref<2x10240x128xf32, #tpu.memory_space<hbm>> -> memref<1x160x128xf32, #tpu.memory_space<hbm>>
      %dma_start3A_46 = tpu.memref_squeeze %dma_start3A_45 : memref<1x160x128xf32, #tpu.memory_space<hbm>> -> memref<160x128xf32, #tpu.memory_space<hbm>>
      %dma_start3A_47 = arith.constant 0 : i32
      %dma_start3A_48 = tpu.memref_slice %arg13[%add3A_36, %dma_start3A_47] : memref<10240x128xf32, #tpu.memory_space<vmem_shared>> -> memref<160x128xf32, #tpu.memory_space<vmem_shared>>
      tpu.enqueue_dma source(%dma_start3A_48 : memref<160x128xf32, #tpu.memory_space<vmem_shared>>) target(%dma_start3A_46 : memref<160x128xf32, #tpu.memory_space<hbm>>) target_semaphore(%run_scoped3A : memref<!tpu.dma_semaphore, #tpu.memory_space<semaphore_mem>>)
      %dma_wait3A = arith.constant 0 : i32
      %dma_wait3A_49 = tpu.memref_slice %arg5[%arg0, %add3A_36, %dma_wait3A] : memref<2x10240x128xf32, #tpu.memory_space<hbm>> -> memref<1x160x128xf32, #tpu.memory_space<hbm>>
      %dma_wait3A_50 = tpu.memref_squeeze %dma_wait3A_49 : memref<1x160x128xf32, #tpu.memory_space<hbm>> -> memref<160x128xf32, #tpu.memory_space<hbm>>
      %dma_wait3A_51 = arith.constant 0 : i32
      %dma_wait3A_52 = tpu.memref_slice %arg13[%add3A_36, %dma_wait3A_51] : memref<10240x128xf32, #tpu.memory_space<vmem_shared>> -> memref<160x128xf32, #tpu.memory_space<vmem_shared>>
      tpu.wait_dma2 semaphore(%run_scoped3A : memref<!tpu.dma_semaphore, #tpu.memory_space<semaphore_mem>>) src(%dma_wait3A_52 : memref<160x128xf32, #tpu.memory_space<vmem_shared>>) dst(%dma_wait3A_50 : memref<160x128xf32, #tpu.memory_space<hbm>>)
      tpu.yield
    }) : () -> ()
    %mul3A_37 = arith.constant 640 : i32
    %mul3A_38 = arith.muli %arg1, %mul3A_37 : i32
    %add3A_39 = arith.constant 320 : i32
    %add3A_40 = arith.addi %mul3A_38, %add3A_39 : i32
    "tpu.region"() ({
      %run_scoped3A = tpu.sem_alloc : memref<!tpu.dma_semaphore, #tpu.memory_space<semaphore_mem>>
      %dma_start3A = arith.constant 0 : i32
      %dma_start3A_45 = tpu.memref_slice %arg5[%arg0, %add3A_40, %dma_start3A] : memref<2x10240x128xf32, #tpu.memory_space<hbm>> -> memref<1x160x128xf32, #tpu.memory_space<hbm>>
      %dma_start3A_46 = tpu.memref_squeeze %dma_start3A_45 : memref<1x160x128xf32, #tpu.memory_space<hbm>> -> memref<160x128xf32, #tpu.memory_space<hbm>>
      %dma_start3A_47 = arith.constant 0 : i32
      %dma_start3A_48 = tpu.memref_slice %arg13[%add3A_40, %dma_start3A_47] : memref<10240x128xf32, #tpu.memory_space<vmem_shared>> -> memref<160x128xf32, #tpu.memory_space<vmem_shared>>
      tpu.enqueue_dma source(%dma_start3A_48 : memref<160x128xf32, #tpu.memory_space<vmem_shared>>) target(%dma_start3A_46 : memref<160x128xf32, #tpu.memory_space<hbm>>) target_semaphore(%run_scoped3A : memref<!tpu.dma_semaphore, #tpu.memory_space<semaphore_mem>>)
      %dma_wait3A = arith.constant 0 : i32
      %dma_wait3A_49 = tpu.memref_slice %arg5[%arg0, %add3A_40, %dma_wait3A] : memref<2x10240x128xf32, #tpu.memory_space<hbm>> -> memref<1x160x128xf32, #tpu.memory_space<hbm>>
      %dma_wait3A_50 = tpu.memref_squeeze %dma_wait3A_49 : memref<1x160x128xf32, #tpu.memory_space<hbm>> -> memref<160x128xf32, #tpu.memory_space<hbm>>
      %dma_wait3A_51 = arith.constant 0 : i32
      %dma_wait3A_52 = tpu.memref_slice %arg13[%add3A_40, %dma_wait3A_51] : memref<10240x128xf32, #tpu.memory_space<vmem_shared>> -> memref<160x128xf32, #tpu.memory_space<vmem_shared>>
      tpu.wait_dma2 semaphore(%run_scoped3A : memref<!tpu.dma_semaphore, #tpu.memory_space<semaphore_mem>>) src(%dma_wait3A_52 : memref<160x128xf32, #tpu.memory_space<vmem_shared>>) dst(%dma_wait3A_50 : memref<160x128xf32, #tpu.memory_space<hbm>>)
      tpu.yield
    }) : () -> ()
    %mul3A_41 = arith.constant 640 : i32
    %mul3A_42 = arith.muli %arg1, %mul3A_41 : i32
    %add3A_43 = arith.constant 480 : i32
    %add3A_44 = arith.addi %mul3A_42, %add3A_43 : i32
    "tpu.region"() ({
      %run_scoped3A = tpu.sem_alloc : memref<!tpu.dma_semaphore, #tpu.memory_space<semaphore_mem>>
      %dma_start3A = arith.constant 0 : i32
      %dma_start3A_45 = tpu.memref_slice %arg5[%arg0, %add3A_44, %dma_start3A] : memref<2x10240x128xf32, #tpu.memory_space<hbm>> -> memref<1x160x128xf32, #tpu.memory_space<hbm>>
      %dma_start3A_46 = tpu.memref_squeeze %dma_start3A_45 : memref<1x160x128xf32, #tpu.memory_space<hbm>> -> memref<160x128xf32, #tpu.memory_space<hbm>>
      %dma_start3A_47 = arith.constant 0 : i32
      %dma_start3A_48 = tpu.memref_slice %arg13[%add3A_44, %dma_start3A_47] : memref<10240x128xf32, #tpu.memory_space<vmem_shared>> -> memref<160x128xf32, #tpu.memory_space<vmem_shared>>
      tpu.enqueue_dma source(%dma_start3A_48 : memref<160x128xf32, #tpu.memory_space<vmem_shared>>) target(%dma_start3A_46 : memref<160x128xf32, #tpu.memory_space<hbm>>) target_semaphore(%run_scoped3A : memref<!tpu.dma_semaphore, #tpu.memory_space<semaphore_mem>>)
      %dma_wait3A = arith.constant 0 : i32
      %dma_wait3A_49 = tpu.memref_slice %arg5[%arg0, %add3A_44, %dma_wait3A] : memref<2x10240x128xf32, #tpu.memory_space<hbm>> -> memref<1x160x128xf32, #tpu.memory_space<hbm>>
      %dma_wait3A_50 = tpu.memref_squeeze %dma_wait3A_49 : memref<1x160x128xf32, #tpu.memory_space<hbm>> -> memref<160x128xf32, #tpu.memory_space<hbm>>
      %dma_wait3A_51 = arith.constant 0 : i32
      %dma_wait3A_52 = tpu.memref_slice %arg13[%add3A_44, %dma_wait3A_51] : memref<10240x128xf32, #tpu.memory_space<vmem_shared>> -> memref<160x128xf32, #tpu.memory_space<vmem_shared>>
      tpu.wait_dma2 semaphore(%run_scoped3A : memref<!tpu.dma_semaphore, #tpu.memory_space<semaphore_mem>>) src(%dma_wait3A_52 : memref<160x128xf32, #tpu.memory_space<vmem_shared>>) dst(%dma_wait3A_50 : memref<160x128xf32, #tpu.memory_space<hbm>>)
      tpu.yield
    }) : () -> ()
    return
  }
}

module attributes {stable_mosaic.version = 14 : i64} {
  func.func @body(%arg0: i32, %arg1: memref<2x2000x1xf32, #tpu.memory_space<vmem>>, %arg2: memref<2000x128xf32, #tpu.memory_space<vmem>>, %arg3: memref<128x128xf32, #tpu.memory_space<vmem>>, %arg4: memref<2000x128xf32, #tpu.memory_space<vmem>>, %arg5: memref<2000x1xf32, #tpu.memory_space<vmem>>) attributes {dimension_semantics = [#tpu.dimension_semantics<arbitrary>], iteration_bounds = array<i64: 5>, scalar_prefetch = 0 : i64, scratch_operands = 0 : i64, tpu.core_type = #tpu.core_type<tc>, window_params = [{transform_indices = @transform_0, window_bounds = array<i64: 2, 2000, 1>}, {transform_indices = @transform_1, window_bounds = array<i64: 2000, 128>}, {pipeline_mode = #tpu.pipeline_mode<synchronous>, transform_indices = @transform_2, window_bounds = array<i64: 128, 128>}, {transform_indices = @transform_3, window_bounds = array<i64: 2000, 128>}, {transform_indices = @transform_4, window_bounds = array<i64: 2000, 1>}]} {
    %get3A = arith.constant 0 : index
    %get3A_0 = arith.constant 0 : index
    %get3A_1 = arith.constant 0 : index
    %get3A_2 = vector.load %arg1[%get3A, %get3A_0, %get3A_1] : memref<2x2000x1xf32, #tpu.memory_space<vmem>>, vector<2x2000x1xf32>
    %slice3A = vector.extract_strided_slice %get3A_2 {offsets = [0, 0, 0], sizes = [1, 2000, 1], strides = [1, 1, 1]} : vector<2x2000x1xf32> to vector<1x2000x1xf32>
    %squeeze3A = vector.shape_cast %slice3A : vector<1x2000x1xf32> to vector<2000x1xf32>
    %slice3A_3 = vector.extract_strided_slice %get3A_2 {offsets = [1, 0, 0], sizes = [1, 2000, 1], strides = [1, 1, 1]} : vector<2x2000x1xf32> to vector<1x2000x1xf32>
    %squeeze3A_4 = vector.shape_cast %slice3A_3 : vector<1x2000x1xf32> to vector<2000x1xf32>
    %add3A = arith.addf %squeeze3A, %squeeze3A_4 : vector<2000x1xf32>
    %add3A_5 = arith.constant 1.000000e+00 : f32
    %add3A_6 = vector.broadcast %add3A_5 : f32 to vector<2000x1xf32>
    %add3A_7 = arith.addf %add3A, %add3A_6 : vector<2000x1xf32>
    %rsqrt3A = math.rsqrt %add3A_7 : vector<2000x1xf32>
    %get3A_8 = arith.constant 0 : index
    %get3A_9 = arith.constant 0 : index
    %get3A_10 = vector.load %arg2[%get3A_8, %get3A_9] : memref<2000x128xf32, #tpu.memory_space<vmem>>, vector<2000x128xf32>
    %get3A_11 = arith.constant 0 : index
    %get3A_12 = arith.constant 0 : index
    %get3A_13 = vector.load %arg3[%get3A_11, %get3A_12] : memref<128x128xf32, #tpu.memory_space<vmem>>, vector<128x128xf32>
    %dot_general3A = arith.constant dense<0.000000e+00> : vector<2000x128xf32>
    %dot_general3A_14 = tpu.matmul %get3A_10, %get3A_13, %dot_general3A {dimension_numbers = #tpu.dot_dimension_numbers<[1], [0], [0], [1], [0, 0, 1, 1], [], []>, transpose_lhs_hint = false} : vector<2000x128xf32>, vector<128x128xf32>, vector<2000x128xf32> -> vector<2000x128xf32>
    %mul3A = vector.broadcast %rsqrt3A : vector<2000x1xf32> to vector<2000x128xf32>
    %mul3A_15 = arith.mulf %dot_general3A_14, %mul3A : vector<2000x128xf32>
    %swap3A = arith.constant 0 : index
    %swap3A_16 = arith.constant 0 : index
    %swap3A_17 = vector.load %arg4[%swap3A, %swap3A_16] : memref<2000x128xf32, #tpu.memory_space<vmem>>, vector<2000x128xf32>
    tpu.vector_store %arg4[%swap3A, %swap3A_16], %mul3A_15 {strides = array<i32>} : memref<2000x128xf32, #tpu.memory_space<vmem>>, vector<2000x128xf32>,
    %swap3A_18 = arith.constant 0 : index
    %swap3A_19 = arith.constant 0 : index
    %swap3A_20 = vector.load %arg5[%swap3A_18, %swap3A_19] : memref<2000x1xf32, #tpu.memory_space<vmem>>, vector<2000x1xf32>
    tpu.vector_store %arg5[%swap3A_18, %swap3A_19], %rsqrt3A {strides = array<i32>} : memref<2000x1xf32, #tpu.memory_space<vmem>>, vector<2000x1xf32>,
    return
  }
  func.func @transform_0(%arg0: i32) -> (i32, i32, i32) {
    %c0_i32 = arith.constant 0 : i32
    %c0_i32_0 = arith.constant 0 : i32
    %c0_i32_1 = arith.constant 0 : i32
    return %c0_i32, %arg0, %c0_i32_0 : i32, i32, i32
  }
  func.func @transform_1(%arg0: i32) -> (i32, i32) {
    %c0_i32 = arith.constant 0 : i32
    %c0_i32_0 = arith.constant 0 : i32
    return %arg0, %c0_i32 : i32, i32
  }
  func.func @transform_2(%arg0: i32) -> (i32, i32) {
    %c0_i32 = arith.constant 0 : i32
    %c0_i32_0 = arith.constant 0 : i32
    %c0_i32_1 = arith.constant 0 : i32
    return %c0_i32, %c0_i32_0 : i32, i32
  }
  func.func @transform_3(%arg0: i32) -> (i32, i32) {
    %c0_i32 = arith.constant 0 : i32
    %c0_i32_0 = arith.constant 0 : i32
    return %arg0, %c0_i32 : i32, i32
  }
  func.func @transform_4(%arg0: i32) -> (i32, i32) {
    %c0_i32 = arith.constant 0 : i32
    %c0_i32_0 = arith.constant 0 : i32
    return %arg0, %c0_i32 : i32, i32
  }
}

module attributes {stable_mosaic.version = 14 : i64} {
  func.func @body(%arg0: i32, %arg1: memref<2x2000x128xf32, #tpu.memory_space<vmem>>, %arg2: memref<2000x128xf32, #tpu.memory_space<vmem>>, %arg3: memref<2000x1xf32, #tpu.memory_space<vmem>>, %arg4: memref<1x128xf32, #tpu.memory_space<vmem>>, %arg5: memref<128x128xf32, #tpu.memory_space<vmem>>, %arg6: memref<2000x128xf32, #tpu.memory_space<vmem>>) attributes {dimension_semantics = [#tpu.dimension_semantics<arbitrary>], iteration_bounds = array<i64: 5>, scalar_prefetch = 0 : i64, scratch_operands = 0 : i64, tpu.core_type = #tpu.core_type<tc>, window_params = [{transform_indices = @transform_0, window_bounds = array<i64: 2, 2000, 128>}, {transform_indices = @transform_1, window_bounds = array<i64: 2000, 128>}, {transform_indices = @transform_2, window_bounds = array<i64: 2000, 1>}, {pipeline_mode = #tpu.pipeline_mode<synchronous>, transform_indices = @transform_3, window_bounds = array<i64: 1, 128>}, {pipeline_mode = #tpu.pipeline_mode<synchronous>, transform_indices = @transform_4, window_bounds = array<i64: 128, 128>}, {transform_indices = @transform_5, window_bounds = array<i64: 2000, 128>}]} {
    %get3A = arith.constant 0 : index
    %get3A_0 = arith.constant 0 : index
    %get3A_1 = arith.constant 0 : index
    %get3A_2 = vector.load %arg1[%get3A, %get3A_0, %get3A_1] : memref<2x2000x128xf32, #tpu.memory_space<vmem>>, vector<2x2000x128xf32>
    %get3A_3 = arith.constant 0 : index
    %get3A_4 = arith.constant 0 : index
    %get3A_5 = vector.load %arg3[%get3A_3, %get3A_4] : memref<2000x1xf32, #tpu.memory_space<vmem>>, vector<2000x1xf32>
    %slice3A = vector.extract_strided_slice %get3A_2 {offsets = [0, 0, 0], sizes = [1, 2000, 128], strides = [1, 1, 1]} : vector<2x2000x128xf32> to vector<1x2000x128xf32>
    %squeeze3A = vector.shape_cast %slice3A : vector<1x2000x128xf32> to vector<2000x128xf32>
    %slice3A_6 = vector.extract_strided_slice %get3A_2 {offsets = [1, 0, 0], sizes = [1, 2000, 128], strides = [1, 1, 1]} : vector<2x2000x128xf32> to vector<1x2000x128xf32>
    %squeeze3A_7 = vector.shape_cast %slice3A_6 : vector<1x2000x128xf32> to vector<2000x128xf32>
    %add3A = arith.addf %squeeze3A, %squeeze3A_7 : vector<2000x128xf32>
    %get3A_8 = arith.constant 0 : index
    %get3A_9 = arith.constant 0 : index
    %get3A_10 = vector.load %arg2[%get3A_8, %get3A_9] : memref<2000x128xf32, #tpu.memory_space<vmem>>, vector<2000x128xf32>
    %add3A_11 = arith.addf %add3A, %get3A_10 : vector<2000x128xf32>
    %mul3A = vector.broadcast %get3A_5 : vector<2000x1xf32> to vector<2000x128xf32>
    %mul3A_12 = arith.mulf %add3A_11, %mul3A : vector<2000x128xf32>
    %get3A_13 = arith.constant 0 : index
    %get3A_14 = arith.constant 0 : index
    %get3A_15 = vector.load %arg4[%get3A_13, %get3A_14] : memref<1x128xf32, #tpu.memory_space<vmem>>, vector<1x128xf32>
    %add3A_16 = vector.broadcast %get3A_15 : vector<1x128xf32> to vector<2000x128xf32>
    %add3A_17 = arith.addf %mul3A_12, %add3A_16 : vector<2000x128xf32>
    %max3A = arith.constant 0.000000e+00 : f32
    %max3A_18 = vector.broadcast %max3A : f32 to vector<2000x128xf32>
    %max3A_19 = arith.maximumf %add3A_17, %max3A_18 : vector<2000x128xf32>
    %get3A_20 = arith.constant 0 : index
    %get3A_21 = arith.constant 0 : index
    %get3A_22 = vector.load %arg5[%get3A_20, %get3A_21] : memref<128x128xf32, #tpu.memory_space<vmem>>, vector<128x128xf32>
    %dot_general3A = arith.constant dense<0.000000e+00> : vector<2000x128xf32>
    %dot_general3A_23 = tpu.matmul %max3A_19, %get3A_22, %dot_general3A {dimension_numbers = #tpu.dot_dimension_numbers<[1], [0], [0], [1], [0, 0, 1, 1], [], []>, transpose_lhs_hint = false} : vector<2000x128xf32>, vector<128x128xf32>, vector<2000x128xf32> -> vector<2000x128xf32>
    %mul3A_24 = vector.broadcast %get3A_5 : vector<2000x1xf32> to vector<2000x128xf32>
    %mul3A_25 = arith.mulf %dot_general3A_23, %mul3A_24 : vector<2000x128xf32>
    %swap3A = arith.constant 0 : index
    %swap3A_26 = arith.constant 0 : index
    %swap3A_27 = vector.load %arg6[%swap3A, %swap3A_26] : memref<2000x128xf32, #tpu.memory_space<vmem>>, vector<2000x128xf32>
    tpu.vector_store %arg6[%swap3A, %swap3A_26], %mul3A_25 {strides = array<i32>} : memref<2000x128xf32, #tpu.memory_space<vmem>>, vector<2000x128xf32>,
    return
  }
  func.func @transform_0(%arg0: i32) -> (i32, i32, i32) {
    %c0_i32 = arith.constant 0 : i32
    %c0_i32_0 = arith.constant 0 : i32
    %c0_i32_1 = arith.constant 0 : i32
    return %c0_i32, %arg0, %c0_i32_0 : i32, i32, i32
  }
  func.func @transform_1(%arg0: i32) -> (i32, i32) {
    %c0_i32 = arith.constant 0 : i32
    %c0_i32_0 = arith.constant 0 : i32
    return %arg0, %c0_i32 : i32, i32
  }
  func.func @transform_2(%arg0: i32) -> (i32, i32) {
    %c0_i32 = arith.constant 0 : i32
    %c0_i32_0 = arith.constant 0 : i32
    return %arg0, %c0_i32 : i32, i32
  }
  func.func @transform_3(%arg0: i32) -> (i32, i32) {
    %c0_i32 = arith.constant 0 : i32
    %c0_i32_0 = arith.constant 0 : i32
    %c0_i32_1 = arith.constant 0 : i32
    return %c0_i32, %c0_i32_0 : i32, i32
  }
  func.func @transform_4(%arg0: i32) -> (i32, i32) {
    %c0_i32 = arith.constant 0 : i32
    %c0_i32_0 = arith.constant 0 : i32
    %c0_i32_1 = arith.constant 0 : i32
    return %c0_i32, %c0_i32_0 : i32, i32
  }
  func.func @transform_5(%arg0: i32) -> (i32, i32) {
    %c0_i32 = arith.constant 0 : i32
    %c0_i32_0 = arith.constant 0 : i32
    return %arg0, %c0_i32 : i32, i32
  }
}

module attributes {stable_mosaic.version = 14 : i64} {
  func.func @body(%arg0: i32, %arg1: memref<2x2000x128xf32, #tpu.memory_space<vmem>>, %arg2: memref<2000x128xf32, #tpu.memory_space<vmem>>, %arg3: memref<2000x1xf32, #tpu.memory_space<vmem>>, %arg4: memref<1x128xf32, #tpu.memory_space<vmem>>, %arg5: memref<2000x128xf32, #tpu.memory_space<vmem>>) attributes {dimension_semantics = [#tpu.dimension_semantics<arbitrary>], iteration_bounds = array<i64: 5>, scalar_prefetch = 0 : i64, scratch_operands = 0 : i64, tpu.core_type = #tpu.core_type<tc>, window_params = [{transform_indices = @transform_0, window_bounds = array<i64: 2, 2000, 128>}, {transform_indices = @transform_1, window_bounds = array<i64: 2000, 128>}, {transform_indices = @transform_2, window_bounds = array<i64: 2000, 1>}, {pipeline_mode = #tpu.pipeline_mode<synchronous>, transform_indices = @transform_3, window_bounds = array<i64: 1, 128>}, {transform_indices = @transform_4, window_bounds = array<i64: 2000, 128>}]} {
    %get3A = arith.constant 0 : index
    %get3A_0 = arith.constant 0 : index
    %get3A_1 = arith.constant 0 : index
    %get3A_2 = vector.load %arg1[%get3A, %get3A_0, %get3A_1] : memref<2x2000x128xf32, #tpu.memory_space<vmem>>, vector<2x2000x128xf32>
    %slice3A = vector.extract_strided_slice %get3A_2 {offsets = [0, 0, 0], sizes = [1, 2000, 128], strides = [1, 1, 1]} : vector<2x2000x128xf32> to vector<1x2000x128xf32>
    %squeeze3A = vector.shape_cast %slice3A : vector<1x2000x128xf32> to vector<2000x128xf32>
    %slice3A_3 = vector.extract_strided_slice %get3A_2 {offsets = [1, 0, 0], sizes = [1, 2000, 128], strides = [1, 1, 1]} : vector<2x2000x128xf32> to vector<1x2000x128xf32>
    %squeeze3A_4 = vector.shape_cast %slice3A_3 : vector<1x2000x128xf32> to vector<2000x128xf32>
    %add3A = arith.addf %squeeze3A, %squeeze3A_4 : vector<2000x128xf32>
    %get3A_5 = arith.constant 0 : index
    %get3A_6 = arith.constant 0 : index
    %get3A_7 = vector.load %arg2[%get3A_5, %get3A_6] : memref<2000x128xf32, #tpu.memory_space<vmem>>, vector<2000x128xf32>
    %add3A_8 = arith.addf %add3A, %get3A_7 : vector<2000x128xf32>
    %get3A_9 = arith.constant 0 : index
    %get3A_10 = arith.constant 0 : index
    %get3A_11 = vector.load %arg3[%get3A_9, %get3A_10] : memref<2000x1xf32, #tpu.memory_space<vmem>>, vector<2000x1xf32>
    %mul3A = vector.broadcast %get3A_11 : vector<2000x1xf32> to vector<2000x128xf32>
    %mul3A_12 = arith.mulf %add3A_8, %mul3A : vector<2000x128xf32>
    %get3A_13 = arith.constant 0 : index
    %get3A_14 = arith.constant 0 : index
    %get3A_15 = vector.load %arg4[%get3A_13, %get3A_14] : memref<1x128xf32, #tpu.memory_space<vmem>>, vector<1x128xf32>
    %add3A_16 = vector.broadcast %get3A_15 : vector<1x128xf32> to vector<2000x128xf32>
    %add3A_17 = arith.addf %mul3A_12, %add3A_16 : vector<2000x128xf32>
    %swap3A = arith.constant 0 : index
    %swap3A_18 = arith.constant 0 : index
    %swap3A_19 = vector.load %arg5[%swap3A, %swap3A_18] : memref<2000x128xf32, #tpu.memory_space<vmem>>, vector<2000x128xf32>
    tpu.vector_store %arg5[%swap3A, %swap3A_18], %add3A_17 {strides = array<i32>} : memref<2000x128xf32, #tpu.memory_space<vmem>>, vector<2000x128xf32>,
    return
  }
  func.func @transform_0(%arg0: i32) -> (i32, i32, i32) {
    %c0_i32 = arith.constant 0 : i32
    %c0_i32_0 = arith.constant 0 : i32
    %c0_i32_1 = arith.constant 0 : i32
    return %c0_i32, %arg0, %c0_i32_0 : i32, i32, i32
  }
  func.func @transform_1(%arg0: i32) -> (i32, i32) {
    %c0_i32 = arith.constant 0 : i32
    %c0_i32_0 = arith.constant 0 : i32
    return %arg0, %c0_i32 : i32, i32
  }
  func.func @transform_2(%arg0: i32) -> (i32, i32) {
    %c0_i32 = arith.constant 0 : i32
    %c0_i32_0 = arith.constant 0 : i32
    return %arg0, %c0_i32 : i32, i32
  }
  func.func @transform_3(%arg0: i32) -> (i32, i32) {
    %c0_i32 = arith.constant 0 : i32
    %c0_i32_0 = arith.constant 0 : i32
    %c0_i32_1 = arith.constant 0 : i32
    return %c0_i32, %c0_i32_0 : i32, i32
  }
  func.func @transform_4(%arg0: i32) -> (i32, i32) {
    %c0_i32 = arith.constant 0 : i32
    %c0_i32_0 = arith.constant 0 : i32
    return %arg0, %c0_i32 : i32, i32
  }
}

</mosaic_0001>

<sc_bundles>
// kernel: kernel.11.cloned.1.call-start
scs
__scs_entry_jumppad:
0x0: {  	(pc) =	sbr.rel $0x88, $3  }
0x1: {  	(tag) =	ssettag $0x0;
	lr =	simm.s32 $0x1  }
0x2: {  	[smem:$0x3F9B] =	sst lr;
	_ =	strace $0xD0000000  }
0x3: {  	_ = 	snop  }
0x4: {  	_ = 	snop  }
0x5: {  	_ = 	snop  }
0x6: {  	_ = 	snop  }
0x7: {  	_ = 	snop  }
__scs_overlays_trampoline_lowered:
0x8: {  	[smem:$0x3FAA] =	sst s0  }
0x9: {  	[smem:$0x3FAB] =	sst s1  }
0xa: {  	[smem:$0x3FAC] =	sst s2  }
0xb: {  	[smem:$0x3FAD] =	sst s3  }
0xc: {  	[smem:$0x3FAE] =	sst s4  }
0xd: {  	[smem:$0x3FAF] =	sst s5  }
0xe: {  	[smem:$0x3FB0] =	sst s6  }
0xf: {  	[smem:$0x3FB1] =	sst s7  }
0x10: {  	[smem:$0x3FB2] =	sst s8  }
0x11: {  	[smem:$0x3FB3] =	sst s9;
	s0 =	simm.s32 @!p0 $0x0  }
0x12: {  	s1 =	sld [smem:$0x3F99];
	s0 =	simm.s32 @p0 $0x1  }
0x13: {  	[smem:$0x3FB4] =	sst s0;
	s0 =	simm.s32 @!p1 $0x0  }
0x14: {  	s2 =	sld [smem:$0x3F98];
	s0 =	simm.s32 @p1 $0x1  }
0x15: {  	[smem:$0x3FB5] =	sst s0;
	s0 =	simm.s32 @!p2 $0x0  }
0x16: {  	s3 =	sld [smem:$0x3FDB];
	s0 =	simm.s32 @p2 $0x1  }
0x17: {  	s4 =	simm.s32 $0x1BF5;
	[smem:$0x3FB7] =	sst s0  }
0x18: {  	s0 =	sld [smem:$0x3F9A];
	_ =	swait.ge [sflag:s4], $0x0  }
0x19: {  	s7 =	sld [smem:$0x3F9B]  }
0x1a: {  	s8 =	sadd.s32 $0xFFFFE003, lr  }
0x1b: {  	s9 =	sadd.s32 $0xFFFFFEF7, lr;
	s5 =	simm.s32 $0xFFFFFFFF;
	p2 =	slt.u32 s8, $0xFFFFF086  }
0x1c: {  	p1 =	slt.u32 s9, $0xF7A;
	s5 =	simm.s32 @!p2 $0x0  }
0x1d: {  	s5 =	simm.s32 @p1 $0x1;
	p0 =	seq.s32 s7, s2  }
0x1e: {  	s7 =	smul.u32 @!p0 $0xF7A, s2;
	p2 =	seq.s32 @!p0 s5, $0x0  }
0x1f: {  	s9 =	smul.u32 $0xF7A, s1;
	s8 =	simm.s32 @!p0 $0x1BF5;
	p2 =	por !p2, p0  }
0x20: {  	[sflag:s8] =	ssyncset.s32 @!p0 $0xFFFFF086;
	s6 =	sadd.s32 @!p0 s3, s7;
	s7 =	simm.s32 @!p0 $0x108  }
0x21: {  	s3 =	sadd.s32 s3, s9;
	s6 =	sadd.s32 @!p0 $0x88, s6;
	s7 =	simm.s32 @p2 $0x1082  }
0x22: {  	[simem:s7], [sflag:s8] =	dma.local @!p0 [hbm:s6], $0xF7A  }
0x23: {  	s9 =	sor.u32 $0xD0000000, s2;
	s6 =	simm.s32 $0x108;
	_ =	swait.ge @!p0 [sflag:s8], $0x0  }
0x24: {  	s3 =	sadd.s32 $0x88, s3;
	s6 =	simm.s32 @!p1 $0x1082;
	[sflag:s4] =	ssyncset.s32 $0xFFFFF086  }
0x25: {  	[simem:s6], [sflag:s4] =	dma.local [hbm:s3], $0xF7A  }
0x26: {  	[smem:$0x3F9B] =	sst s1;
	(tag) =	ssettag s2;
	_ =	strace s9  }
0x27: {  	s1 =	sld [smem:$0x3FAB]  }
0x28: {  	s2 =	sld [smem:$0x3FAC]  }
0x29: {  	s4 =	sld [smem:$0x3FAE]  }
0x2a: {  	p0 =	seq.s32 s5, $0x0;
	s5 =	sld [smem:$0x3FAF]  }
0x2b: {  	s6 =	sld [smem:$0x3FB0]  }
0x2c: {  	s7 =	sld [smem:$0x3FB1]  }
0x2d: {  	s3 =	simm.s32 $0x108;
	s8 =	sld [smem:$0x3FB2]  }
0x2e: {  	s3 =	simm.s32 @!p0 $0x1082;
	s9 =	sld [smem:$0x3FB3]  }
0x2f: {  	lr =	sadd.s32 s0, s3;
	s0 =	sld [smem:$0x3FAA]  }
0x30: {  	s3 =	sld [smem:$0x3FAD]  }
0x31: {  	[smem:$0x3FB6] =	sst s10  }
0x32: {  	s10 =	sld [smem:$0x3FB4];
	_ =	sdelay $0x3  }
0x33: {  	p0 =	seq.s32 s10, $0x1;
	s10 =	sld [smem:$0x3FB6];
	_ =	sdelay $0x3  }
0x34: {  	[smem:$0x3FB6] =	sst s10  }
0x35: {  	s10 =	sld [smem:$0x3FB5];
	_ =	sdelay $0x3  }
0x36: {  	p1 =	seq.s32 s10, $0x1;
	s10 =	sld [smem:$0x3FB6];
	_ =	sdelay $0x3  }
0x37: {  	[smem:$0x3FB6] =	sst s10  }
0x38: {  	s10 =	sld [smem:$0x3FB7]  }
0x39: {  	_ = 	snop;
	(pc) =	sbr.ind lr, $3  }
0x3a: {  	_ = 	snop  }
0x3b: {  	_ = 	snop  }
0x3c: {  	p2 =	seq.s32 s10, $0x1;
	s10 =	sld [smem:$0x3FB6]  }
0x3d: {  	_ =	shalt  }
0x3e: {  	_ =	shalt  }
0x3f: {  	_ =	shalt  }
0x40: {  	_ =	shalt  }
0x41: {  	_ =	shalt  }
0x42: {  	_ =	shalt  }
0x43: {  	_ =	shalt  }
0x44: {  	_ =	shalt  }
0x45: {  	_ =	shalt  }
0x46: {  	_ =	shalt  }
0x47: {  	_ =	shalt  }
0x48: {  	_ =	shalt  }
0x49: {  	_ =	shalt  }
0x4a: {  	_ =	shalt  }
0x4b: {  	_ =	shalt  }
0x4c: {  	_ =	shalt  }
0x4d: {  	_ =	shalt  }
0x4e: {  	_ =	shalt  }
0x4f: {  	_ =	shalt  }
0x50: {  	_ =	shalt  }
0x51: {  	_ =	shalt  }
0x52: {  	_ =	shalt  }
0x53: {  	_ =	shalt  }
0x54: {  	_ =	shalt  }
0x55: {  	_ =	shalt  }
0x56: {  	_ =	shalt  }
0x57: {  	_ =	shalt  }
0x58: {  	_ =	shalt  }
0x59: {  	_ =	shalt  }
0x5a: {  	_ =	shalt  }
0x5b: {  	_ =	shalt  }
0x5c: {  	_ =	shalt  }
0x5d: {  	_ =	shalt  }
0x5e: {  	_ =	shalt  }
0x5f: {  	_ =	shalt  }
0x60: {  	_ =	shalt  }
0x61: {  	_ =	shalt  }
0x62: {  	_ =	shalt  }
0x63: {  	_ =	shalt  }
0x64: {  	_ =	shalt  }
0x65: {  	_ =	shalt  }
0x66: {  	_ =	shalt  }
0x67: {  	_ =	shalt  }
0x68: {  	_ =	shalt  }
0x69: {  	_ =	shalt  }
0x6a: {  	_ =	shalt  }
0x6b: {  	_ =	shalt  }
0x6c: {  	_ =	shalt  }
0x6d: {  	_ =	shalt  }
0x6e: {  	_ =	shalt  }
0x6f: {  	_ =	shalt  }
0x70: {  	_ =	shalt  }
0x71: {  	_ =	shalt  }
0x72: {  	_ =	shalt  }
0x73: {  	_ =	shalt  }
0x74: {  	_ =	shalt  }
0x75: {  	_ =	shalt  }
0x76: {  	_ =	shalt  }
0x77: {  	_ =	shalt  }
0x78: {  	_ =	shalt  }
0x79: {  	_ =	shalt  }
0x7a: {  	_ =	shalt  }
0x7b: {  	_ =	shalt  }
0x7c: {  	_ =	shalt  }
0x7d: {  	_ =	shalt  }
0x7e: {  	_ =	shalt  }
0x7f: {  	_ =	shalt  }
0x80: {  	_ =	shalt  }
0x81: {  	_ =	shalt  }
0x82: {  	_ =	shalt  }
0x83: {  	_ =	shalt  }
0x84: {  	_ =	shalt  }
0x85: {  	_ =	shalt  }
0x86: {  	_ =	shalt  }
0x87: {  	_ =	shalt  }
.Lfunc_end0:
.L_simem_size_0:
called_computation.1_lowered:
.L_overlay_start_0:
0x88: {  	s2 =	sld [smem:$0x3FD9]  }
0x89: {  	s3 =	sld [smem:$0x3FFE];
	_ =	sdelay $0x1  }
0x8a: {  	s1 =	srdreg.scid  }
0x8b: {  	s0 =	sand.u32 $0x1, s1  }
0x8c: {  	s17 =	sshll.u32 s0, $0xA;
	s2 =	sadd.s32 s3, s2  }
0x8d: {  	s2 =	sadd.s32 s2, s17  }
0x8e: {  	[smem:$0x3FC2] =	sst s2  }
0x8f: {  	_ = 	snop  }
0x90: {  	s2 =	sld [smem:$0x3FD0];
	(tm) =	ssettm $0x1  }
0x91: {  	s18 =	sld [smem:$0x3FFB];
	_ =	sdelay $0x3  }
0x92: {  	_ =	strace s18  }
0x93: {  	s3 =	sld [smem:$0x3FFC];
	_ =	sdelay $0x3  }
0x94: {  	_ =	strace s3  }
0x95: {  	s3 =	sld [smem:$0x3FFD];
	_ =	sdelay $0x3  }
0x96: {  	_ =	strace s3  }
0x97: {  	_ =	strace $0x8FFFFFFF  }
0x98: {  	s19 =	sld [smem:$0x3FDB];
	_ =	sdelay $0x1  }
0x99: {  	s4 =	simm.s32 $_scs_section_size  }
0x9a: {  	s5 =	simm.s32 $_size__tile_overlayer_lowered;
	s6 =	simm.s32 $_tile_overlayer_lowered  }
0x9b: {  	s22 =	simm.s32 $0x1BFF;
	s21 =	sshll.u32 s6, $0x1;
	s3 =	sadd.s32 s4, s19  }
0x9c: {  	s7 =	simm.s32 $0x0;
	s20 =	sshll.u32 s5, $0x1;
	s5 =	sadd.s32 s21, s3  }
0x9d: {  	[timem:s7], [sflag:s22] =	dma.local [hbm:s5], s20  }
0x9e: {  	_ =	swait.ge [sflag:s22], s20  }
0x9f: {  	s4 =	ssub.s32 $0x0, s20;
	[sflag:s22] =	ssyncset.done $0x0  }
0xa0: {  	[sflag:s22] =	ssyncadd.s32 s4;
	_ =	sdelay $0x1  }
0xa1: {  	s23 =	simm.s32 $0x1B8B  }
0xa2: {  	_ =	swait.ge [sflag:s23], $0x1  }
0xa3: {  	[sflag:s23] =	ssyncset.done $0x0  }
0xa4: {  	s25 =	simm.s32 $0x1B8E;
	s24 =	sld [smem:$0x3FFE];
	[sflag:s23] =	ssyncadd.s32 $0xFFFFFFFF  }
0xa5: {  	s26 =	simm.s32 $execute0_lowered;
	[smem:$0x3FD2] =	sst s25  }
0xa6: {  	s5 =	sshll.u32 s26, $0x1;
	_ =	strace $0x80000049;
	[dreg:$0x1] =	wrdreg $0xFFFFFFFF  }
0xa7: {  	s28 =	simm.s32 $_size_execute0_lowered;
	s3 =	sadd.s32 s3, s5;
	[dreg:$0x0] =	wrdreg $0x0  }
0xa8: {  	s5 =	sshll.u32 s28, $0x1;
	[dreg:$0x2] =	wrdreg s3  }
0xa9: {  	[dreg:$0x3] =	wrdreg s5  }
0xaa: {  	[dreg:$0x4] =	wrdreg $0xC0  }
0xab: {  	_ =	task [dreg:s7], $0x5FFFF  }
0xac: {  	[dreg:$0x1] =	wrdreg $0xFFFFFFFF  }
0xad: {  	[dreg:$0x0] =	wrdreg $0x60  }
0xae: {  	[dreg:$0x2] =	wrdreg s24  }
0xaf: {  	[dreg:$0x3] =	wrdreg s2  }
0xb0: {  	[dreg:$0x4] =	wrdreg $0xA2000  }
0xb1: {  	[dreg:$0x5] =	wrdreg $0x9  }
0xb2: {  	_ =	task.clear_ibuf [dreg:s7], $0x6FFFF;
	_ =	strace $0x90000049  }
0xb3: {  	s29 =	simm.s32 $0x9;
	_ =	strace $0x8000004B  }
0xb4: {  	_ =	swait.ge [sflag:s29], $0x1  }
0xb5: {  	[sflag:s29] =	ssyncadd.s32 $0xFFFFFFFF  }
0xb6: {  	_ =	strace $0x9000004B  }
0xb7: {  	_ =	sfence  }
0xb8: {  	s30 =	sld [smem:$0x0];
	_ =	sdelay $0x2  }
0xb9: {  	s31 =	sshll.u32 s1, $0xD;
	s1 =	sshrl.u32 s1, $0x2  }
0xba: {  	s3 =	sand.u32 $0x4000, s31;
	s1 =	sadd.s32 s1, s30  }
0xbb: {  	s0 =	sor.u32 s3, s0;
	s1 =	sshll.u32 s1, $0x11  }
0xbc: {  	s0 =	sor.u32 s1, s0  }
0xbd: {  	s0 =	sadd.s32 $0x8F2B, s0  }
0xbe: {  	[sflag:s0] =	ssyncadd.remote.s32 $0x1  }
0xbf: {  	_ =	sfence.sel $0xFFFF  }
0xc0: {  	[dreg:$0x0] =	wrdreg $0xFFFFFFFF;
	(pc) =	sbr.abs _section_cstart, $3  }
0xc1: {  	[dreg:$0x1] =	wrdreg $0xFFFFFFFF  }
0xc2: {  	_ =	task.clear_ibuf [dreg:s7], $0x2FFFF;
	_ =	strace $0x9FFFFFFF  }
0xc3: {  	(tm) =	ssettm $0x7FFFFFFF  }
tec
execute0_lowered:
.L_overlay_start_1:
0x0: {  	(tag) =	ssettag $0x1  }
0x1: {  	s0 =	rddreg [dreg:$0x0]  }
0x2: {  	s1 =	rddreg [dreg:$0x1]  }
0x3: {  	s2 =	rddreg [dreg:$0x2];
	s4 =	simm.s32 $0x0;
	s3 =	srdreg.scid  }
0x4: {  	s17 =	stileid.u32;
	s28 =	simm.s32 $0x7A00;
	s29 =	simm.s32 $0x1  }
0x5: {  	s30 =	simm.s32 $0x3;
	s31 =	simm.s32 $0x2;
	s6 =	smul.u32 $0x50000, s17  }
0x6: {  	[smem:$0x7FF] =	sst s4;
	s3 =	sand.u32 $0x1, s3;
	s8 =	smul.u32 $0x14000, s17  }
0x7: {  	s9 =	sadd.s32 $0xBE00, s0;
	s10 =	sadd.s32 $0x2000, s0;
	s17 =	smul.u32 $0x2710, s17  }
0x8: {  	s0 =	sadd.s32 $0x15C00, s0;
	s5 =	ssub.s32 $0x2, s3;
	s14 =	smul.u32 $0x140000, s3  }
0x9: {  	_ =	strace $0x8000004A;
	s3 =	smul.u32 $0x27100, s3;
	s7 =	sshrl.u32 s5, $0x1  }
0xa: {  	s23 =	sshrl.u32 s6, $0x2;
	s12 =	sadd.s32 $0x5000, s8;
	s13 =	sadd.s32 $0xA000, s8  }
0xb: {  	s15 =	sadd.s32 $0xF000, s8;
	s11 =	ssub.s32 s5, s7;
	s5 =	sadd.s32 s23, s2  }
0xc: {  	s6 =	sadd.s32 s12, s2;
	s7 =	sadd.s32 s13, s2;
	s8 =	sadd.s32 s8, s14  }
0xd: {  	s12 =	sadd.s32 s14, s12;
	s24 =	sadd.s32 s14, s13;
	s3 =	sadd.s32 s17, s3  }
0xe: {  	s25 =	sadd.s32 s14, s15;
	s16 =	sshrl.u32 s8, $0x3;
	s8 =	sadd.s32 s15, s2  }
0xf: {  	s12 =	sshrl.u32 s12, $0x3;
	s26 =	sadd.s32 $0x140, s3;
	s15 =	sshrl.u32 s25, $0x3  }
0x10: {  	s18 =	sadd.s32 $0xF0, s3;
	s11 =	smax.u32 s11, $0x1;
	s22 =	sadd.s32 $0xA0, s3  }
0x11: {  	s16 =	sadd.s32 s0, s16;
	s12 =	sadd.s32 s0, s12;
	[dreg:$0xc] =	wrdreg s11  }
0x12: {  	s23 =	sshrl.u32 s22, $0x3;
	s22 =	simm.s32 $0x5080;
	[dreg:$0x8] =	wrdreg s16  }
0x13: {  	[dreg:$0x9] =	wrdreg s12;
	s12 =	sshrl.u32 s24, $0x3;
	s16 =	sshrl.u32 s26, $0x3  }
0x14: {  	s24 =	sadd.s32 $0x50, s3;
	s14 =	sadd.s32 s23, s10;
	s26 =	sshrl.u32 s3, $0x3  }
0x15: {  	s3 =	simm.s32 $0x0;
	s12 =	sadd.s32 s0, s12;
	s0 =	sadd.s32 s0, s15  }
0x16: {  	s17 =	sadd.s32 s16, s10;
	s19 =	sadd.s32 s16, s9;
	[dreg:$0xa] =	wrdreg s12  }
0x17: {  	s15 =	sadd.s32 s23, s9;
	s25 =	sshrl.u32 s24, $0x3;
	[dreg:$0xb] =	wrdreg s0  }
0x18: {  	s23 =	simm.s32 $0x50;
	s24 =	simm.s32 $0x5100;
	[dreg:$0x4] =	wrdreg s17  }
0x19: {  	s12 =	sshrl.u32 s18, $0x3;
	[dreg:$0x5] =	wrdreg s19;
	s16 =	sadd.s32 s25, s10  }
0x1a: {  	s17 =	sadd.s32 s25, s9;
	s18 =	sadd.s32 s26, s10;
	s19 =	sadd.s32 s26, s9  }
0x1b: {  	s25 =	simm.s32 $0x7900;
	s26 =	simm.s32 $0x7980;
	s20 =	sadd.s32 s12, s10  }
0x1c: {  	s0 =	simm.s32 $0x4;
	s21 =	sadd.s32 s12, s9;
	[dreg:$0x6] =	wrdreg s20  }
0x1d: {  	v0 =	vimm.f32 $0.0e+00;
	[dreg:$0x7] =	wrdreg s21;
	s20 =	simm.s32 $0x5;
	s21 =	simm.s32 $0x5000  }
.LBB2_1:
0x1e: {  	s9 =	simm.s32 $0x0;
	s10 =	simm.s32 $0x200  }
.LBB2_2:
0x1f: {  	p0 =	sne.s32 s10, $0x13E00;
	[tilespmem:s9+$0x70] =	vst v0  }
0x20: {  	[tilespmem:s9+$0x0] =	vst v0  }
0x21: {  	[tilespmem:s9+$0x10] =	vst v0  }
.Ltmp0:
0x22: {  	[tilespmem:s9+$0x20] =	vst v0;
	(pc) =	sbr.rel @p0 .LBB2_2-.Ltmp0, $4  }
0x23: {  	[tilespmem:s9+$0x30] =	vst v0  }
0x24: {  	[tilespmem:s9+$0x40] =	vst v0  }
0x25: {  	[tilespmem:s9+$0x50] =	vst v0  }
0x26: {  	[tilespmem:s9+$0x60] =	vst v0;
	s9 =	sshra.s32 s10, $0x2;
	s10 =	sadd.s32 $0x200, s10  }
0x27: {  	[tilespmem:s9+$0x70] =	vst v0  }
0x28: {  	[tilespmem:s9+$0x0] =	vst v0  }
0x29: {  	[tilespmem:s9+$0x10] =	vst v0  }
0x2a: {  	[tilespmem:s9+$0x20] =	vst v0  }
0x2b: {  	[tilespmem:s9+$0x30] =	vst v0  }
0x2c: {  	[tilespmem:s9+$0x40] =	vst v0  }
0x2d: {  	[tilespmem:s9+$0x50] =	vst v0  }
0x2e: {  	[tilespmem:s9+$0x60] =	vst v0;
	s11 =	simm.s32 $0x0  }
0x2f: {  	[spmem:s5] =	stream.linear.scatter [tilespmem:s11], [sflag:$0x5], $0x5000, $0x38;
	[tilespmem:$0x1E200] =	vst v63  }
0x30: {  	_ =	swait.ge [sflag:s20], $0x5000  }
0x31: {  	[sflag:s20] =	ssyncset.done $0x0  }
0x32: {  	[sflag:s20] =	ssyncadd.s32 $0xFFFFB000  }
0x33: {  	[spmem:s6] =	stream.linear.scatter [tilespmem:s11], [sflag:$0x5], $0x5000, $0x38;
	[tilespmem:$0x1E200] =	vst v63  }
0x34: {  	_ =	swait.ge [sflag:s20], $0x5000  }
0x35: {  	[sflag:s20] =	ssyncset.done $0x0  }
0x36: {  	[sflag:s20] =	ssyncadd.s32 $0xFFFFB000  }
0x37: {  	[spmem:s7] =	stream.linear.scatter [tilespmem:s11], [sflag:$0x5], $0x5000, $0x38;
	[tilespmem:$0x1E200] =	vst v63  }
0x38: {  	_ =	swait.ge [sflag:s20], $0x5000  }
0x39: {  	[sflag:s20] =	ssyncset.done $0x0  }
0x3a: {  	[sflag:s20] =	ssyncadd.s32 $0xFFFFB000  }
0x3b: {  	[spmem:s8] =	stream.linear.scatter [tilespmem:s11], [sflag:$0x5], $0x5000, $0x38;
	[tilespmem:$0x1E200] =	vst v63  }
0x3c: {  	_ =	swait.ge [sflag:s20], $0x5000  }
0x3d: {  	[sflag:s20] =	ssyncset.done $0x0  }
0x3e: {  	[sflag:s20] =	ssyncadd.s32 $0xFFFFB000  }
0x3f: {  	s12 =	sadd.s32 $0x0, s19;
	[bflag:$0x0] =	sbarrier.arrive $0xFFFF  }
0x40: {  	[tilespmem:s21], [sflag:$0x5] =	stream.linear.gather [hbm4b:s12+s4], $0x50, $0x38;
	[tilespmem:$0x1E200] =	vst v63  }
0x41: {  	_ =	swait.ge [sflag:s20], $0x50  }
0x42: {  	[sflag:s20] =	ssyncset.done $0x0  }
0x43: {  	s13 =	sadd.s32 $0x0, s18;
	[sflag:s20] =	ssyncadd.s32 $0xFFFFFFB0  }
0x44: {  	[tilespmem:s22], [sflag:$0x5] =	stream.linear.gather [hbm4b:s13+s4], $0x50, $0x38;
	[tilespmem:$0x1E200] =	vst v63  }
0x45: {  	_ =	swait.ge [sflag:s20], $0x50  }
0x46: {  	[sflag:s20] =	ssyncset.done $0x0  }
0x47: {  	[sflag:s20] =	ssyncadd.s32 $0xFFFFFFB0  }
0x48: {  	[tilespmem:s24], [sflag:$0x1] =	stream.indirect.gather [hbm4b:s1+s23], $0x80, s21, s23, $0xb8;
	[tilespmem:$0x1E200] =	vst v63  }
0x49: {  	s10 =	sadd.s32 $0x0, s17  }
0x4a: {  	[tilespmem:s25], [sflag:$0x5] =	stream.linear.gather [hbm4b:s10+s4], $0x50, $0x38;
	[tilespmem:$0x1E200] =	vst v63  }
0x4b: {  	_ =	swait.ge [sflag:s20], $0x50  }
0x4c: {  	[sflag:s20] =	ssyncset.done $0x0  }
0x4d: {  	s11 =	sadd.s32 $0x0, s16;
	[sflag:s20] =	ssyncadd.s32 $0xFFFFFFB0  }
0x4e: {  	[tilespmem:s26], [sflag:$0x5] =	stream.linear.gather [hbm4b:s11+s4], $0x50, $0x38;
	[tilespmem:$0x1E200] =	vst v63  }
0x4f: {  	_ =	swait.ge [sflag:s20], $0x50  }
0x50: {  	[sflag:s20] =	ssyncset.done $0x0  }
0x51: {  	[sflag:s20] =	ssyncadd.s32 $0xFFFFFFB0  }
0x52: {  	[tilespmem:s28], [sflag:$0x2] =	stream.indirect.gather [hbm4b:s1+s23], $0x80, s25, s23, $0xb8;
	[tilespmem:$0x1E200] =	vst v63  }
0x53: {  	_ =	swait.ge [sflag:s29], $0x2800  }
0x54: {  	[sflag:s29] =	ssyncset.done $0x0  }
0x55: {  	[sflag:s29] =	ssyncadd.s32 $0xFFFFD800  }
0x56: {  	[spmem:s2] =	stream.indirect.scatter.add.f32 [tilespmem:s24], [sflag:$0x3], $0x80, s22, s23, $0xb8;
	[tilespmem:$0x1E200] =	vst v63  }
0x57: {  	_ =	swait.ge [sflag:s30], $0x2800  }
0x58: {  	[sflag:s30] =	ssyncset.done $0x0  }
0x59: {  	s12 =	sadd.s32 $0x0, s15;
	[sflag:s30] =	ssyncadd.s32 $0xFFFFD800  }
0x5a: {  	[tilespmem:s21], [sflag:$0x5] =	stream.linear.gather [hbm4b:s12+s4], $0x50, $0x38;
	[tilespmem:$0x1E200] =	vst v63  }
0x5b: {  	_ =	swait.ge [sflag:s20], $0x50  }
0x5c: {  	[sflag:s20] =	ssyncset.done $0x0  }
0x5d: {  	s13 =	sadd.s32 $0x0, s14;
	[sflag:s20] =	ssyncadd.s32 $0xFFFFFFB0  }
0x5e: {  	[tilespmem:s22], [sflag:$0x5] =	stream.linear.gather [hbm4b:s13+s4], $0x50, $0x38;
	[tilespmem:$0x1E200] =	vst v63  }
0x5f: {  	_ =	swait.ge [sflag:s20], $0x50  }
0x60: {  	[sflag:s20] =	ssyncset.done $0x0  }
0x61: {  	[sflag:s20] =	ssyncadd.s32 $0xFFFFFFB0  }
0x62: {  	[tilespmem:s24], [sflag:$0x1] =	stream.indirect.gather [hbm4b:s1+s23], $0x80, s21, s23, $0xb8;
	[tilespmem:$0x1E200] =	vst v63  }
0x63: {  	_ =	swait.ge [sflag:s31], $0x2800  }
0x64: {  	[sflag:s31] =	ssyncset.done $0x0  }
0x65: {  	[sflag:s31] =	ssyncadd.s32 $0xFFFFD800  }
0x66: {  	[spmem:s2] =	stream.indirect.scatter.add.f32 [tilespmem:s28], [sflag:$0x4], $0x80, s26, s23, $0xb8;
	[tilespmem:$0x1E200] =	vst v63  }
0x67: {  	_ =	swait.ge [sflag:s0], $0x2800  }
0x68: {  	s10 =	rddreg [dreg:$0x7];
	[sflag:s0] =	ssyncset.done $0x0  }
0x69: {  	[sflag:s0] =	ssyncadd.s32 $0xFFFFD800;
	s9 =	sadd.s32 $0x0, s10  }
0x6a: {  	[tilespmem:s25], [sflag:$0x5] =	stream.linear.gather [hbm4b:s9+s4], $0x50, $0x38;
	[tilespmem:$0x1E200] =	vst v63  }
0x6b: {  	_ =	swait.ge [sflag:s20], $0x50  }
0x6c: {  	s11 =	rddreg [dreg:$0x6];
	[sflag:s20] =	ssyncset.done $0x0  }
0x6d: {  	[sflag:s20] =	ssyncadd.s32 $0xFFFFFFB0;
	s9 =	sadd.s32 $0x0, s11  }
0x6e: {  	[tilespmem:s26], [sflag:$0x5] =	stream.linear.gather [hbm4b:s9+s4], $0x50, $0x38;
	[tilespmem:$0x1E200] =	vst v63  }
0x6f: {  	_ =	swait.ge [sflag:s20], $0x50  }
0x70: {  	[sflag:s20] =	ssyncset.done $0x0  }
0x71: {  	[sflag:s20] =	ssyncadd.s32 $0xFFFFFFB0  }
0x72: {  	[tilespmem:s28], [sflag:$0x2] =	stream.indirect.gather [hbm4b:s1+s23], $0x80, s25, s23, $0xb8;
	[tilespmem:$0x1E200] =	vst v63  }
0x73: {  	_ =	swait.ge [sflag:s29], $0x2800  }
0x74: {  	[sflag:s29] =	ssyncset.done $0x0  }
0x75: {  	[sflag:s29] =	ssyncadd.s32 $0xFFFFD800  }
0x76: {  	[spmem:s2] =	stream.indirect.scatter.add.f32 [tilespmem:s24], [sflag:$0x3], $0x80, s22, s23, $0xb8;
	[tilespmem:$0x1E200] =	vst v63  }
0x77: {  	_ =	swait.ge [sflag:s30], $0x2800  }
0x78: {  	s12 =	rddreg [dreg:$0x5];
	[sflag:s30] =	ssyncset.done $0x0  }
0x79: {  	[sflag:s30] =	ssyncadd.s32 $0xFFFFD800;
	s9 =	sadd.s32 $0x0, s12  }
0x7a: {  	[tilespmem:s21], [sflag:$0x5] =	stream.linear.gather [hbm4b:s9+s4], $0x50, $0x38;
	[tilespmem:$0x1E200] =	vst v63  }
0x7b: {  	_ =	swait.ge [sflag:s20], $0x50  }
0x7c: {  	s13 =	rddreg [dreg:$0x4];
	[sflag:s20] =	ssyncset.done $0x0  }
0x7d: {  	[sflag:s20] =	ssyncadd.s32 $0xFFFFFFB0;
	s9 =	sadd.s32 $0x0, s13  }
0x7e: {  	[tilespmem:s22], [sflag:$0x5] =	stream.linear.gather [hbm4b:s9+s4], $0x50, $0x38;
	[tilespmem:$0x1E200] =	vst v63  }
0x7f: {  	_ =	swait.ge [sflag:s20], $0x50  }
0x80: {  	[sflag:s20] =	ssyncset.done $0x0  }
0x81: {  	[sflag:s20] =	ssyncadd.s32 $0xFFFFFFB0  }
0x82: {  	[tilespmem:s24], [sflag:$0x1] =	stream.indirect.gather [hbm4b:s1+s23], $0x80, s21, s23, $0xb8;
	[tilespmem:$0x1E200] =	vst v63  }
0x83: {  	_ =	swait.ge [sflag:s31], $0x2800  }
0x84: {  	[sflag:s31] =	ssyncset.done $0x0  }
0x85: {  	[sflag:s31] =	ssyncadd.s32 $0xFFFFD800  }
0x86: {  	[spmem:s2] =	stream.indirect.scatter.add.f32 [tilespmem:s28], [sflag:$0x4], $0x80, s26, s23, $0xb8;
	[tilespmem:$0x1E200] =	vst v63  }
0x87: {  	_ =	swait.ge [sflag:s29], $0x2800  }
0x88: {  	[sflag:s29] =	ssyncset.done $0x0  }
0x89: {  	[sflag:s29] =	ssyncadd.s32 $0xFFFFD800  }
0x8a: {  	_ =	swait.ge [sflag:s0], $0x2800  }
0x8b: {  	[sflag:s0] =	ssyncset.done $0x0  }
0x8c: {  	[sflag:s0] =	ssyncadd.s32 $0xFFFFD800  }
0x8d: {  	[spmem:s2] =	stream.indirect.scatter.add.f32 [tilespmem:s24], [sflag:$0x3], $0x80, s22, s23, $0xb8;
	[tilespmem:$0x1E200] =	vst v63  }
0x8e: {  	_ =	swait.ge [sflag:s30], $0x2800  }
0x8f: {  	s10 =	simm.s32 $0x64;
	s9 =	simm.s32 $0x32;
	[sflag:s30] =	ssyncset.done $0x0  }
.LBB2_4:
0x90: {  	s13 =	sadd.s32 s9, s19;
	[sflag:s30] =	ssyncadd.s32 $0xFFFFD800  }
0x91: {  	[tilespmem:s21], [sflag:$0x5] =	stream.linear.gather [hbm4b:s13+s4], $0x50, $0x38;
	[tilespmem:$0x1E200] =	vst v63  }
0x92: {  	_ =	swait.ge [sflag:s20], $0x50  }
0x93: {  	[sflag:s20] =	ssyncset.done $0x0  }
0x94: {  	s13 =	sadd.s32 s9, s18;
	[sflag:s20] =	ssyncadd.s32 $0xFFFFFFB0  }
0x95: {  	[tilespmem:s22], [sflag:$0x5] =	stream.linear.gather [hbm4b:s13+s4], $0x50, $0x38;
	[tilespmem:$0x1E200] =	vst v63  }
0x96: {  	_ =	swait.ge [sflag:s20], $0x50  }
0x97: {  	[sflag:s20] =	ssyncset.done $0x0  }
0x98: {  	[sflag:s20] =	ssyncadd.s32 $0xFFFFFFB0  }
0x99: {  	[tilespmem:s24], [sflag:$0x1] =	stream.indirect.gather [hbm4b:s1+s23], $0x80, s21, s23, $0xb8;
	[tilespmem:$0x1E200] =	vst v63  }
0x9a: {  	s13 =	sadd.s32 s9, s17  }
0x9b: {  	[tilespmem:s25], [sflag:$0x5] =	stream.linear.gather [hbm4b:s13+s4], $0x50, $0x38;
	[tilespmem:$0x1E200] =	vst v63  }
0x9c: {  	_ =	swait.ge [sflag:s20], $0x50  }
0x9d: {  	[sflag:s20] =	ssyncset.done $0x0  }
0x9e: {  	s13 =	sadd.s32 s9, s16;
	[sflag:s20] =	ssyncadd.s32 $0xFFFFFFB0  }
0x9f: {  	[tilespmem:s26], [sflag:$0x5] =	stream.linear.gather [hbm4b:s13+s4], $0x50, $0x38;
	[tilespmem:$0x1E200] =	vst v63  }
0xa0: {  	_ =	swait.ge [sflag:s20], $0x50  }
0xa1: {  	[sflag:s20] =	ssyncset.done $0x0  }
0xa2: {  	[sflag:s20] =	ssyncadd.s32 $0xFFFFFFB0  }
0xa3: {  	[tilespmem:s28], [sflag:$0x2] =	stream.indirect.gather [hbm4b:s1+s23], $0x80, s25, s23, $0xb8;
	[tilespmem:$0x1E200] =	vst v63  }
0xa4: {  	_ =	swait.ge [sflag:s29], $0x2800  }
0xa5: {  	[sflag:s29] =	ssyncset.done $0x0  }
0xa6: {  	[sflag:s29] =	ssyncadd.s32 $0xFFFFD800  }
0xa7: {  	[spmem:s2] =	stream.indirect.scatter.add.f32 [tilespmem:s24], [sflag:$0x3], $0x80, s22, s23, $0xb8;
	[tilespmem:$0x1E200] =	vst v63  }
0xa8: {  	_ =	swait.ge [sflag:s30], $0x2800  }
0xa9: {  	[sflag:s30] =	ssyncset.done $0x0  }
0xaa: {  	s13 =	sadd.s32 s9, s15;
	[sflag:s30] =	ssyncadd.s32 $0xFFFFD800  }
0xab: {  	[tilespmem:s21], [sflag:$0x5] =	stream.linear.gather [hbm4b:s13+s4], $0x50, $0x38;
	[tilespmem:$0x1E200] =	vst v63  }
0xac: {  	_ =	swait.ge [sflag:s20], $0x50  }
0xad: {  	[sflag:s20] =	ssyncset.done $0x0  }
0xae: {  	s13 =	sadd.s32 s9, s14;
	[sflag:s20] =	ssyncadd.s32 $0xFFFFFFB0  }
0xaf: {  	[tilespmem:s22], [sflag:$0x5] =	stream.linear.gather [hbm4b:s13+s4], $0x50, $0x38;
	[tilespmem:$0x1E200] =	vst v63  }
0xb0: {  	_ =	swait.ge [sflag:s20], $0x50  }
0xb1: {  	[sflag:s20] =	ssyncset.done $0x0  }
0xb2: {  	[sflag:s20] =	ssyncadd.s32 $0xFFFFFFB0  }
0xb3: {  	[tilespmem:s24], [sflag:$0x1] =	stream.indirect.gather [hbm4b:s1+s23], $0x80, s21, s23, $0xb8;
	[tilespmem:$0x1E200] =	vst v63  }
0xb4: {  	_ =	swait.ge [sflag:s31], $0x2800  }
0xb5: {  	[sflag:s31] =	ssyncset.done $0x0  }
0xb6: {  	[sflag:s31] =	ssyncadd.s32 $0xFFFFD800  }
0xb7: {  	[spmem:s2] =	stream.indirect.scatter.add.f32 [tilespmem:s28], [sflag:$0x4], $0x80, s26, s23, $0xb8;
	[tilespmem:$0x1E200] =	vst v63  }
0xb8: {  	s11 =	smov.u32 s10;
	_ =	swait.ge [sflag:s0], $0x2800  }
0xb9: {  	s12 =	sadd.s32 $0x32, s10;
	s13 =	rddreg [dreg:$0x7];
	[sflag:s0] =	ssyncset.done $0x0  }
0xba: {  	p0 =	sne.s32 s10, $0x4B0;
	[sflag:s0] =	ssyncadd.s32 $0xFFFFD800;
	s10 =	sadd.s32 s9, s13  }
0xbb: {  	[tilespmem:s25], [sflag:$0x5] =	stream.linear.gather [hbm4b:s10+s4], $0x50, $0x38;
	[tilespmem:$0x1E200] =	vst v63  }
0xbc: {  	_ =	swait.ge [sflag:s20], $0x50  }
0xbd: {  	s13 =	rddreg [dreg:$0x6];
	[sflag:s20] =	ssyncset.done $0x0  }
0xbe: {  	[sflag:s20] =	ssyncadd.s32 $0xFFFFFFB0;
	s10 =	sadd.s32 s9, s13  }
0xbf: {  	[tilespmem:s26], [sflag:$0x5] =	stream.linear.gather [hbm4b:s10+s4], $0x50, $0x38;
	[tilespmem:$0x1E200] =	vst v63  }
0xc0: {  	_ =	swait.ge [sflag:s20], $0x50  }
0xc1: {  	[sflag:s20] =	ssyncset.done $0x0  }
0xc2: {  	[sflag:s20] =	ssyncadd.s32 $0xFFFFFFB0  }
0xc3: {  	[tilespmem:s28], [sflag:$0x2] =	stream.indirect.gather [hbm4b:s1+s23], $0x80, s25, s23, $0xb8;
	[tilespmem:$0x1E200] =	vst v63  }
0xc4: {  	_ =	swait.ge [sflag:s29], $0x2800  }
0xc5: {  	[sflag:s29] =	ssyncset.done $0x0  }
0xc6: {  	[sflag:s29] =	ssyncadd.s32 $0xFFFFD800  }
0xc7: {  	[spmem:s2] =	stream.indirect.scatter.add.f32 [tilespmem:s24], [sflag:$0x3], $0x80, s22, s23, $0xb8;
	[tilespmem:$0x1E200] =	vst v63  }
0xc8: {  	_ =	swait.ge [sflag:s30], $0x2800  }
0xc9: {  	s13 =	rddreg [dreg:$0x5];
	[sflag:s30] =	ssyncset.done $0x0  }
0xca: {  	[sflag:s30] =	ssyncadd.s32 $0xFFFFD800;
	s10 =	sadd.s32 s9, s13  }
0xcb: {  	[tilespmem:s21], [sflag:$0x5] =	stream.linear.gather [hbm4b:s10+s4], $0x50, $0x38;
	[tilespmem:$0x1E200] =	vst v63  }
0xcc: {  	_ =	swait.ge [sflag:s20], $0x50  }
0xcd: {  	s13 =	rddreg [dreg:$0x4];
	[sflag:s20] =	ssyncset.done $0x0  }
0xce: {  	[sflag:s20] =	ssyncadd.s32 $0xFFFFFFB0;
	s10 =	sadd.s32 s9, s13  }
0xcf: {  	[tilespmem:s22], [sflag:$0x5] =	stream.linear.gather [hbm4b:s10+s4], $0x50, $0x38;
	[tilespmem:$0x1E200] =	vst v63  }
0xd0: {  	_ =	swait.ge [sflag:s20], $0x50  }
0xd1: {  	[sflag:s20] =	ssyncset.done $0x0  }
0xd2: {  	[sflag:s20] =	ssyncadd.s32 $0xFFFFFFB0  }
0xd3: {  	[tilespmem:s24], [sflag:$0x1] =	stream.indirect.gather [hbm4b:s1+s23], $0x80, s21, s23, $0xb8;
	[tilespmem:$0x1E200] =	vst v63  }
0xd4: {  	_ =	swait.ge [sflag:s31], $0x2800  }
0xd5: {  	[sflag:s31] =	ssyncset.done $0x0  }
0xd6: {  	[sflag:s31] =	ssyncadd.s32 $0xFFFFD800  }
0xd7: {  	[spmem:s2] =	stream.indirect.scatter.add.f32 [tilespmem:s28], [sflag:$0x4], $0x80, s26, s23, $0xb8;
	[tilespmem:$0x1E200] =	vst v63  }
0xd8: {  	_ =	swait.ge [sflag:s29], $0x2800  }
0xd9: {  	[sflag:s29] =	ssyncset.done $0x0  }
0xda: {  	[sflag:s29] =	ssyncadd.s32 $0xFFFFD800  }
0xdb: {  	_ =	swait.ge [sflag:s0], $0x2800  }
.Ltmp1:
0xdc: {  	[sflag:s0] =	ssyncset.done $0x0;
	(pc) =	sbr.rel @p0 .LBB2_4-.Ltmp1, $4  }
0xdd: {  	[sflag:s0] =	ssyncadd.s32 $0xFFFFD800  }
0xde: {  	[spmem:s2] =	stream.indirect.scatter.add.f32 [tilespmem:s24], [sflag:$0x3], $0x80, s22, s23, $0xb8;
	[tilespmem:$0x1E200] =	vst v63  }
0xdf: {  	_ =	swait.ge [sflag:s30], $0x2800  }
0xe0: {  	s9 =	smov.u32 s11;
	s10 =	smov.u32 s12;
	[sflag:s30] =	ssyncset.done $0x0  }
0xe1: {  	s10 =	sadd.s32 s9, s19;
	[sflag:s30] =	ssyncadd.s32 $0xFFFFD800  }
0xe2: {  	[tilespmem:s21], [sflag:$0x5] =	stream.linear.gather [hbm4b:s10+s4], $0x50, $0x38;
	[tilespmem:$0x1E200] =	vst v63  }
0xe3: {  	_ =	swait.ge [sflag:s20], $0x50  }
0xe4: {  	[sflag:s20] =	ssyncset.done $0x0  }
0xe5: {  	s11 =	sadd.s32 s9, s18;
	[sflag:s20] =	ssyncadd.s32 $0xFFFFFFB0  }
0xe6: {  	[tilespmem:s22], [sflag:$0x5] =	stream.linear.gather [hbm4b:s11+s4], $0x50, $0x38;
	[tilespmem:$0x1E200] =	vst v63  }
0xe7: {  	_ =	swait.ge [sflag:s20], $0x50  }
0xe8: {  	[sflag:s20] =	ssyncset.done $0x0  }
0xe9: {  	[sflag:s20] =	ssyncadd.s32 $0xFFFFFFB0  }
0xea: {  	[tilespmem:s24], [sflag:$0x1] =	stream.indirect.gather [hbm4b:s1+s23], $0x80, s21, s23, $0xb8;
	[tilespmem:$0x1E200] =	vst v63  }
0xeb: {  	s12 =	sadd.s32 s9, s17  }
0xec: {  	[tilespmem:s25], [sflag:$0x5] =	stream.linear.gather [hbm4b:s12+s4], $0x50, $0x38;
	[tilespmem:$0x1E200] =	vst v63  }
0xed: {  	_ =	swait.ge [sflag:s20], $0x50  }
0xee: {  	[sflag:s20] =	ssyncset.done $0x0  }
0xef: {  	s13 =	sadd.s32 s9, s16;
	[sflag:s20] =	ssyncadd.s32 $0xFFFFFFB0  }
0xf0: {  	[tilespmem:s26], [sflag:$0x5] =	stream.linear.gather [hbm4b:s13+s4], $0x50, $0x38;
	[tilespmem:$0x1E200] =	vst v63  }
0xf1: {  	_ =	swait.ge [sflag:s20], $0x50  }
0xf2: {  	[sflag:s20] =	ssyncset.done $0x0  }
0xf3: {  	[sflag:s20] =	ssyncadd.s32 $0xFFFFFFB0  }
0xf4: {  	[tilespmem:s28], [sflag:$0x2] =	stream.indirect.gather [hbm4b:s1+s23], $0x80, s25, s23, $0xb8;
	[tilespmem:$0x1E200] =	vst v63  }
0xf5: {  	_ =	swait.ge [sflag:s29], $0x2800  }
0xf6: {  	[sflag:s29] =	ssyncset.done $0x0  }
0xf7: {  	[sflag:s29] =	ssyncadd.s32 $0xFFFFD800  }
0xf8: {  	[spmem:s2] =	stream.indirect.scatter.add.f32 [tilespmem:s24], [sflag:$0x3], $0x80, s22, s23, $0xb8;
	[tilespmem:$0x1E200] =	vst v63  }
0xf9: {  	_ =	swait.ge [sflag:s30], $0x2800  }
0xfa: {  	[sflag:s30] =	ssyncset.done $0x0  }
0xfb: {  	s11 =	sadd.s32 s9, s15;
	[sflag:s30] =	ssyncadd.s32 $0xFFFFD800  }
0xfc: {  	[tilespmem:s21], [sflag:$0x5] =	stream.linear.gather [hbm4b:s11+s4], $0x50, $0x38;
	[tilespmem:$0x1E200] =	vst v63  }
0xfd: {  	_ =	swait.ge [sflag:s20], $0x50  }
0xfe: {  	[sflag:s20] =	ssyncset.done $0x0  }
0xff: {  	s12 =	sadd.s32 s9, s14;
	[sflag:s20] =	ssyncadd.s32 $0xFFFFFFB0  }
0x100: {  	[tilespmem:s22], [sflag:$0x5] =	stream.linear.gather [hbm4b:s12+s4], $0x50, $0x38;
	[tilespmem:$0x1E200] =	vst v63  }
0x101: {  	_ =	swait.ge [sflag:s20], $0x50  }
0x102: {  	[sflag:s20] =	ssyncset.done $0x0  }
0x103: {  	[sflag:s20] =	ssyncadd.s32 $0xFFFFFFB0  }
0x104: {  	[tilespmem:s24], [sflag:$0x1] =	stream.indirect.gather [hbm4b:s1+s23], $0x80, s21, s23, $0xb8;
	[tilespmem:$0x1E200] =	vst v63  }
0x105: {  	_ =	swait.ge [sflag:s31], $0x2800  }
0x106: {  	[sflag:s31] =	ssyncset.done $0x0  }
0x107: {  	[sflag:s31] =	ssyncadd.s32 $0xFFFFD800  }
0x108: {  	[spmem:s2] =	stream.indirect.scatter.add.f32 [tilespmem:s28], [sflag:$0x4], $0x80, s26, s23, $0xb8;
	[tilespmem:$0x1E200] =	vst v63  }
0x109: {  	_ =	swait.ge [sflag:s0], $0x2800  }
0x10a: {  	s13 =	rddreg [dreg:$0x7];
	[sflag:s0] =	ssyncset.done $0x0  }
0x10b: {  	[sflag:s0] =	ssyncadd.s32 $0xFFFFD800;
	s10 =	sadd.s32 s9, s13  }
0x10c: {  	[tilespmem:s25], [sflag:$0x5] =	stream.linear.gather [hbm4b:s10+s4], $0x50, $0x38;
	[tilespmem:$0x1E200] =	vst v63  }
0x10d: {  	_ =	swait.ge [sflag:s20], $0x50  }
0x10e: {  	s11 =	rddreg [dreg:$0x6];
	[sflag:s20] =	ssyncset.done $0x0  }
0x10f: {  	[sflag:s20] =	ssyncadd.s32 $0xFFFFFFB0;
	s10 =	sadd.s32 s9, s11  }
0x110: {  	[tilespmem:s26], [sflag:$0x5] =	stream.linear.gather [hbm4b:s10+s4], $0x50, $0x38;
	[tilespmem:$0x1E200] =	vst v63  }
0x111: {  	_ =	swait.ge [sflag:s20], $0x50  }
0x112: {  	[sflag:s20] =	ssyncset.done $0x0  }
0x113: {  	[sflag:s20] =	ssyncadd.s32 $0xFFFFFFB0  }
0x114: {  	[tilespmem:s28], [sflag:$0x2] =	stream.indirect.gather [hbm4b:s1+s23], $0x80, s25, s23, $0xb8;
	[tilespmem:$0x1E200] =	vst v63  }
0x115: {  	_ =	swait.ge [sflag:s29], $0x2800  }
0x116: {  	[sflag:s29] =	ssyncset.done $0x0  }
0x117: {  	[sflag:s29] =	ssyncadd.s32 $0xFFFFD800  }
0x118: {  	[spmem:s2] =	stream.indirect.scatter.add.f32 [tilespmem:s24], [sflag:$0x3], $0x80, s22, s23, $0xb8;
	[tilespmem:$0x1E200] =	vst v63  }
0x119: {  	_ =	swait.ge [sflag:s30], $0x2800  }
0x11a: {  	s12 =	rddreg [dreg:$0x5];
	[sflag:s30] =	ssyncset.done $0x0  }
0x11b: {  	[sflag:s30] =	ssyncadd.s32 $0xFFFFD800;
	s10 =	sadd.s32 s9, s12  }
0x11c: {  	[tilespmem:s21], [sflag:$0x5] =	stream.linear.gather [hbm4b:s10+s4], $0x50, $0x38;
	[tilespmem:$0x1E200] =	vst v63  }
0x11d: {  	_ =	swait.ge [sflag:s20], $0x50  }
0x11e: {  	s13 =	rddreg [dreg:$0x4];
	[sflag:s20] =	ssyncset.done $0x0  }
0x11f: {  	[sflag:s20] =	ssyncadd.s32 $0xFFFFFFB0;
	s11 =	sadd.s32 s9, s13  }
0x120: {  	[tilespmem:s22], [sflag:$0x5] =	stream.linear.gather [hbm4b:s11+s4], $0x50, $0x38;
	[tilespmem:$0x1E200] =	vst v63  }
0x121: {  	_ =	swait.ge [sflag:s20], $0x50  }
0x122: {  	[sflag:s20] =	ssyncset.done $0x0  }
0x123: {  	[sflag:s20] =	ssyncadd.s32 $0xFFFFFFB0  }
0x124: {  	[tilespmem:s24], [sflag:$0x1] =	stream.indirect.gather [hbm4b:s1+s23], $0x80, s21, s23, $0xb8;
	[tilespmem:$0x1E200] =	vst v63  }
0x125: {  	_ =	swait.ge [sflag:s31], $0x2800  }
0x126: {  	[sflag:s31] =	ssyncset.done $0x0  }
0x127: {  	[sflag:s31] =	ssyncadd.s32 $0xFFFFD800  }
0x128: {  	[spmem:s2] =	stream.indirect.scatter.add.f32 [tilespmem:s28], [sflag:$0x4], $0x80, s26, s23, $0xb8;
	[tilespmem:$0x1E200] =	vst v63  }
0x129: {  	_ =	swait.ge [sflag:s29], $0x2800  }
0x12a: {  	[sflag:s29] =	ssyncset.done $0x0  }
0x12b: {  	[sflag:s29] =	ssyncadd.s32 $0xFFFFD800  }
0x12c: {  	_ =	swait.ge [sflag:s0], $0x2800  }
0x12d: {  	[sflag:s0] =	ssyncset.done $0x0  }
0x12e: {  	[sflag:s0] =	ssyncadd.s32 $0xFFFFD800  }
0x12f: {  	[spmem:s2] =	stream.indirect.scatter.add.f32 [tilespmem:s24], [sflag:$0x3], $0x80, s22, s23, $0xb8;
	[tilespmem:$0x1E200] =	vst v63  }
0x130: {  	_ =	swait.ge [sflag:s30], $0x2800  }
0x131: {  	[sflag:s30] =	ssyncset.done $0x0  }
0x132: {  	s12 =	stileid.u32;
	[sflag:s30] =	ssyncadd.s32 $0xFFFFD800  }
0x133: {  	s9 =	sshll.u32 s12, $0x6;
	[bflag:$0x0] =	sbarrier.arrive $0xFFFF  }
0x134: {  	s13 =	sshrl.u32 s5, $0x3;
	s9 =	sor.u32 $0x1C05, s9;
	s11 =	rddreg [dreg:$0x8]  }
0x135: {  	[hbm:s11], [sflag:s9] =	dma.local [spmem:s13], $0xA00  }
0x136: {  	_ =	swait.ge [sflag:s20], $0xA00  }
0x137: {  	[sflag:s20] =	ssyncset.done $0x0  }
0x138: {  	s12 =	sshrl.u32 s6, $0x3;
	s13 =	rddreg [dreg:$0x9];
	[sflag:s20] =	ssyncadd.s32 $0xFFFFF600  }
0x139: {  	[hbm:s13], [sflag:s9] =	dma.local [spmem:s12], $0xA00  }
0x13a: {  	_ =	swait.ge [sflag:s20], $0xA00  }
0x13b: {  	[sflag:s20] =	ssyncset.done $0x0  }
0x13c: {  	s12 =	sshrl.u32 s7, $0x3;
	s13 =	rddreg [dreg:$0xa];
	[sflag:s20] =	ssyncadd.s32 $0xFFFFF600  }
0x13d: {  	[hbm:s13], [sflag:s9] =	dma.local [spmem:s12], $0xA00  }
0x13e: {  	_ =	swait.ge [sflag:s20], $0xA00  }
0x13f: {  	[sflag:s20] =	ssyncset.done $0x0  }
0x140: {  	s11 =	sshrl.u32 s8, $0x3;
	s12 =	rddreg [dreg:$0xb];
	[sflag:s20] =	ssyncadd.s32 $0xFFFFF600  }
0x141: {  	[hbm:s12], [sflag:s9] =	dma.local [spmem:s11], $0xA00  }
0x142: {  	_ =	swait.ge [sflag:s20], $0xA00  }
0x143: {  	s3 =	sadd.s32 $0x1, s3;
	s13 =	rddreg [dreg:$0xc]  }
0x144: {  	p0 =	sne.s32 s3, s13  }
.Ltmp2:
0x145: {  	_ = 	snop;
	(pc) =	sbr.rel @p0 .LBB2_1-.Ltmp2, $3  }
0x146: {  	_ =	sdelay $0x1  }
0x147: {  	[sflag:s20] =	ssyncset.done $0x0  }
0x148: {  	[sflag:s20] =	ssyncadd.s32 $0xFFFFF600  }
0x149: {  	_ =	sfence.sel $0x180000  }
0x14a: {  	[bflag:$0x0] =	sbarrier.arrive $0xFFFF  }
0x14b: {  	_ =	strace $0x9000004A  }
0x14c: {  	s0 =	stileid.u32;
	[bflag:$0x2] =	sbarrier.arrive $0xFFFF  }
0x14d: {  	p0 =	sne.s32 s0, $0x0;
	s0 =	rddreg [dreg:$0x3]  }
0x14e: {  	s0 =	sadd.s32 @!p0 $0x100000, s0  }
0x14f: {  	[sflag:s0] =	ssyncadd.tile.s32 @!p0 $0x1;
	_ =	shalt  }
.Lfunc_end2:
_tile_overlayer_lowered:
.L_overlay_start_2:
0x150: {  	(tag) =	ssettag $0x2  }
0x151: {  	s0 =	rddreg [dreg:$0x0];
	s2 =	stileid.u32  }
0x152: {  	s1 =	rddreg [dreg:$0x1];
	p0 =	sne.s32 s2, $0x0  }
0x153: {  	s3 =	rddreg [dreg:$0x2];
	[bflag:$0x3] =	sbarrier.arrive $0xFFFF;
	s2 =	simm.s32 @!p0 $0x1C05  }
0x154: {  	[timem:s3], [sflag:s2] =	dma.local @!p0 [hbm:s0], s1  }
0x155: {  	s0 =	simm.s32 @!p0 $0x5  }
0x156: {  	_ =	swait.ge @!p0 [sflag:s0], s1  }
0x157: {  	s1 =	ssub.s32 @!p0 $0x0, s1;
	[sflag:s0] =	ssyncset.done @!p0 $0x0  }
0x158: {  	[sflag:s0] =	ssyncadd.s32 @!p0 s1  }
0x159: {  	[bflag:$0x3] =	sbarrier.arrive $0xFFFF  }
0x15a: {  	_ =	shalt  }

// kernel: kernel.14.cloned.1.call-start
scs
__scs_entry_jumppad:
0x0: {  	(pc) =	sbr.rel $0x88, $3  }
0x1: {  	(tag) =	ssettag $0x0;
	lr =	simm.s32 $0x1  }
0x2: {  	[smem:$0x3F9B] =	sst lr;
	_ =	strace $0xD0000000  }
0x3: {  	_ = 	snop  }
0x4: {  	_ = 	snop  }
0x5: {  	_ = 	snop  }
0x6: {  	_ = 	snop  }
0x7: {  	_ = 	snop  }
__scs_overlays_trampoline_lowered:
0x8: {  	[smem:$0x3FAA] =	sst s0  }
0x9: {  	[smem:$0x3FAB] =	sst s1  }
0xa: {  	[smem:$0x3FAC] =	sst s2  }
0xb: {  	[smem:$0x3FAD] =	sst s3  }
0xc: {  	[smem:$0x3FAE] =	sst s4  }
0xd: {  	[smem:$0x3FAF] =	sst s5  }
0xe: {  	[smem:$0x3FB0] =	sst s6  }
0xf: {  	[smem:$0x3FB1] =	sst s7  }
0x10: {  	[smem:$0x3FB2] =	sst s8  }
0x11: {  	[smem:$0x3FB3] =	sst s9;
	s0 =	simm.s32 @!p0 $0x0  }
0x12: {  	s1 =	sld [smem:$0x3F99];
	s0 =	simm.s32 @p0 $0x1  }
0x13: {  	[smem:$0x3FB4] =	sst s0;
	s0 =	simm.s32 @!p1 $0x0  }
0x14: {  	s2 =	sld [smem:$0x3F98];
	s0 =	simm.s32 @p1 $0x1  }
0x15: {  	[smem:$0x3FB5] =	sst s0;
	s0 =	simm.s32 @!p2 $0x0  }
0x16: {  	s3 =	sld [smem:$0x3FDB];
	s0 =	simm.s32 @p2 $0x1  }
0x17: {  	s4 =	simm.s32 $0x1BF5;
	[smem:$0x3FB7] =	sst s0  }
0x18: {  	s0 =	sld [smem:$0x3F9A];
	_ =	swait.ge [sflag:s4], $0x0  }
0x19: {  	s7 =	sld [smem:$0x3F9B]  }
0x1a: {  	s8 =	sadd.s32 $0xFFFFE003, lr  }
0x1b: {  	s9 =	sadd.s32 $0xFFFFFEF7, lr;
	s5 =	simm.s32 $0xFFFFFFFF;
	p2 =	slt.u32 s8, $0xFFFFF086  }
0x1c: {  	p1 =	slt.u32 s9, $0xF7A;
	s5 =	simm.s32 @!p2 $0x0  }
0x1d: {  	s5 =	simm.s32 @p1 $0x1;
	p0 =	seq.s32 s7, s2  }
0x1e: {  	s7 =	smul.u32 @!p0 $0xF7A, s2;
	p2 =	seq.s32 @!p0 s5, $0x0  }
0x1f: {  	s9 =	smul.u32 $0xF7A, s1;
	s8 =	simm.s32 @!p0 $0x1BF5;
	p2 =	por !p2, p0  }
0x20: {  	[sflag:s8] =	ssyncset.s32 @!p0 $0xFFFFF086;
	s6 =	sadd.s32 @!p0 s3, s7;
	s7 =	simm.s32 @!p0 $0x108  }
0x21: {  	s3 =	sadd.s32 s3, s9;
	s6 =	sadd.s32 @!p0 $0x88, s6;
	s7 =	simm.s32 @p2 $0x1082  }
0x22: {  	[simem:s7], [sflag:s8] =	dma.local @!p0 [hbm:s6], $0xF7A  }
0x23: {  	s9 =	sor.u32 $0xD0000000, s2;
	s6 =	simm.s32 $0x108;
	_ =	swait.ge @!p0 [sflag:s8], $0x0  }
0x24: {  	s3 =	sadd.s32 $0x88, s3;
	s6 =	simm.s32 @!p1 $0x1082;
	[sflag:s4] =	ssyncset.s32 $0xFFFFF086  }
0x25: {  	[simem:s6], [sflag:s4] =	dma.local [hbm:s3], $0xF7A  }
0x26: {  	[smem:$0x3F9B] =	sst s1;
	(tag) =	ssettag s2;
	_ =	strace s9  }
0x27: {  	s1 =	sld [smem:$0x3FAB]  }
0x28: {  	s2 =	sld [smem:$0x3FAC]  }
0x29: {  	s4 =	sld [smem:$0x3FAE]  }
0x2a: {  	p0 =	seq.s32 s5, $0x0;
	s5 =	sld [smem:$0x3FAF]  }
0x2b: {  	s6 =	sld [smem:$0x3FB0]  }
0x2c: {  	s7 =	sld [smem:$0x3FB1]  }
0x2d: {  	s3 =	simm.s32 $0x108;
	s8 =	sld [smem:$0x3FB2]  }
0x2e: {  	s3 =	simm.s32 @!p0 $0x1082;
	s9 =	sld [smem:$0x3FB3]  }
0x2f: {  	lr =	sadd.s32 s0, s3;
	s0 =	sld [smem:$0x3FAA]  }
0x30: {  	s3 =	sld [smem:$0x3FAD]  }
0x31: {  	[smem:$0x3FB6] =	sst s10  }
0x32: {  	s10 =	sld [smem:$0x3FB4];
	_ =	sdelay $0x3  }
0x33: {  	p0 =	seq.s32 s10, $0x1;
	s10 =	sld [smem:$0x3FB6];
	_ =	sdelay $0x3  }
0x34: {  	[smem:$0x3FB6] =	sst s10  }
0x35: {  	s10 =	sld [smem:$0x3FB5];
	_ =	sdelay $0x3  }
0x36: {  	p1 =	seq.s32 s10, $0x1;
	s10 =	sld [smem:$0x3FB6];
	_ =	sdelay $0x3  }
0x37: {  	[smem:$0x3FB6] =	sst s10  }
0x38: {  	s10 =	sld [smem:$0x3FB7]  }
0x39: {  	_ = 	snop;
	(pc) =	sbr.ind lr, $3  }
0x3a: {  	_ = 	snop  }
0x3b: {  	_ = 	snop  }
0x3c: {  	p2 =	seq.s32 s10, $0x1;
	s10 =	sld [smem:$0x3FB6]  }
0x3d: {  	_ =	shalt  }
0x3e: {  	_ =	shalt  }
0x3f: {  	_ =	shalt  }
0x40: {  	_ =	shalt  }
0x41: {  	_ =	shalt  }
0x42: {  	_ =	shalt  }
0x43: {  	_ =	shalt  }
0x44: {  	_ =	shalt  }
0x45: {  	_ =	shalt  }
0x46: {  	_ =	shalt  }
0x47: {  	_ =	shalt  }
0x48: {  	_ =	shalt  }
0x49: {  	_ =	shalt  }
0x4a: {  	_ =	shalt  }
0x4b: {  	_ =	shalt  }
0x4c: {  	_ =	shalt  }
0x4d: {  	_ =	shalt  }
0x4e: {  	_ =	shalt  }
0x4f: {  	_ =	shalt  }
0x50: {  	_ =	shalt  }
0x51: {  	_ =	shalt  }
0x52: {  	_ =	shalt  }
0x53: {  	_ =	shalt  }
0x54: {  	_ =	shalt  }
0x55: {  	_ =	shalt  }
0x56: {  	_ =	shalt  }
0x57: {  	_ =	shalt  }
0x58: {  	_ =	shalt  }
0x59: {  	_ =	shalt  }
0x5a: {  	_ =	shalt  }
0x5b: {  	_ =	shalt  }
0x5c: {  	_ =	shalt  }
0x5d: {  	_ =	shalt  }
0x5e: {  	_ =	shalt  }
0x5f: {  	_ =	shalt  }
0x60: {  	_ =	shalt  }
0x61: {  	_ =	shalt  }
0x62: {  	_ =	shalt  }
0x63: {  	_ =	shalt  }
0x64: {  	_ =	shalt  }
0x65: {  	_ =	shalt  }
0x66: {  	_ =	shalt  }
0x67: {  	_ =	shalt  }
0x68: {  	_ =	shalt  }
0x69: {  	_ =	shalt  }
0x6a: {  	_ =	shalt  }
0x6b: {  	_ =	shalt  }
0x6c: {  	_ =	shalt  }
0x6d: {  	_ =	shalt  }
0x6e: {  	_ =	shalt  }
0x6f: {  	_ =	shalt  }
0x70: {  	_ =	shalt  }
0x71: {  	_ =	shalt  }
0x72: {  	_ =	shalt  }
0x73: {  	_ =	shalt  }
0x74: {  	_ =	shalt  }
0x75: {  	_ =	shalt  }
0x76: {  	_ =	shalt  }
0x77: {  	_ =	shalt  }
0x78: {  	_ =	shalt  }
0x79: {  	_ =	shalt  }
0x7a: {  	_ =	shalt  }
0x7b: {  	_ =	shalt  }
0x7c: {  	_ =	shalt  }
0x7d: {  	_ =	shalt  }
0x7e: {  	_ =	shalt  }
0x7f: {  	_ =	shalt  }
0x80: {  	_ =	shalt  }
0x81: {  	_ =	shalt  }
0x82: {  	_ =	shalt  }
0x83: {  	_ =	shalt  }
0x84: {  	_ =	shalt  }
0x85: {  	_ =	shalt  }
0x86: {  	_ =	shalt  }
0x87: {  	_ =	shalt  }
.Lfunc_end0:
.L_simem_size_0:
called_computation.2_lowered:
.L_overlay_start_0:
0x88: {  	s2 =	sld [smem:$0x3FD9]  }
0x89: {  	s3 =	sld [smem:$0x3FFE];
	_ =	sdelay $0x1  }
0x8a: {  	s1 =	srdreg.scid  }
0x8b: {  	s0 =	sand.u32 $0x1, s1  }
0x8c: {  	s17 =	sshll.u32 s0, $0xA;
	s2 =	sadd.s32 s3, s2  }
0x8d: {  	s2 =	sadd.s32 s2, s17  }
0x8e: {  	[smem:$0x3FC2] =	sst s2  }
0x8f: {  	_ = 	snop  }
0x90: {  	s2 =	sld [smem:$0x3FD0];
	(tm) =	ssettm $0x1  }
0x91: {  	s18 =	sld [smem:$0x3FFB];
	_ =	sdelay $0x3  }
0x92: {  	_ =	strace s18  }
0x93: {  	s3 =	sld [smem:$0x3FFC];
	_ =	sdelay $0x3  }
0x94: {  	_ =	strace s3  }
0x95: {  	s3 =	sld [smem:$0x3FFD];
	_ =	sdelay $0x3  }
0x96: {  	_ =	strace s3  }
0x97: {  	_ =	strace $0x8FFFFFFF  }
0x98: {  	s19 =	sld [smem:$0x3FDB];
	_ =	sdelay $0x1  }
0x99: {  	s4 =	simm.s32 $_scs_section_size  }
0x9a: {  	s5 =	simm.s32 $_size__tile_overlayer_lowered;
	s6 =	simm.s32 $_tile_overlayer_lowered  }
0x9b: {  	s22 =	simm.s32 $0x1BFF;
	s21 =	sshll.u32 s6, $0x1;
	s3 =	sadd.s32 s4, s19  }
0x9c: {  	s7 =	simm.s32 $0x0;
	s20 =	sshll.u32 s5, $0x1;
	s5 =	sadd.s32 s21, s3  }
0x9d: {  	[timem:s7], [sflag:s22] =	dma.local [hbm:s5], s20  }
0x9e: {  	_ =	swait.ge [sflag:s22], s20  }
0x9f: {  	s4 =	ssub.s32 $0x0, s20;
	[sflag:s22] =	ssyncset.done $0x0  }
0xa0: {  	[sflag:s22] =	ssyncadd.s32 s4;
	_ =	sdelay $0x1  }
0xa1: {  	s23 =	simm.s32 $0x1B8B  }
0xa2: {  	_ =	swait.ge [sflag:s23], $0x1  }
0xa3: {  	[sflag:s23] =	ssyncset.done $0x0  }
0xa4: {  	s25 =	simm.s32 $0x1B8E;
	s24 =	sld [smem:$0x3FFE];
	[sflag:s23] =	ssyncadd.s32 $0xFFFFFFFF  }
0xa5: {  	s26 =	simm.s32 $execute0_lowered;
	[smem:$0x3FD2] =	sst s25  }
0xa6: {  	s5 =	sshll.u32 s26, $0x1;
	_ =	strace $0x8000004C;
	[dreg:$0x1] =	wrdreg $0xFFFFFFFF  }
0xa7: {  	s28 =	simm.s32 $_size_execute0_lowered;
	s3 =	sadd.s32 s3, s5;
	[dreg:$0x0] =	wrdreg $0x0  }
0xa8: {  	s5 =	sshll.u32 s28, $0x1;
	[dreg:$0x2] =	wrdreg s3  }
0xa9: {  	[dreg:$0x3] =	wrdreg s5  }
0xaa: {  	[dreg:$0x4] =	wrdreg $0xC0  }
0xab: {  	_ =	task [dreg:s7], $0x5FFFF  }
0xac: {  	[dreg:$0x1] =	wrdreg $0xFFFFFFFF  }
0xad: {  	[dreg:$0x0] =	wrdreg $0x60  }
0xae: {  	[dreg:$0x2] =	wrdreg s24  }
0xaf: {  	[dreg:$0x3] =	wrdreg s2  }
0xb0: {  	[dreg:$0x4] =	wrdreg $0xA2000  }
0xb1: {  	[dreg:$0x5] =	wrdreg $0x9  }
0xb2: {  	_ =	task.clear_ibuf [dreg:s7], $0x6FFFF;
	_ =	strace $0x9000004C  }
0xb3: {  	s29 =	simm.s32 $0x9;
	_ =	strace $0x8000004E  }
0xb4: {  	_ =	swait.ge [sflag:s29], $0x1  }
0xb5: {  	[sflag:s29] =	ssyncadd.s32 $0xFFFFFFFF  }
0xb6: {  	_ =	strace $0x9000004E  }
0xb7: {  	_ =	sfence  }
0xb8: {  	s30 =	sld [smem:$0x0];
	_ =	sdelay $0x2  }
0xb9: {  	s31 =	sshll.u32 s1, $0xD;
	s1 =	sshrl.u32 s1, $0x2  }
0xba: {  	s3 =	sand.u32 $0x4000, s31;
	s1 =	sadd.s32 s1, s30  }
0xbb: {  	s0 =	sor.u32 s3, s0;
	s1 =	sshll.u32 s1, $0x11  }
0xbc: {  	s0 =	sor.u32 s1, s0  }
0xbd: {  	s0 =	sadd.s32 $0x8F2B, s0  }
0xbe: {  	[sflag:s0] =	ssyncadd.remote.s32 $0x1  }
0xbf: {  	_ =	sfence.sel $0xFFFF  }
0xc0: {  	[dreg:$0x0] =	wrdreg $0xFFFFFFFF;
	(pc) =	sbr.abs _section_cstart, $3  }
0xc1: {  	[dreg:$0x1] =	wrdreg $0xFFFFFFFF  }
0xc2: {  	_ =	task.clear_ibuf [dreg:s7], $0x2FFFF;
	_ =	strace $0x9FFFFFFF  }
0xc3: {  	(tm) =	ssettm $0x7FFFFFFF  }
tec
execute0_lowered:
.L_overlay_start_1:
0x0: {  	(tag) =	ssettag $0x1  }
0x1: {  	s0 =	rddreg [dreg:$0x0]  }
0x2: {  	s1 =	rddreg [dreg:$0x1]  }
0x3: {  	s2 =	rddreg [dreg:$0x2];
	s4 =	simm.s32 $0x0;
	s3 =	srdreg.scid  }
0x4: {  	s17 =	stileid.u32;
	s28 =	simm.s32 $0x7A00;
	s29 =	simm.s32 $0x1  }
0x5: {  	s30 =	simm.s32 $0x3;
	s31 =	simm.s32 $0x2;
	s6 =	smul.u32 $0x50000, s17  }
0x6: {  	[smem:$0x7FF] =	sst s4;
	s3 =	sand.u32 $0x1, s3;
	s8 =	smul.u32 $0x14000, s17  }
0x7: {  	s9 =	sadd.s32 $0xBE00, s0;
	s10 =	sadd.s32 $0x2000, s0;
	s17 =	smul.u32 $0x2710, s17  }
0x8: {  	s0 =	sadd.s32 $0x15C00, s0;
	s5 =	ssub.s32 $0x2, s3;
	s14 =	smul.u32 $0x140000, s3  }
0x9: {  	_ =	strace $0x8000004D;
	s3 =	smul.u32 $0x27100, s3;
	s7 =	sshrl.u32 s5, $0x1  }
0xa: {  	s23 =	sshrl.u32 s6, $0x2;
	s12 =	sadd.s32 $0x5000, s8;
	s13 =	sadd.s32 $0xA000, s8  }
0xb: {  	s15 =	sadd.s32 $0xF000, s8;
	s11 =	ssub.s32 s5, s7;
	s5 =	sadd.s32 s23, s2  }
0xc: {  	s6 =	sadd.s32 s12, s2;
	s7 =	sadd.s32 s13, s2;
	s8 =	sadd.s32 s8, s14  }
0xd: {  	s12 =	sadd.s32 s14, s12;
	s24 =	sadd.s32 s14, s13;
	s3 =	sadd.s32 s17, s3  }
0xe: {  	s25 =	sadd.s32 s14, s15;
	s16 =	sshrl.u32 s8, $0x3;
	s8 =	sadd.s32 s15, s2  }
0xf: {  	s12 =	sshrl.u32 s12, $0x3;
	s26 =	sadd.s32 $0x140, s3;
	s15 =	sshrl.u32 s25, $0x3  }
0x10: {  	s18 =	sadd.s32 $0xF0, s3;
	s11 =	smax.u32 s11, $0x1;
	s22 =	sadd.s32 $0xA0, s3  }
0x11: {  	s16 =	sadd.s32 s0, s16;
	s12 =	sadd.s32 s0, s12;
	[dreg:$0xc] =	wrdreg s11  }
0x12: {  	s23 =	sshrl.u32 s22, $0x3;
	s22 =	simm.s32 $0x5080;
	[dreg:$0x8] =	wrdreg s16  }
0x13: {  	[dreg:$0x9] =	wrdreg s12;
	s12 =	sshrl.u32 s24, $0x3;
	s16 =	sshrl.u32 s26, $0x3  }
0x14: {  	s24 =	sadd.s32 $0x50, s3;
	s14 =	sadd.s32 s23, s10;
	s26 =	sshrl.u32 s3, $0x3  }
0x15: {  	s3 =	simm.s32 $0x0;
	s12 =	sadd.s32 s0, s12;
	s0 =	sadd.s32 s0, s15  }
0x16: {  	s17 =	sadd.s32 s16, s10;
	s19 =	sadd.s32 s16, s9;
	[dreg:$0xa] =	wrdreg s12  }
0x17: {  	s15 =	sadd.s32 s23, s9;
	s25 =	sshrl.u32 s24, $0x3;
	[dreg:$0xb] =	wrdreg s0  }
0x18: {  	s23 =	simm.s32 $0x50;
	s24 =	simm.s32 $0x5100;
	[dreg:$0x4] =	wrdreg s17  }
0x19: {  	s12 =	sshrl.u32 s18, $0x3;
	[dreg:$0x5] =	wrdreg s19;
	s16 =	sadd.s32 s25, s10  }
0x1a: {  	s17 =	sadd.s32 s25, s9;
	s18 =	sadd.s32 s26, s10;
	s19 =	sadd.s32 s26, s9  }
0x1b: {  	s25 =	simm.s32 $0x7900;
	s26 =	simm.s32 $0x7980;
	s20 =	sadd.s32 s12, s10  }
0x1c: {  	s0 =	simm.s32 $0x4;
	s21 =	sadd.s32 s12, s9;
	[dreg:$0x6] =	wrdreg s20  }
0x1d: {  	v0 =	vimm.f32 $0.0e+00;
	[dreg:$0x7] =	wrdreg s21;
	s20 =	simm.s32 $0x5;
	s21 =	simm.s32 $0x5000  }
.LBB2_1:
0x1e: {  	s9 =	simm.s32 $0x0;
	s10 =	simm.s32 $0x200  }
.LBB2_2:
0x1f: {  	p0 =	sne.s32 s10, $0x13E00;
	[tilespmem:s9+$0x70] =	vst v0  }
0x20: {  	[tilespmem:s9+$0x0] =	vst v0  }
0x21: {  	[tilespmem:s9+$0x10] =	vst v0  }
.Ltmp0:
0x22: {  	[tilespmem:s9+$0x20] =	vst v0;
	(pc) =	sbr.rel @p0 .LBB2_2-.Ltmp0, $4  }
0x23: {  	[tilespmem:s9+$0x30] =	vst v0  }
0x24: {  	[tilespmem:s9+$0x40] =	vst v0  }
0x25: {  	[tilespmem:s9+$0x50] =	vst v0  }
0x26: {  	[tilespmem:s9+$0x60] =	vst v0;
	s9 =	sshra.s32 s10, $0x2;
	s10 =	sadd.s32 $0x200, s10  }
0x27: {  	[tilespmem:s9+$0x70] =	vst v0  }
0x28: {  	[tilespmem:s9+$0x0] =	vst v0  }
0x29: {  	[tilespmem:s9+$0x10] =	vst v0  }
0x2a: {  	[tilespmem:s9+$0x20] =	vst v0  }
0x2b: {  	[tilespmem:s9+$0x30] =	vst v0  }
0x2c: {  	[tilespmem:s9+$0x40] =	vst v0  }
0x2d: {  	[tilespmem:s9+$0x50] =	vst v0  }
0x2e: {  	[tilespmem:s9+$0x60] =	vst v0;
	s11 =	simm.s32 $0x0  }
0x2f: {  	[spmem:s5] =	stream.linear.scatter [tilespmem:s11], [sflag:$0x5], $0x5000, $0x38;
	[tilespmem:$0x1E200] =	vst v63  }
0x30: {  	_ =	swait.ge [sflag:s20], $0x5000  }
0x31: {  	[sflag:s20] =	ssyncset.done $0x0  }
0x32: {  	[sflag:s20] =	ssyncadd.s32 $0xFFFFB000  }
0x33: {  	[spmem:s6] =	stream.linear.scatter [tilespmem:s11], [sflag:$0x5], $0x5000, $0x38;
	[tilespmem:$0x1E200] =	vst v63  }
0x34: {  	_ =	swait.ge [sflag:s20], $0x5000  }
0x35: {  	[sflag:s20] =	ssyncset.done $0x0  }
0x36: {  	[sflag:s20] =	ssyncadd.s32 $0xFFFFB000  }
0x37: {  	[spmem:s7] =	stream.linear.scatter [tilespmem:s11], [sflag:$0x5], $0x5000, $0x38;
	[tilespmem:$0x1E200] =	vst v63  }
0x38: {  	_ =	swait.ge [sflag:s20], $0x5000  }
0x39: {  	[sflag:s20] =	ssyncset.done $0x0  }
0x3a: {  	[sflag:s20] =	ssyncadd.s32 $0xFFFFB000  }
0x3b: {  	[spmem:s8] =	stream.linear.scatter [tilespmem:s11], [sflag:$0x5], $0x5000, $0x38;
	[tilespmem:$0x1E200] =	vst v63  }
0x3c: {  	_ =	swait.ge [sflag:s20], $0x5000  }
0x3d: {  	[sflag:s20] =	ssyncset.done $0x0  }
0x3e: {  	[sflag:s20] =	ssyncadd.s32 $0xFFFFB000  }
0x3f: {  	s12 =	sadd.s32 $0x0, s19;
	[bflag:$0x0] =	sbarrier.arrive $0xFFFF  }
0x40: {  	[tilespmem:s21], [sflag:$0x5] =	stream.linear.gather [hbm4b:s12+s4], $0x50, $0x38;
	[tilespmem:$0x1E200] =	vst v63  }
0x41: {  	_ =	swait.ge [sflag:s20], $0x50  }
0x42: {  	[sflag:s20] =	ssyncset.done $0x0  }
0x43: {  	s13 =	sadd.s32 $0x0, s18;
	[sflag:s20] =	ssyncadd.s32 $0xFFFFFFB0  }
0x44: {  	[tilespmem:s22], [sflag:$0x5] =	stream.linear.gather [hbm4b:s13+s4], $0x50, $0x38;
	[tilespmem:$0x1E200] =	vst v63  }
0x45: {  	_ =	swait.ge [sflag:s20], $0x50  }
0x46: {  	[sflag:s20] =	ssyncset.done $0x0  }
0x47: {  	[sflag:s20] =	ssyncadd.s32 $0xFFFFFFB0  }
0x48: {  	[tilespmem:s24], [sflag:$0x1] =	stream.indirect.gather [hbm4b:s1+s23], $0x80, s21, s23, $0xb8;
	[tilespmem:$0x1E200] =	vst v63  }
0x49: {  	s10 =	sadd.s32 $0x0, s17  }
0x4a: {  	[tilespmem:s25], [sflag:$0x5] =	stream.linear.gather [hbm4b:s10+s4], $0x50, $0x38;
	[tilespmem:$0x1E200] =	vst v63  }
0x4b: {  	_ =	swait.ge [sflag:s20], $0x50  }
0x4c: {  	[sflag:s20] =	ssyncset.done $0x0  }
0x4d: {  	s11 =	sadd.s32 $0x0, s16;
	[sflag:s20] =	ssyncadd.s32 $0xFFFFFFB0  }
0x4e: {  	[tilespmem:s26], [sflag:$0x5] =	stream.linear.gather [hbm4b:s11+s4], $0x50, $0x38;
	[tilespmem:$0x1E200] =	vst v63  }
0x4f: {  	_ =	swait.ge [sflag:s20], $0x50  }
0x50: {  	[sflag:s20] =	ssyncset.done $0x0  }
0x51: {  	[sflag:s20] =	ssyncadd.s32 $0xFFFFFFB0  }
0x52: {  	[tilespmem:s28], [sflag:$0x2] =	stream.indirect.gather [hbm4b:s1+s23], $0x80, s25, s23, $0xb8;
	[tilespmem:$0x1E200] =	vst v63  }
0x53: {  	_ =	swait.ge [sflag:s29], $0x2800  }
0x54: {  	[sflag:s29] =	ssyncset.done $0x0  }
0x55: {  	[sflag:s29] =	ssyncadd.s32 $0xFFFFD800  }
0x56: {  	[spmem:s2] =	stream.indirect.scatter.add.f32 [tilespmem:s24], [sflag:$0x3], $0x80, s22, s23, $0xb8;
	[tilespmem:$0x1E200] =	vst v63  }
0x57: {  	_ =	swait.ge [sflag:s30], $0x2800  }
0x58: {  	[sflag:s30] =	ssyncset.done $0x0  }
0x59: {  	s12 =	sadd.s32 $0x0, s15;
	[sflag:s30] =	ssyncadd.s32 $0xFFFFD800  }
0x5a: {  	[tilespmem:s21], [sflag:$0x5] =	stream.linear.gather [hbm4b:s12+s4], $0x50, $0x38;
	[tilespmem:$0x1E200] =	vst v63  }
0x5b: {  	_ =	swait.ge [sflag:s20], $0x50  }
0x5c: {  	[sflag:s20] =	ssyncset.done $0x0  }
0x5d: {  	s13 =	sadd.s32 $0x0, s14;
	[sflag:s20] =	ssyncadd.s32 $0xFFFFFFB0  }
0x5e: {  	[tilespmem:s22], [sflag:$0x5] =	stream.linear.gather [hbm4b:s13+s4], $0x50, $0x38;
	[tilespmem:$0x1E200] =	vst v63  }
0x5f: {  	_ =	swait.ge [sflag:s20], $0x50  }
0x60: {  	[sflag:s20] =	ssyncset.done $0x0  }
0x61: {  	[sflag:s20] =	ssyncadd.s32 $0xFFFFFFB0  }
0x62: {  	[tilespmem:s24], [sflag:$0x1] =	stream.indirect.gather [hbm4b:s1+s23], $0x80, s21, s23, $0xb8;
	[tilespmem:$0x1E200] =	vst v63  }
0x63: {  	_ =	swait.ge [sflag:s31], $0x2800  }
0x64: {  	[sflag:s31] =	ssyncset.done $0x0  }
0x65: {  	[sflag:s31] =	ssyncadd.s32 $0xFFFFD800  }
0x66: {  	[spmem:s2] =	stream.indirect.scatter.add.f32 [tilespmem:s28], [sflag:$0x4], $0x80, s26, s23, $0xb8;
	[tilespmem:$0x1E200] =	vst v63  }
0x67: {  	_ =	swait.ge [sflag:s0], $0x2800  }
0x68: {  	s10 =	rddreg [dreg:$0x7];
	[sflag:s0] =	ssyncset.done $0x0  }
0x69: {  	[sflag:s0] =	ssyncadd.s32 $0xFFFFD800;
	s9 =	sadd.s32 $0x0, s10  }
0x6a: {  	[tilespmem:s25], [sflag:$0x5] =	stream.linear.gather [hbm4b:s9+s4], $0x50, $0x38;
	[tilespmem:$0x1E200] =	vst v63  }
0x6b: {  	_ =	swait.ge [sflag:s20], $0x50  }
0x6c: {  	s11 =	rddreg [dreg:$0x6];
	[sflag:s20] =	ssyncset.done $0x0  }
0x6d: {  	[sflag:s20] =	ssyncadd.s32 $0xFFFFFFB0;
	s9 =	sadd.s32 $0x0, s11  }
0x6e: {  	[tilespmem:s26], [sflag:$0x5] =	stream.linear.gather [hbm4b:s9+s4], $0x50, $0x38;
	[tilespmem:$0x1E200] =	vst v63  }
0x6f: {  	_ =	swait.ge [sflag:s20], $0x50  }
0x70: {  	[sflag:s20] =	ssyncset.done $0x0  }
0x71: {  	[sflag:s20] =	ssyncadd.s32 $0xFFFFFFB0  }
0x72: {  	[tilespmem:s28], [sflag:$0x2] =	stream.indirect.gather [hbm4b:s1+s23], $0x80, s25, s23, $0xb8;
	[tilespmem:$0x1E200] =	vst v63  }
0x73: {  	_ =	swait.ge [sflag:s29], $0x2800  }
0x74: {  	[sflag:s29] =	ssyncset.done $0x0  }
0x75: {  	[sflag:s29] =	ssyncadd.s32 $0xFFFFD800  }
0x76: {  	[spmem:s2] =	stream.indirect.scatter.add.f32 [tilespmem:s24], [sflag:$0x3], $0x80, s22, s23, $0xb8;
	[tilespmem:$0x1E200] =	vst v63  }
0x77: {  	_ =	swait.ge [sflag:s30], $0x2800  }
0x78: {  	s12 =	rddreg [dreg:$0x5];
	[sflag:s30] =	ssyncset.done $0x0  }
0x79: {  	[sflag:s30] =	ssyncadd.s32 $0xFFFFD800;
	s9 =	sadd.s32 $0x0, s12  }
0x7a: {  	[tilespmem:s21], [sflag:$0x5] =	stream.linear.gather [hbm4b:s9+s4], $0x50, $0x38;
	[tilespmem:$0x1E200] =	vst v63  }
0x7b: {  	_ =	swait.ge [sflag:s20], $0x50  }
0x7c: {  	s13 =	rddreg [dreg:$0x4];
	[sflag:s20] =	ssyncset.done $0x0  }
0x7d: {  	[sflag:s20] =	ssyncadd.s32 $0xFFFFFFB0;
	s9 =	sadd.s32 $0x0, s13  }
0x7e: {  	[tilespmem:s22], [sflag:$0x5] =	stream.linear.gather [hbm4b:s9+s4], $0x50, $0x38;
	[tilespmem:$0x1E200] =	vst v63  }
0x7f: {  	_ =	swait.ge [sflag:s20], $0x50  }
0x80: {  	[sflag:s20] =	ssyncset.done $0x0  }
0x81: {  	[sflag:s20] =	ssyncadd.s32 $0xFFFFFFB0  }
0x82: {  	[tilespmem:s24], [sflag:$0x1] =	stream.indirect.gather [hbm4b:s1+s23], $0x80, s21, s23, $0xb8;
	[tilespmem:$0x1E200] =	vst v63  }
0x83: {  	_ =	swait.ge [sflag:s31], $0x2800  }
0x84: {  	[sflag:s31] =	ssyncset.done $0x0  }
0x85: {  	[sflag:s31] =	ssyncadd.s32 $0xFFFFD800  }
0x86: {  	[spmem:s2] =	stream.indirect.scatter.add.f32 [tilespmem:s28], [sflag:$0x4], $0x80, s26, s23, $0xb8;
	[tilespmem:$0x1E200] =	vst v63  }
0x87: {  	_ =	swait.ge [sflag:s29], $0x2800  }
0x88: {  	[sflag:s29] =	ssyncset.done $0x0  }
0x89: {  	[sflag:s29] =	ssyncadd.s32 $0xFFFFD800  }
0x8a: {  	_ =	swait.ge [sflag:s0], $0x2800  }
0x8b: {  	[sflag:s0] =	ssyncset.done $0x0  }
0x8c: {  	[sflag:s0] =	ssyncadd.s32 $0xFFFFD800  }
0x8d: {  	[spmem:s2] =	stream.indirect.scatter.add.f32 [tilespmem:s24], [sflag:$0x3], $0x80, s22, s23, $0xb8;
	[tilespmem:$0x1E200] =	vst v63  }
0x8e: {  	_ =	swait.ge [sflag:s30], $0x2800  }
0x8f: {  	s10 =	simm.s32 $0x64;
	s9 =	simm.s32 $0x32;
	[sflag:s30] =	ssyncset.done $0x0  }
.LBB2_4:
0x90: {  	s13 =	sadd.s32 s9, s19;
	[sflag:s30] =	ssyncadd.s32 $0xFFFFD800  }
0x91: {  	[tilespmem:s21], [sflag:$0x5] =	stream.linear.gather [hbm4b:s13+s4], $0x50, $0x38;
	[tilespmem:$0x1E200] =	vst v63  }
0x92: {  	_ =	swait.ge [sflag:s20], $0x50  }
0x93: {  	[sflag:s20] =	ssyncset.done $0x0  }
0x94: {  	s13 =	sadd.s32 s9, s18;
	[sflag:s20] =	ssyncadd.s32 $0xFFFFFFB0  }
0x95: {  	[tilespmem:s22], [sflag:$0x5] =	stream.linear.gather [hbm4b:s13+s4], $0x50, $0x38;
	[tilespmem:$0x1E200] =	vst v63  }
0x96: {  	_ =	swait.ge [sflag:s20], $0x50  }
0x97: {  	[sflag:s20] =	ssyncset.done $0x0  }
0x98: {  	[sflag:s20] =	ssyncadd.s32 $0xFFFFFFB0  }
0x99: {  	[tilespmem:s24], [sflag:$0x1] =	stream.indirect.gather [hbm4b:s1+s23], $0x80, s21, s23, $0xb8;
	[tilespmem:$0x1E200] =	vst v63  }
0x9a: {  	s13 =	sadd.s32 s9, s17  }
0x9b: {  	[tilespmem:s25], [sflag:$0x5] =	stream.linear.gather [hbm4b:s13+s4], $0x50, $0x38;
	[tilespmem:$0x1E200] =	vst v63  }
0x9c: {  	_ =	swait.ge [sflag:s20], $0x50  }
0x9d: {  	[sflag:s20] =	ssyncset.done $0x0  }
0x9e: {  	s13 =	sadd.s32 s9, s16;
	[sflag:s20] =	ssyncadd.s32 $0xFFFFFFB0  }
0x9f: {  	[tilespmem:s26], [sflag:$0x5] =	stream.linear.gather [hbm4b:s13+s4], $0x50, $0x38;
	[tilespmem:$0x1E200] =	vst v63  }
0xa0: {  	_ =	swait.ge [sflag:s20], $0x50  }
0xa1: {  	[sflag:s20] =	ssyncset.done $0x0  }
0xa2: {  	[sflag:s20] =	ssyncadd.s32 $0xFFFFFFB0  }
0xa3: {  	[tilespmem:s28], [sflag:$0x2] =	stream.indirect.gather [hbm4b:s1+s23], $0x80, s25, s23, $0xb8;
	[tilespmem:$0x1E200] =	vst v63  }
0xa4: {  	_ =	swait.ge [sflag:s29], $0x2800  }
0xa5: {  	[sflag:s29] =	ssyncset.done $0x0  }
0xa6: {  	[sflag:s29] =	ssyncadd.s32 $0xFFFFD800  }
0xa7: {  	[spmem:s2] =	stream.indirect.scatter.add.f32 [tilespmem:s24], [sflag:$0x3], $0x80, s22, s23, $0xb8;
	[tilespmem:$0x1E200] =	vst v63  }
0xa8: {  	_ =	swait.ge [sflag:s30], $0x2800  }
0xa9: {  	[sflag:s30] =	ssyncset.done $0x0  }
0xaa: {  	s13 =	sadd.s32 s9, s15;
	[sflag:s30] =	ssyncadd.s32 $0xFFFFD800  }
0xab: {  	[tilespmem:s21], [sflag:$0x5] =	stream.linear.gather [hbm4b:s13+s4], $0x50, $0x38;
	[tilespmem:$0x1E200] =	vst v63  }
0xac: {  	_ =	swait.ge [sflag:s20], $0x50  }
0xad: {  	[sflag:s20] =	ssyncset.done $0x0  }
0xae: {  	s13 =	sadd.s32 s9, s14;
	[sflag:s20] =	ssyncadd.s32 $0xFFFFFFB0  }
0xaf: {  	[tilespmem:s22], [sflag:$0x5] =	stream.linear.gather [hbm4b:s13+s4], $0x50, $0x38;
	[tilespmem:$0x1E200] =	vst v63  }
0xb0: {  	_ =	swait.ge [sflag:s20], $0x50  }
0xb1: {  	[sflag:s20] =	ssyncset.done $0x0  }
0xb2: {  	[sflag:s20] =	ssyncadd.s32 $0xFFFFFFB0  }
0xb3: {  	[tilespmem:s24], [sflag:$0x1] =	stream.indirect.gather [hbm4b:s1+s23], $0x80, s21, s23, $0xb8;
	[tilespmem:$0x1E200] =	vst v63  }
0xb4: {  	_ =	swait.ge [sflag:s31], $0x2800  }
0xb5: {  	[sflag:s31] =	ssyncset.done $0x0  }
0xb6: {  	[sflag:s31] =	ssyncadd.s32 $0xFFFFD800  }
0xb7: {  	[spmem:s2] =	stream.indirect.scatter.add.f32 [tilespmem:s28], [sflag:$0x4], $0x80, s26, s23, $0xb8;
	[tilespmem:$0x1E200] =	vst v63  }
0xb8: {  	s11 =	smov.u32 s10;
	_ =	swait.ge [sflag:s0], $0x2800  }
0xb9: {  	s12 =	sadd.s32 $0x32, s10;
	s13 =	rddreg [dreg:$0x7];
	[sflag:s0] =	ssyncset.done $0x0  }
0xba: {  	p0 =	sne.s32 s10, $0x4B0;
	[sflag:s0] =	ssyncadd.s32 $0xFFFFD800;
	s10 =	sadd.s32 s9, s13  }
0xbb: {  	[tilespmem:s25], [sflag:$0x5] =	stream.linear.gather [hbm4b:s10+s4], $0x50, $0x38;
	[tilespmem:$0x1E200] =	vst v63  }
0xbc: {  	_ =	swait.ge [sflag:s20], $0x50  }
0xbd: {  	s13 =	rddreg [dreg:$0x6];
	[sflag:s20] =	ssyncset.done $0x0  }
0xbe: {  	[sflag:s20] =	ssyncadd.s32 $0xFFFFFFB0;
	s10 =	sadd.s32 s9, s13  }
0xbf: {  	[tilespmem:s26], [sflag:$0x5] =	stream.linear.gather [hbm4b:s10+s4], $0x50, $0x38;
	[tilespmem:$0x1E200] =	vst v63  }
0xc0: {  	_ =	swait.ge [sflag:s20], $0x50  }
0xc1: {  	[sflag:s20] =	ssyncset.done $0x0  }
0xc2: {  	[sflag:s20] =	ssyncadd.s32 $0xFFFFFFB0  }
0xc3: {  	[tilespmem:s28], [sflag:$0x2] =	stream.indirect.gather [hbm4b:s1+s23], $0x80, s25, s23, $0xb8;
	[tilespmem:$0x1E200] =	vst v63  }
0xc4: {  	_ =	swait.ge [sflag:s29], $0x2800  }
0xc5: {  	[sflag:s29] =	ssyncset.done $0x0  }
0xc6: {  	[sflag:s29] =	ssyncadd.s32 $0xFFFFD800  }
0xc7: {  	[spmem:s2] =	stream.indirect.scatter.add.f32 [tilespmem:s24], [sflag:$0x3], $0x80, s22, s23, $0xb8;
	[tilespmem:$0x1E200] =	vst v63  }
0xc8: {  	_ =	swait.ge [sflag:s30], $0x2800  }
0xc9: {  	s13 =	rddreg [dreg:$0x5];
	[sflag:s30] =	ssyncset.done $0x0  }
0xca: {  	[sflag:s30] =	ssyncadd.s32 $0xFFFFD800;
	s10 =	sadd.s32 s9, s13  }
0xcb: {  	[tilespmem:s21], [sflag:$0x5] =	stream.linear.gather [hbm4b:s10+s4], $0x50, $0x38;
	[tilespmem:$0x1E200] =	vst v63  }
0xcc: {  	_ =	swait.ge [sflag:s20], $0x50  }
0xcd: {  	s13 =	rddreg [dreg:$0x4];
	[sflag:s20] =	ssyncset.done $0x0  }
0xce: {  	[sflag:s20] =	ssyncadd.s32 $0xFFFFFFB0;
	s10 =	sadd.s32 s9, s13  }
0xcf: {  	[tilespmem:s22], [sflag:$0x5] =	stream.linear.gather [hbm4b:s10+s4], $0x50, $0x38;
	[tilespmem:$0x1E200] =	vst v63  }
0xd0: {  	_ =	swait.ge [sflag:s20], $0x50  }
0xd1: {  	[sflag:s20] =	ssyncset.done $0x0  }
0xd2: {  	[sflag:s20] =	ssyncadd.s32 $0xFFFFFFB0  }
0xd3: {  	[tilespmem:s24], [sflag:$0x1] =	stream.indirect.gather [hbm4b:s1+s23], $0x80, s21, s23, $0xb8;
	[tilespmem:$0x1E200] =	vst v63  }
0xd4: {  	_ =	swait.ge [sflag:s31], $0x2800  }
0xd5: {  	[sflag:s31] =	ssyncset.done $0x0  }
0xd6: {  	[sflag:s31] =	ssyncadd.s32 $0xFFFFD800  }
0xd7: {  	[spmem:s2] =	stream.indirect.scatter.add.f32 [tilespmem:s28], [sflag:$0x4], $0x80, s26, s23, $0xb8;
	[tilespmem:$0x1E200] =	vst v63  }
0xd8: {  	_ =	swait.ge [sflag:s29], $0x2800  }
0xd9: {  	[sflag:s29] =	ssyncset.done $0x0  }
0xda: {  	[sflag:s29] =	ssyncadd.s32 $0xFFFFD800  }
0xdb: {  	_ =	swait.ge [sflag:s0], $0x2800  }
.Ltmp1:
0xdc: {  	[sflag:s0] =	ssyncset.done $0x0;
	(pc) =	sbr.rel @p0 .LBB2_4-.Ltmp1, $4  }
0xdd: {  	[sflag:s0] =	ssyncadd.s32 $0xFFFFD800  }
0xde: {  	[spmem:s2] =	stream.indirect.scatter.add.f32 [tilespmem:s24], [sflag:$0x3], $0x80, s22, s23, $0xb8;
	[tilespmem:$0x1E200] =	vst v63  }
0xdf: {  	_ =	swait.ge [sflag:s30], $0x2800  }
0xe0: {  	s9 =	smov.u32 s11;
	s10 =	smov.u32 s12;
	[sflag:s30] =	ssyncset.done $0x0  }
0xe1: {  	s10 =	sadd.s32 s9, s19;
	[sflag:s30] =	ssyncadd.s32 $0xFFFFD800  }
0xe2: {  	[tilespmem:s21], [sflag:$0x5] =	stream.linear.gather [hbm4b:s10+s4], $0x50, $0x38;
	[tilespmem:$0x1E200] =	vst v63  }
0xe3: {  	_ =	swait.ge [sflag:s20], $0x50  }
0xe4: {  	[sflag:s20] =	ssyncset.done $0x0  }
0xe5: {  	s11 =	sadd.s32 s9, s18;
	[sflag:s20] =	ssyncadd.s32 $0xFFFFFFB0  }
0xe6: {  	[tilespmem:s22], [sflag:$0x5] =	stream.linear.gather [hbm4b:s11+s4], $0x50, $0x38;
	[tilespmem:$0x1E200] =	vst v63  }
0xe7: {  	_ =	swait.ge [sflag:s20], $0x50  }
0xe8: {  	[sflag:s20] =	ssyncset.done $0x0  }
0xe9: {  	[sflag:s20] =	ssyncadd.s32 $0xFFFFFFB0  }
0xea: {  	[tilespmem:s24], [sflag:$0x1] =	stream.indirect.gather [hbm4b:s1+s23], $0x80, s21, s23, $0xb8;
	[tilespmem:$0x1E200] =	vst v63  }
0xeb: {  	s12 =	sadd.s32 s9, s17  }
0xec: {  	[tilespmem:s25], [sflag:$0x5] =	stream.linear.gather [hbm4b:s12+s4], $0x50, $0x38;
	[tilespmem:$0x1E200] =	vst v63  }
0xed: {  	_ =	swait.ge [sflag:s20], $0x50  }
0xee: {  	[sflag:s20] =	ssyncset.done $0x0  }
0xef: {  	s13 =	sadd.s32 s9, s16;
	[sflag:s20] =	ssyncadd.s32 $0xFFFFFFB0  }
0xf0: {  	[tilespmem:s26], [sflag:$0x5] =	stream.linear.gather [hbm4b:s13+s4], $0x50, $0x38;
	[tilespmem:$0x1E200] =	vst v63  }
0xf1: {  	_ =	swait.ge [sflag:s20], $0x50  }
0xf2: {  	[sflag:s20] =	ssyncset.done $0x0  }
0xf3: {  	[sflag:s20] =	ssyncadd.s32 $0xFFFFFFB0  }
0xf4: {  	[tilespmem:s28], [sflag:$0x2] =	stream.indirect.gather [hbm4b:s1+s23], $0x80, s25, s23, $0xb8;
	[tilespmem:$0x1E200] =	vst v63  }
0xf5: {  	_ =	swait.ge [sflag:s29], $0x2800  }
0xf6: {  	[sflag:s29] =	ssyncset.done $0x0  }
0xf7: {  	[sflag:s29] =	ssyncadd.s32 $0xFFFFD800  }
0xf8: {  	[spmem:s2] =	stream.indirect.scatter.add.f32 [tilespmem:s24], [sflag:$0x3], $0x80, s22, s23, $0xb8;
	[tilespmem:$0x1E200] =	vst v63  }
0xf9: {  	_ =	swait.ge [sflag:s30], $0x2800  }
0xfa: {  	[sflag:s30] =	ssyncset.done $0x0  }
0xfb: {  	s11 =	sadd.s32 s9, s15;
	[sflag:s30] =	ssyncadd.s32 $0xFFFFD800  }
0xfc: {  	[tilespmem:s21], [sflag:$0x5] =	stream.linear.gather [hbm4b:s11+s4], $0x50, $0x38;
	[tilespmem:$0x1E200] =	vst v63  }
0xfd: {  	_ =	swait.ge [sflag:s20], $0x50  }
0xfe: {  	[sflag:s20] =	ssyncset.done $0x0  }
0xff: {  	s12 =	sadd.s32 s9, s14;
	[sflag:s20] =	ssyncadd.s32 $0xFFFFFFB0  }
0x100: {  	[tilespmem:s22], [sflag:$0x5] =	stream.linear.gather [hbm4b:s12+s4], $0x50, $0x38;
	[tilespmem:$0x1E200] =	vst v63  }
0x101: {  	_ =	swait.ge [sflag:s20], $0x50  }
0x102: {  	[sflag:s20] =	ssyncset.done $0x0  }
0x103: {  	[sflag:s20] =	ssyncadd.s32 $0xFFFFFFB0  }
0x104: {  	[tilespmem:s24], [sflag:$0x1] =	stream.indirect.gather [hbm4b:s1+s23], $0x80, s21, s23, $0xb8;
	[tilespmem:$0x1E200] =	vst v63  }
0x105: {  	_ =	swait.ge [sflag:s31], $0x2800  }
0x106: {  	[sflag:s31] =	ssyncset.done $0x0  }
0x107: {  	[sflag:s31] =	ssyncadd.s32 $0xFFFFD800  }
0x108: {  	[spmem:s2] =	stream.indirect.scatter.add.f32 [tilespmem:s28], [sflag:$0x4], $0x80, s26, s23, $0xb8;
	[tilespmem:$0x1E200] =	vst v63  }
0x109: {  	_ =	swait.ge [sflag:s0], $0x2800  }
0x10a: {  	s13 =	rddreg [dreg:$0x7];
	[sflag:s0] =	ssyncset.done $0x0  }
0x10b: {  	[sflag:s0] =	ssyncadd.s32 $0xFFFFD800;
	s10 =	sadd.s32 s9, s13  }
0x10c: {  	[tilespmem:s25], [sflag:$0x5] =	stream.linear.gather [hbm4b:s10+s4], $0x50, $0x38;
	[tilespmem:$0x1E200] =	vst v63  }
0x10d: {  	_ =	swait.ge [sflag:s20], $0x50  }
0x10e: {  	s11 =	rddreg [dreg:$0x6];
	[sflag:s20] =	ssyncset.done $0x0  }
0x10f: {  	[sflag:s20] =	ssyncadd.s32 $0xFFFFFFB0;
	s10 =	sadd.s32 s9, s11  }
0x110: {  	[tilespmem:s26], [sflag:$0x5] =	stream.linear.gather [hbm4b:s10+s4], $0x50, $0x38;
	[tilespmem:$0x1E200] =	vst v63  }
0x111: {  	_ =	swait.ge [sflag:s20], $0x50  }
0x112: {  	[sflag:s20] =	ssyncset.done $0x0  }
0x113: {  	[sflag:s20] =	ssyncadd.s32 $0xFFFFFFB0  }
0x114: {  	[tilespmem:s28], [sflag:$0x2] =	stream.indirect.gather [hbm4b:s1+s23], $0x80, s25, s23, $0xb8;
	[tilespmem:$0x1E200] =	vst v63  }
0x115: {  	_ =	swait.ge [sflag:s29], $0x2800  }
0x116: {  	[sflag:s29] =	ssyncset.done $0x0  }
0x117: {  	[sflag:s29] =	ssyncadd.s32 $0xFFFFD800  }
0x118: {  	[spmem:s2] =	stream.indirect.scatter.add.f32 [tilespmem:s24], [sflag:$0x3], $0x80, s22, s23, $0xb8;
	[tilespmem:$0x1E200] =	vst v63  }
0x119: {  	_ =	swait.ge [sflag:s30], $0x2800  }
0x11a: {  	s12 =	rddreg [dreg:$0x5];
	[sflag:s30] =	ssyncset.done $0x0  }
0x11b: {  	[sflag:s30] =	ssyncadd.s32 $0xFFFFD800;
	s10 =	sadd.s32 s9, s12  }
0x11c: {  	[tilespmem:s21], [sflag:$0x5] =	stream.linear.gather [hbm4b:s10+s4], $0x50, $0x38;
	[tilespmem:$0x1E200] =	vst v63  }
0x11d: {  	_ =	swait.ge [sflag:s20], $0x50  }
0x11e: {  	s13 =	rddreg [dreg:$0x4];
	[sflag:s20] =	ssyncset.done $0x0  }
0x11f: {  	[sflag:s20] =	ssyncadd.s32 $0xFFFFFFB0;
	s11 =	sadd.s32 s9, s13  }
0x120: {  	[tilespmem:s22], [sflag:$0x5] =	stream.linear.gather [hbm4b:s11+s4], $0x50, $0x38;
	[tilespmem:$0x1E200] =	vst v63  }
0x121: {  	_ =	swait.ge [sflag:s20], $0x50  }
0x122: {  	[sflag:s20] =	ssyncset.done $0x0  }
0x123: {  	[sflag:s20] =	ssyncadd.s32 $0xFFFFFFB0  }
0x124: {  	[tilespmem:s24], [sflag:$0x1] =	stream.indirect.gather [hbm4b:s1+s23], $0x80, s21, s23, $0xb8;
	[tilespmem:$0x1E200] =	vst v63  }
0x125: {  	_ =	swait.ge [sflag:s31], $0x2800  }
0x126: {  	[sflag:s31] =	ssyncset.done $0x0  }
0x127: {  	[sflag:s31] =	ssyncadd.s32 $0xFFFFD800  }
0x128: {  	[spmem:s2] =	stream.indirect.scatter.add.f32 [tilespmem:s28], [sflag:$0x4], $0x80, s26, s23, $0xb8;
	[tilespmem:$0x1E200] =	vst v63  }
0x129: {  	_ =	swait.ge [sflag:s29], $0x2800  }
0x12a: {  	[sflag:s29] =	ssyncset.done $0x0  }
0x12b: {  	[sflag:s29] =	ssyncadd.s32 $0xFFFFD800  }
0x12c: {  	_ =	swait.ge [sflag:s0], $0x2800  }
0x12d: {  	[sflag:s0] =	ssyncset.done $0x0  }
0x12e: {  	[sflag:s0] =	ssyncadd.s32 $0xFFFFD800  }
0x12f: {  	[spmem:s2] =	stream.indirect.scatter.add.f32 [tilespmem:s24], [sflag:$0x3], $0x80, s22, s23, $0xb8;
	[tilespmem:$0x1E200] =	vst v63  }
0x130: {  	_ =	swait.ge [sflag:s30], $0x2800  }
0x131: {  	[sflag:s30] =	ssyncset.done $0x0  }
0x132: {  	s12 =	stileid.u32;
	[sflag:s30] =	ssyncadd.s32 $0xFFFFD800  }
0x133: {  	s9 =	sshll.u32 s12, $0x6;
	[bflag:$0x0] =	sbarrier.arrive $0xFFFF  }
0x134: {  	s13 =	sshrl.u32 s5, $0x3;
	s9 =	sor.u32 $0x1C05, s9;
	s11 =	rddreg [dreg:$0x8]  }
0x135: {  	[hbm:s11], [sflag:s9] =	dma.local [spmem:s13], $0xA00  }
0x136: {  	_ =	swait.ge [sflag:s20], $0xA00  }
0x137: {  	[sflag:s20] =	ssyncset.done $0x0  }
0x138: {  	s12 =	sshrl.u32 s6, $0x3;
	s13 =	rddreg [dreg:$0x9];
	[sflag:s20] =	ssyncadd.s32 $0xFFFFF600  }
0x139: {  	[hbm:s13], [sflag:s9] =	dma.local [spmem:s12], $0xA00  }
0x13a: {  	_ =	swait.ge [sflag:s20], $0xA00  }
0x13b: {  	[sflag:s20] =	ssyncset.done $0x0  }
0x13c: {  	s12 =	sshrl.u32 s7, $0x3;
	s13 =	rddreg [dreg:$0xa];
	[sflag:s20] =	ssyncadd.s32 $0xFFFFF600  }
0x13d: {  	[hbm:s13], [sflag:s9] =	dma.local [spmem:s12], $0xA00  }
0x13e: {  	_ =	swait.ge [sflag:s20], $0xA00  }
0x13f: {  	[sflag:s20] =	ssyncset.done $0x0  }
0x140: {  	s11 =	sshrl.u32 s8, $0x3;
	s12 =	rddreg [dreg:$0xb];
	[sflag:s20] =	ssyncadd.s32 $0xFFFFF600  }
0x141: {  	[hbm:s12], [sflag:s9] =	dma.local [spmem:s11], $0xA00  }
0x142: {  	_ =	swait.ge [sflag:s20], $0xA00  }
0x143: {  	s3 =	sadd.s32 $0x1, s3;
	s13 =	rddreg [dreg:$0xc]  }
0x144: {  	p0 =	sne.s32 s3, s13  }
.Ltmp2:
0x145: {  	_ = 	snop;
	(pc) =	sbr.rel @p0 .LBB2_1-.Ltmp2, $3  }
0x146: {  	_ =	sdelay $0x1  }
0x147: {  	[sflag:s20] =	ssyncset.done $0x0  }
0x148: {  	[sflag:s20] =	ssyncadd.s32 $0xFFFFF600  }
0x149: {  	_ =	sfence.sel $0x180000  }
0x14a: {  	[bflag:$0x0] =	sbarrier.arrive $0xFFFF  }
0x14b: {  	_ =	strace $0x9000004D  }
0x14c: {  	s0 =	stileid.u32;
	[bflag:$0x2] =	sbarrier.arrive $0xFFFF  }
0x14d: {  	p0 =	sne.s32 s0, $0x0;
	s0 =	rddreg [dreg:$0x3]  }
0x14e: {  	s0 =	sadd.s32 @!p0 $0x100000, s0  }
0x14f: {  	[sflag:s0] =	ssyncadd.tile.s32 @!p0 $0x1;
	_ =	shalt  }
.Lfunc_end2:
_tile_overlayer_lowered:
.L_overlay_start_2:
0x150: {  	(tag) =	ssettag $0x2  }
0x151: {  	s0 =	rddreg [dreg:$0x0];
	s2 =	stileid.u32  }
0x152: {  	s1 =	rddreg [dreg:$0x1];
	p0 =	sne.s32 s2, $0x0  }
0x153: {  	s3 =	rddreg [dreg:$0x2];
	[bflag:$0x3] =	sbarrier.arrive $0xFFFF;
	s2 =	simm.s32 @!p0 $0x1C05  }
0x154: {  	[timem:s3], [sflag:s2] =	dma.local @!p0 [hbm:s0], s1  }
0x155: {  	s0 =	simm.s32 @!p0 $0x5  }
0x156: {  	_ =	swait.ge @!p0 [sflag:s0], s1  }
0x157: {  	s1 =	ssub.s32 @!p0 $0x0, s1;
	[sflag:s0] =	ssyncset.done @!p0 $0x0  }
0x158: {  	[sflag:s0] =	ssyncadd.s32 @!p0 s1  }
0x159: {  	[bflag:$0x3] =	sbarrier.arrive $0xFFFF  }
0x15a: {  	_ =	shalt  }

// kernel: kernel.8.cloned.1.call-start
scs
__scs_entry_jumppad:
0x0: {  	(pc) =	sbr.rel $0x88, $3  }
0x1: {  	(tag) =	ssettag $0x0;
	lr =	simm.s32 $0x1  }
0x2: {  	[smem:$0x3F9B] =	sst lr;
	_ =	strace $0xD0000000  }
0x3: {  	_ = 	snop  }
0x4: {  	_ = 	snop  }
0x5: {  	_ = 	snop  }
0x6: {  	_ = 	snop  }
0x7: {  	_ = 	snop  }
__scs_overlays_trampoline_lowered:
0x8: {  	[smem:$0x3FAA] =	sst s0  }
0x9: {  	[smem:$0x3FAB] =	sst s1  }
0xa: {  	[smem:$0x3FAC] =	sst s2  }
0xb: {  	[smem:$0x3FAD] =	sst s3  }
0xc: {  	[smem:$0x3FAE] =	sst s4  }
0xd: {  	[smem:$0x3FAF] =	sst s5  }
0xe: {  	[smem:$0x3FB0] =	sst s6  }
0xf: {  	[smem:$0x3FB1] =	sst s7  }
0x10: {  	[smem:$0x3FB2] =	sst s8  }
0x11: {  	[smem:$0x3FB3] =	sst s9;
	s0 =	simm.s32 @!p0 $0x0  }
0x12: {  	s1 =	sld [smem:$0x3F99];
	s0 =	simm.s32 @p0 $0x1  }
0x13: {  	[smem:$0x3FB4] =	sst s0;
	s0 =	simm.s32 @!p1 $0x0  }
0x14: {  	s2 =	sld [smem:$0x3F98];
	s0 =	simm.s32 @p1 $0x1  }
0x15: {  	[smem:$0x3FB5] =	sst s0;
	s0 =	simm.s32 @!p2 $0x0  }
0x16: {  	s3 =	sld [smem:$0x3FDB];
	s0 =	simm.s32 @p2 $0x1  }
0x17: {  	s4 =	simm.s32 $0x1BF5;
	[smem:$0x3FB7] =	sst s0  }
0x18: {  	s0 =	sld [smem:$0x3F9A];
	_ =	swait.ge [sflag:s4], $0x0  }
0x19: {  	s7 =	sld [smem:$0x3F9B]  }
0x1a: {  	s8 =	sadd.s32 $0xFFFFE003, lr  }
0x1b: {  	s9 =	sadd.s32 $0xFFFFFEF7, lr;
	s5 =	simm.s32 $0xFFFFFFFF;
	p2 =	slt.u32 s8, $0xFFFFF086  }
0x1c: {  	p1 =	slt.u32 s9, $0xF7A;
	s5 =	simm.s32 @!p2 $0x0  }
0x1d: {  	s5 =	simm.s32 @p1 $0x1;
	p0 =	seq.s32 s7, s2  }
0x1e: {  	s7 =	smul.u32 @!p0 $0xF7A, s2;
	p2 =	seq.s32 @!p0 s5, $0x0  }
0x1f: {  	s9 =	smul.u32 $0xF7A, s1;
	s8 =	simm.s32 @!p0 $0x1BF5;
	p2 =	por !p2, p0  }
0x20: {  	[sflag:s8] =	ssyncset.s32 @!p0 $0xFFFFF086;
	s6 =	sadd.s32 @!p0 s3, s7;
	s7 =	simm.s32 @!p0 $0x108  }
0x21: {  	s3 =	sadd.s32 s3, s9;
	s6 =	sadd.s32 @!p0 $0x88, s6;
	s7 =	simm.s32 @p2 $0x1082  }
0x22: {  	[simem:s7], [sflag:s8] =	dma.local @!p0 [hbm:s6], $0xF7A  }
0x23: {  	s9 =	sor.u32 $0xD0000000, s2;
	s6 =	simm.s32 $0x108;
	_ =	swait.ge @!p0 [sflag:s8], $0x0  }
0x24: {  	s3 =	sadd.s32 $0x88, s3;
	s6 =	simm.s32 @!p1 $0x1082;
	[sflag:s4] =	ssyncset.s32 $0xFFFFF086  }
0x25: {  	[simem:s6], [sflag:s4] =	dma.local [hbm:s3], $0xF7A  }
0x26: {  	[smem:$0x3F9B] =	sst s1;
	(tag) =	ssettag s2;
	_ =	strace s9  }
0x27: {  	s1 =	sld [smem:$0x3FAB]  }
0x28: {  	s2 =	sld [smem:$0x3FAC]  }
0x29: {  	s4 =	sld [smem:$0x3FAE]  }
0x2a: {  	p0 =	seq.s32 s5, $0x0;
	s5 =	sld [smem:$0x3FAF]  }
0x2b: {  	s6 =	sld [smem:$0x3FB0]  }
0x2c: {  	s7 =	sld [smem:$0x3FB1]  }
0x2d: {  	s3 =	simm.s32 $0x108;
	s8 =	sld [smem:$0x3FB2]  }
0x2e: {  	s3 =	simm.s32 @!p0 $0x1082;
	s9 =	sld [smem:$0x3FB3]  }
0x2f: {  	lr =	sadd.s32 s0, s3;
	s0 =	sld [smem:$0x3FAA]  }
0x30: {  	s3 =	sld [smem:$0x3FAD]  }
0x31: {  	[smem:$0x3FB6] =	sst s10  }
0x32: {  	s10 =	sld [smem:$0x3FB4];
	_ =	sdelay $0x3  }
0x33: {  	p0 =	seq.s32 s10, $0x1;
	s10 =	sld [smem:$0x3FB6];
	_ =	sdelay $0x3  }
0x34: {  	[smem:$0x3FB6] =	sst s10  }
0x35: {  	s10 =	sld [smem:$0x3FB5];
	_ =	sdelay $0x3  }
0x36: {  	p1 =	seq.s32 s10, $0x1;
	s10 =	sld [smem:$0x3FB6];
	_ =	sdelay $0x3  }
0x37: {  	[smem:$0x3FB6] =	sst s10  }
0x38: {  	s10 =	sld [smem:$0x3FB7]  }
0x39: {  	_ = 	snop;
	(pc) =	sbr.ind lr, $3  }
0x3a: {  	_ = 	snop  }
0x3b: {  	_ = 	snop  }
0x3c: {  	p2 =	seq.s32 s10, $0x1;
	s10 =	sld [smem:$0x3FB6]  }
0x3d: {  	_ =	shalt  }
0x3e: {  	_ =	shalt  }
0x3f: {  	_ =	shalt  }
0x40: {  	_ =	shalt  }
0x41: {  	_ =	shalt  }
0x42: {  	_ =	shalt  }
0x43: {  	_ =	shalt  }
0x44: {  	_ =	shalt  }
0x45: {  	_ =	shalt  }
0x46: {  	_ =	shalt  }
0x47: {  	_ =	shalt  }
0x48: {  	_ =	shalt  }
0x49: {  	_ =	shalt  }
0x4a: {  	_ =	shalt  }
0x4b: {  	_ =	shalt  }
0x4c: {  	_ =	shalt  }
0x4d: {  	_ =	shalt  }
0x4e: {  	_ =	shalt  }
0x4f: {  	_ =	shalt  }
0x50: {  	_ =	shalt  }
0x51: {  	_ =	shalt  }
0x52: {  	_ =	shalt  }
0x53: {  	_ =	shalt  }
0x54: {  	_ =	shalt  }
0x55: {  	_ =	shalt  }
0x56: {  	_ =	shalt  }
0x57: {  	_ =	shalt  }
0x58: {  	_ =	shalt  }
0x59: {  	_ =	shalt  }
0x5a: {  	_ =	shalt  }
0x5b: {  	_ =	shalt  }
0x5c: {  	_ =	shalt  }
0x5d: {  	_ =	shalt  }
0x5e: {  	_ =	shalt  }
0x5f: {  	_ =	shalt  }
0x60: {  	_ =	shalt  }
0x61: {  	_ =	shalt  }
0x62: {  	_ =	shalt  }
0x63: {  	_ =	shalt  }
0x64: {  	_ =	shalt  }
0x65: {  	_ =	shalt  }
0x66: {  	_ =	shalt  }
0x67: {  	_ =	shalt  }
0x68: {  	_ =	shalt  }
0x69: {  	_ =	shalt  }
0x6a: {  	_ =	shalt  }
0x6b: {  	_ =	shalt  }
0x6c: {  	_ =	shalt  }
0x6d: {  	_ =	shalt  }
0x6e: {  	_ =	shalt  }
0x6f: {  	_ =	shalt  }
0x70: {  	_ =	shalt  }
0x71: {  	_ =	shalt  }
0x72: {  	_ =	shalt  }
0x73: {  	_ =	shalt  }
0x74: {  	_ =	shalt  }
0x75: {  	_ =	shalt  }
0x76: {  	_ =	shalt  }
0x77: {  	_ =	shalt  }
0x78: {  	_ =	shalt  }
0x79: {  	_ =	shalt  }
0x7a: {  	_ =	shalt  }
0x7b: {  	_ =	shalt  }
0x7c: {  	_ =	shalt  }
0x7d: {  	_ =	shalt  }
0x7e: {  	_ =	shalt  }
0x7f: {  	_ =	shalt  }
0x80: {  	_ =	shalt  }
0x81: {  	_ =	shalt  }
0x82: {  	_ =	shalt  }
0x83: {  	_ =	shalt  }
0x84: {  	_ =	shalt  }
0x85: {  	_ =	shalt  }
0x86: {  	_ =	shalt  }
0x87: {  	_ =	shalt  }
.Lfunc_end0:
.L_simem_size_0:
called_computation_lowered:
.L_overlay_start_0:
0x88: {  	s2 =	sld [smem:$0x3FD9]  }
0x89: {  	s3 =	sld [smem:$0x3FFE];
	_ =	sdelay $0x1  }
0x8a: {  	s1 =	srdreg.scid  }
0x8b: {  	s0 =	sand.u32 $0x1, s1  }
0x8c: {  	s17 =	sshll.u32 s0, $0xA;
	s2 =	sadd.s32 s3, s2  }
0x8d: {  	s2 =	sadd.s32 s2, s17  }
0x8e: {  	[smem:$0x3FC2] =	sst s2  }
0x8f: {  	_ = 	snop  }
0x90: {  	s2 =	sld [smem:$0x3FD0];
	(tm) =	ssettm $0x1  }
0x91: {  	s18 =	sld [smem:$0x3FFB];
	_ =	sdelay $0x3  }
0x92: {  	_ =	strace s18  }
0x93: {  	s3 =	sld [smem:$0x3FFC];
	_ =	sdelay $0x3  }
0x94: {  	_ =	strace s3  }
0x95: {  	s3 =	sld [smem:$0x3FFD];
	_ =	sdelay $0x3  }
0x96: {  	_ =	strace s3  }
0x97: {  	_ =	strace $0x8FFFFFFF  }
0x98: {  	s19 =	sld [smem:$0x3FDB];
	_ =	sdelay $0x1  }
0x99: {  	s4 =	simm.s32 $_scs_section_size  }
0x9a: {  	s5 =	simm.s32 $_size__tile_overlayer_lowered;
	s6 =	simm.s32 $_tile_overlayer_lowered  }
0x9b: {  	s22 =	simm.s32 $0x1BFF;
	s21 =	sshll.u32 s6, $0x1;
	s3 =	sadd.s32 s4, s19  }
0x9c: {  	s7 =	simm.s32 $0x0;
	s20 =	sshll.u32 s5, $0x1;
	s5 =	sadd.s32 s21, s3  }
0x9d: {  	[timem:s7], [sflag:s22] =	dma.local [hbm:s5], s20  }
0x9e: {  	_ =	swait.ge [sflag:s22], s20  }
0x9f: {  	s4 =	ssub.s32 $0x0, s20;
	[sflag:s22] =	ssyncset.done $0x0  }
0xa0: {  	[sflag:s22] =	ssyncadd.s32 s4;
	_ =	sdelay $0x1  }
0xa1: {  	s23 =	simm.s32 $0x1B8B  }
0xa2: {  	_ =	swait.ge [sflag:s23], $0x1  }
0xa3: {  	[sflag:s23] =	ssyncset.done $0x0  }
0xa4: {  	s25 =	simm.s32 $0x1B8E;
	s24 =	sld [smem:$0x3FFE];
	[sflag:s23] =	ssyncadd.s32 $0xFFFFFFFF  }
0xa5: {  	s26 =	simm.s32 $execute0_lowered;
	[smem:$0x3FD2] =	sst s25  }
0xa6: {  	s5 =	sshll.u32 s26, $0x1;
	_ =	strace $0x80000046;
	[dreg:$0x1] =	wrdreg $0xFFFFFFFF  }
0xa7: {  	s28 =	simm.s32 $_size_execute0_lowered;
	s3 =	sadd.s32 s3, s5;
	[dreg:$0x0] =	wrdreg $0x0  }
0xa8: {  	s5 =	sshll.u32 s28, $0x1;
	[dreg:$0x2] =	wrdreg s3  }
0xa9: {  	[dreg:$0x3] =	wrdreg s5  }
0xaa: {  	[dreg:$0x4] =	wrdreg $0xC0  }
0xab: {  	_ =	task [dreg:s7], $0x5FFFF  }
0xac: {  	[dreg:$0x1] =	wrdreg $0xFFFFFFFF  }
0xad: {  	[dreg:$0x0] =	wrdreg $0x60  }
0xae: {  	[dreg:$0x2] =	wrdreg s24  }
0xaf: {  	[dreg:$0x3] =	wrdreg s2  }
0xb0: {  	[dreg:$0x4] =	wrdreg $0x4000  }
0xb1: {  	[dreg:$0x5] =	wrdreg $0x9  }
0xb2: {  	_ =	task.clear_ibuf [dreg:s7], $0x6FFFF;
	_ =	strace $0x90000046  }
0xb3: {  	s29 =	simm.s32 $0x9;
	_ =	strace $0x80000048  }
0xb4: {  	_ =	swait.ge [sflag:s29], $0x1  }
0xb5: {  	[sflag:s29] =	ssyncadd.s32 $0xFFFFFFFF  }
0xb6: {  	_ =	strace $0x90000048  }
0xb7: {  	_ =	sfence  }
0xb8: {  	s30 =	sld [smem:$0x0];
	_ =	sdelay $0x2  }
0xb9: {  	s31 =	sshll.u32 s1, $0xD;
	s1 =	sshrl.u32 s1, $0x2  }
0xba: {  	s3 =	sand.u32 $0x4000, s31;
	s1 =	sadd.s32 s1, s30  }
0xbb: {  	s0 =	sor.u32 s3, s0;
	s1 =	sshll.u32 s1, $0x11  }
0xbc: {  	s0 =	sor.u32 s1, s0  }
0xbd: {  	s0 =	sadd.s32 $0x8F2B, s0  }
0xbe: {  	[sflag:s0] =	ssyncadd.remote.s32 $0x1  }
0xbf: {  	_ =	sfence.sel $0xFFFF  }
0xc0: {  	[dreg:$0x0] =	wrdreg $0xFFFFFFFF;
	(pc) =	sbr.abs _section_cstart, $3  }
0xc1: {  	[dreg:$0x1] =	wrdreg $0xFFFFFFFF  }
0xc2: {  	_ =	task.clear_ibuf [dreg:s7], $0x2FFFF;
	_ =	strace $0x9FFFFFFF  }
0xc3: {  	(tm) =	ssettm $0x7FFFFFFF  }
tec
execute0_lowered:
.L_overlay_start_1:
0x0: {  	(tag) =	ssettag $0x1  }
0x1: {  	s4 =	rddreg [dreg:$0x0]  }
0x2: {  	s5 =	rddreg [dreg:$0x1]  }
0x3: {  	s2 =	rddreg [dreg:$0x2]  }
0x4: {  	s0 =	rddreg [dreg:$0x3];
	s1 =	stileid.u32  }
0x5: {  	s3 =	simm.s32 $0x0;
	s6 =	srdreg.scid;
	s14 =	simm.s32 $0x50  }
0x6: {  	s15 =	simm.s32 $0x280;
	s16 =	simm.s32 $0x380;
	s17 =	simm.s32 $0x1  }
0x7: {  	s18 =	simm.s32 $0x2;
	s21 =	simm.s32 $0x20;
	s7 =	smul.u32 $0xA00, s1  }
0x8: {  	s22 =	simm.s32 $0x10;
	s23 =	simm.s32 $0x0;
	s8 =	smul.u32 $0x500, s1  }
0x9: {  	[smem:$0x7FF] =	sst s3;
	s6 =	sand.u32 $0x1, s6;
	s12 =	smul.u32 $0x2710, s1  }
0xa: {  	s13 =	sadd.s32 $0x2000, s4;
	s19 =	sshll.u32 s1, $0x6;
	_ =	strace $0x80000047  }
0xb: {  	s9 =	ssub.s32 $0x2, s6;
	s10 =	smul.u32 $0x27100, s6;
	s6 =	sshll.u32 s6, $0x7  }
0xc: {  	s19 =	sor.u32 $0x1C03, s19;
	s11 =	sshrl.u32 s9, $0x1;
	s24 =	sor.u32 s6, s8  }
0xd: {  	s25 =	sshrl.u32 s7, $0x2;
	s9 =	ssub.s32 s9, s11;
	s26 =	sshrl.u32 s24, $0x3  }
0xe: {  	s10 =	sadd.s32 s12, s10;
	s4 =	sadd.s32 s25, s2;
	s5 =	sadd.s32 s5, s26  }
0xf: {  	s28 =	sadd.s32 $0x140, s10;
	s6 =	smax.u32 s9, $0x1;
	s29 =	sadd.s32 $0xF0, s10  }
0x10: {  	s30 =	sadd.s32 $0xA0, s10;
	s31 =	sadd.s32 $0x50, s10;
	s12 =	sshrl.u32 s10, $0x3  }
0x11: {  	s20 =	sshrl.u32 s4, $0x3;
	s7 =	sshrl.u32 s28, $0x3;
	s8 =	sshrl.u32 s29, $0x3  }
0x12: {  	s9 =	sshrl.u32 s30, $0x3;
	s11 =	sshrl.u32 s31, $0x3;
	s7 =	sadd.s32 s7, s13  }
0x13: {  	s8 =	sadd.s32 s8, s13;
	s9 =	sadd.s32 s9, s13;
	s10 =	sadd.s32 s11, s13  }
0x14: {  	v0 =	vimm.f32 $0.0e+00;
	v1 =	vimm.f32 $1.000000000e+00;
	s11 =	sadd.s32 s12, s13;
	s12 =	simm.s32 $0x3;
	s13 =	simm.s32 $0x300  }
.LBB2_1:
0x15: {  	[tilespmem:$0x0] =	vst v0  }
0x16: {  	[tilespmem:$0x10] =	vst v0  }
0x17: {  	[tilespmem:$0x20] =	vst v0  }
0x18: {  	[tilespmem:$0x30] =	vst v0  }
0x19: {  	[tilespmem:$0x40] =	vst v0  }
0x1a: {  	[tilespmem:$0x50] =	vst v0  }
0x1b: {  	[tilespmem:$0x60] =	vst v0  }
0x1c: {  	[tilespmem:$0x70] =	vst v0  }
0x1d: {  	[tilespmem:$0x80] =	vst v0  }
0x1e: {  	[tilespmem:$0x90] =	vst v0  }
0x1f: {  	[tilespmem:$0xA0] =	vst v0  }
0x20: {  	[tilespmem:$0xB0] =	vst v0  }
0x21: {  	[tilespmem:$0xC0] =	vst v0  }
0x22: {  	[tilespmem:$0xD0] =	vst v0  }
0x23: {  	[tilespmem:$0xE0] =	vst v0  }
0x24: {  	[tilespmem:$0xF0] =	vst v0  }
0x25: {  	[tilespmem:$0x100] =	vst v0  }
0x26: {  	[tilespmem:$0x110] =	vst v0  }
0x27: {  	[tilespmem:$0x120] =	vst v0  }
0x28: {  	[tilespmem:$0x130] =	vst v0  }
0x29: {  	[tilespmem:$0x140] =	vst v0  }
0x2a: {  	[tilespmem:$0x150] =	vst v0  }
0x2b: {  	[tilespmem:$0x160] =	vst v0  }
0x2c: {  	[tilespmem:$0x170] =	vst v0  }
0x2d: {  	[tilespmem:$0x180] =	vst v0  }
0x2e: {  	[tilespmem:$0x190] =	vst v0  }
0x2f: {  	[tilespmem:$0x1A0] =	vst v0  }
0x30: {  	[tilespmem:$0x1B0] =	vst v0  }
0x31: {  	[tilespmem:$0x1C0] =	vst v0  }
0x32: {  	[tilespmem:$0x1D0] =	vst v0  }
0x33: {  	[tilespmem:$0x1E0] =	vst v0  }
0x34: {  	[tilespmem:$0x1F0] =	vst v0  }
0x35: {  	[tilespmem:$0x200] =	vst v0  }
0x36: {  	[tilespmem:$0x210] =	vst v0  }
0x37: {  	[tilespmem:$0x220] =	vst v0  }
0x38: {  	[tilespmem:$0x230] =	vst v0  }
0x39: {  	[tilespmem:$0x240] =	vst v0  }
0x3a: {  	[tilespmem:$0x250] =	vst v0  }
0x3b: {  	[tilespmem:$0x260] =	vst v0  }
0x3c: {  	[tilespmem:$0x270] =	vst v0  }
0x3d: {  	[tilespmem:$0x280] =	vst v1  }
0x3e: {  	[tilespmem:$0x290] =	vst v1  }
0x3f: {  	[tilespmem:$0x2A0] =	vst v1  }
0x40: {  	[tilespmem:$0x2B0] =	vst v1  }
0x41: {  	[tilespmem:$0x2C0] =	vst v1  }
0x42: {  	[spmem:s4] =	stream.linear.scatter [tilespmem:s3], [sflag:$0x3], $0x280, $0x38;
	[tilespmem:$0x680] =	vst v63  }
0x43: {  	_ =	swait.ge [sflag:s12], $0x280  }
0x44: {  	[sflag:s12] =	ssyncset.done $0x0  }
0x45: {  	[sflag:s12] =	ssyncadd.s32 $0xFFFFFD80  }
0x46: {  	s24 =	sadd.s32 $0x0, s11;
	[bflag:$0x0] =	sbarrier.arrive $0xFFFF  }
0x47: {  	[tilespmem:s13], [sflag:$0x3] =	stream.linear.gather [hbm4b:s24+s3], $0x50, $0x38;
	[tilespmem:$0x680] =	vst v63  }
0x48: {  	_ =	swait.ge [sflag:s12], $0x50  }
0x49: {  	[sflag:s12] =	ssyncset.done $0x0  }
0x4a: {  	[sflag:s12] =	ssyncadd.s32 $0xFFFFFFB0  }
0x4b: {  	[spmem:s2] =	stream.indirect.scatter.add.f32 [tilespmem:s15], [sflag:$0x1], $0x1, s13, s14, $0xb8;
	[tilespmem:$0x680] =	vst v63  }
0x4c: {  	s26 =	sadd.s32 $0x0, s10  }
0x4d: {  	[tilespmem:s16], [sflag:$0x3] =	stream.linear.gather [hbm4b:s26+s3], $0x50, $0x38;
	[tilespmem:$0x680] =	vst v63  }
0x4e: {  	_ =	swait.ge [sflag:s12], $0x50  }
0x4f: {  	[sflag:s12] =	ssyncset.done $0x0  }
0x50: {  	[sflag:s12] =	ssyncadd.s32 $0xFFFFFFB0  }
0x51: {  	[spmem:s2] =	stream.indirect.scatter.add.f32 [tilespmem:s15], [sflag:$0x2], $0x1, s16, s14, $0xb8;
	[tilespmem:$0x680] =	vst v63  }
0x52: {  	_ =	swait.ge [sflag:s17], $0x50  }
0x53: {  	[sflag:s17] =	ssyncset.done $0x0  }
0x54: {  	s29 =	sadd.s32 $0x0, s9;
	[sflag:s17] =	ssyncadd.s32 $0xFFFFFFB0  }
0x55: {  	[tilespmem:s13], [sflag:$0x3] =	stream.linear.gather [hbm4b:s29+s3], $0x50, $0x38;
	[tilespmem:$0x680] =	vst v63  }
0x56: {  	_ =	swait.ge [sflag:s12], $0x50  }
0x57: {  	[sflag:s12] =	ssyncset.done $0x0  }
0x58: {  	[sflag:s12] =	ssyncadd.s32 $0xFFFFFFB0  }
0x59: {  	[spmem:s2] =	stream.indirect.scatter.add.f32 [tilespmem:s15], [sflag:$0x1], $0x1, s13, s14, $0xb8;
	[tilespmem:$0x680] =	vst v63  }
0x5a: {  	_ =	swait.ge [sflag:s18], $0x50  }
0x5b: {  	[sflag:s18] =	ssyncset.done $0x0  }
0x5c: {  	s30 =	sadd.s32 $0x0, s8;
	[sflag:s18] =	ssyncadd.s32 $0xFFFFFFB0  }
0x5d: {  	[tilespmem:s16], [sflag:$0x3] =	stream.linear.gather [hbm4b:s30+s3], $0x50, $0x38;
	[tilespmem:$0x680] =	vst v63  }
0x5e: {  	_ =	swait.ge [sflag:s12], $0x50  }
0x5f: {  	[sflag:s12] =	ssyncset.done $0x0  }
0x60: {  	[sflag:s12] =	ssyncadd.s32 $0xFFFFFFB0  }
0x61: {  	[spmem:s2] =	stream.indirect.scatter.add.f32 [tilespmem:s15], [sflag:$0x2], $0x1, s16, s14, $0xb8;
	[tilespmem:$0x680] =	vst v63  }
0x62: {  	_ =	swait.ge [sflag:s17], $0x50  }
0x63: {  	[sflag:s17] =	ssyncset.done $0x0  }
0x64: {  	s31 =	sadd.s32 $0x0, s7;
	[sflag:s17] =	ssyncadd.s32 $0xFFFFFFB0  }
0x65: {  	[tilespmem:s13], [sflag:$0x3] =	stream.linear.gather [hbm4b:s31+s3], $0x50, $0x38;
	[tilespmem:$0x680] =	vst v63  }
0x66: {  	_ =	swait.ge [sflag:s12], $0x50  }
0x67: {  	[sflag:s12] =	ssyncset.done $0x0  }
0x68: {  	[sflag:s12] =	ssyncadd.s32 $0xFFFFFFB0  }
0x69: {  	[spmem:s2] =	stream.indirect.scatter.add.f32 [tilespmem:s15], [sflag:$0x1], $0x1, s13, s14, $0xb8;
	[tilespmem:$0x680] =	vst v63  }
0x6a: {  	_ =	swait.ge [sflag:s17], $0x50  }
0x6b: {  	[sflag:s17] =	ssyncset.done $0x0  }
0x6c: {  	[sflag:s17] =	ssyncadd.s32 $0xFFFFFFB0  }
0x6d: {  	_ =	swait.ge [sflag:s18], $0x50  }
0x6e: {  	s28 =	simm.s32 $0x64;
	s24 =	simm.s32 $0x32;
	[sflag:s18] =	ssyncset.done $0x0  }
.LBB2_2:
0x6f: {  	s29 =	sadd.s32 s24, s11  }
0x70: {  	[sflag:s18] =	ssyncadd.s32 $0xFFFFFFB0;
	s26 =	smov.u32 s28;
	s25 =	sadd.s32 $0x32, s28  }
0x71: {  	[tilespmem:s13], [sflag:$0x3] =	stream.linear.gather [hbm4b:s29+s3], $0x50, $0x38;
	[tilespmem:$0x680] =	vst v63  }
0x72: {  	p0 =	sne.s32 s28, $0x4B0;
	_ =	swait.ge [sflag:s12], $0x50  }
0x73: {  	[sflag:s12] =	ssyncset.done $0x0  }
0x74: {  	[sflag:s12] =	ssyncadd.s32 $0xFFFFFFB0  }
0x75: {  	[spmem:s2] =	stream.indirect.scatter.add.f32 [tilespmem:s15], [sflag:$0x1], $0x1, s13, s14, $0xb8;
	[tilespmem:$0x680] =	vst v63  }
0x76: {  	s28 =	sadd.s32 s24, s10  }
0x77: {  	[tilespmem:s16], [sflag:$0x3] =	stream.linear.gather [hbm4b:s28+s3], $0x50, $0x38;
	[tilespmem:$0x680] =	vst v63  }
0x78: {  	_ =	swait.ge [sflag:s12], $0x50  }
0x79: {  	[sflag:s12] =	ssyncset.done $0x0  }
0x7a: {  	[sflag:s12] =	ssyncadd.s32 $0xFFFFFFB0  }
0x7b: {  	[spmem:s2] =	stream.indirect.scatter.add.f32 [tilespmem:s15], [sflag:$0x2], $0x1, s16, s14, $0xb8;
	[tilespmem:$0x680] =	vst v63  }
0x7c: {  	_ =	swait.ge [sflag:s17], $0x50  }
0x7d: {  	[sflag:s17] =	ssyncset.done $0x0  }
0x7e: {  	s28 =	sadd.s32 s24, s9;
	[sflag:s17] =	ssyncadd.s32 $0xFFFFFFB0  }
0x7f: {  	[tilespmem:s13], [sflag:$0x3] =	stream.linear.gather [hbm4b:s28+s3], $0x50, $0x38;
	[tilespmem:$0x680] =	vst v63  }
0x80: {  	_ =	swait.ge [sflag:s12], $0x50  }
0x81: {  	[sflag:s12] =	ssyncset.done $0x0  }
0x82: {  	[sflag:s12] =	ssyncadd.s32 $0xFFFFFFB0  }
0x83: {  	[spmem:s2] =	stream.indirect.scatter.add.f32 [tilespmem:s15], [sflag:$0x1], $0x1, s13, s14, $0xb8;
	[tilespmem:$0x680] =	vst v63  }
0x84: {  	_ =	swait.ge [sflag:s18], $0x50  }
0x85: {  	[sflag:s18] =	ssyncset.done $0x0  }
0x86: {  	s28 =	sadd.s32 s24, s8;
	[sflag:s18] =	ssyncadd.s32 $0xFFFFFFB0  }
0x87: {  	[tilespmem:s16], [sflag:$0x3] =	stream.linear.gather [hbm4b:s28+s3], $0x50, $0x38;
	[tilespmem:$0x680] =	vst v63  }
0x88: {  	_ =	swait.ge [sflag:s12], $0x50  }
0x89: {  	[sflag:s12] =	ssyncset.done $0x0  }
0x8a: {  	[sflag:s12] =	ssyncadd.s32 $0xFFFFFFB0  }
0x8b: {  	[spmem:s2] =	stream.indirect.scatter.add.f32 [tilespmem:s15], [sflag:$0x2], $0x1, s16, s14, $0xb8;
	[tilespmem:$0x680] =	vst v63  }
0x8c: {  	_ =	swait.ge [sflag:s17], $0x50  }
0x8d: {  	[sflag:s17] =	ssyncset.done $0x0  }
0x8e: {  	s28 =	sadd.s32 s24, s7;
	s24 =	smov.u32 s26;
	[sflag:s17] =	ssyncadd.s32 $0xFFFFFFB0  }
0x8f: {  	[tilespmem:s13], [sflag:$0x3] =	stream.linear.gather [hbm4b:s28+s3], $0x50, $0x38;
	[tilespmem:$0x680] =	vst v63  }
0x90: {  	_ =	swait.ge [sflag:s12], $0x50  }
0x91: {  	[sflag:s12] =	ssyncset.done $0x0  }
0x92: {  	[sflag:s12] =	ssyncadd.s32 $0xFFFFFFB0  }
0x93: {  	[spmem:s2] =	stream.indirect.scatter.add.f32 [tilespmem:s15], [sflag:$0x1], $0x1, s13, s14, $0xb8;
	[tilespmem:$0x680] =	vst v63  }
.Ltmp0:
0x94: {  	_ =	swait.ge [sflag:s17], $0x50;
	(pc) =	sbr.rel @p0 .LBB2_2-.Ltmp0, $4  }
0x95: {  	[sflag:s17] =	ssyncset.done $0x0  }
0x96: {  	[sflag:s17] =	ssyncadd.s32 $0xFFFFFFB0  }
0x97: {  	_ =	swait.ge [sflag:s18], $0x50  }
0x98: {  	s28 =	smov.u32 s25;
	[sflag:s18] =	ssyncset.done $0x0  }
0x99: {  	s25 =	sadd.s32 s24, s11;
	[sflag:s18] =	ssyncadd.s32 $0xFFFFFFB0  }
0x9a: {  	[tilespmem:s13], [sflag:$0x3] =	stream.linear.gather [hbm4b:s25+s3], $0x50, $0x38;
	[tilespmem:$0x680] =	vst v63  }
0x9b: {  	_ =	swait.ge [sflag:s12], $0x50  }
0x9c: {  	[sflag:s12] =	ssyncset.done $0x0  }
0x9d: {  	[sflag:s12] =	ssyncadd.s32 $0xFFFFFFB0  }
0x9e: {  	[spmem:s2] =	stream.indirect.scatter.add.f32 [tilespmem:s15], [sflag:$0x1], $0x1, s13, s14, $0xb8;
	[tilespmem:$0x680] =	vst v63  }
0x9f: {  	s28 =	sadd.s32 s24, s10  }
0xa0: {  	[tilespmem:s16], [sflag:$0x3] =	stream.linear.gather [hbm4b:s28+s3], $0x50, $0x38;
	[tilespmem:$0x680] =	vst v63  }
0xa1: {  	_ =	swait.ge [sflag:s12], $0x50  }
0xa2: {  	[sflag:s12] =	ssyncset.done $0x0  }
0xa3: {  	[sflag:s12] =	ssyncadd.s32 $0xFFFFFFB0  }
0xa4: {  	[spmem:s2] =	stream.indirect.scatter.add.f32 [tilespmem:s15], [sflag:$0x2], $0x1, s16, s14, $0xb8;
	[tilespmem:$0x680] =	vst v63  }
0xa5: {  	_ =	swait.ge [sflag:s17], $0x50  }
0xa6: {  	[sflag:s17] =	ssyncset.done $0x0  }
0xa7: {  	s29 =	sadd.s32 s24, s9;
	[sflag:s17] =	ssyncadd.s32 $0xFFFFFFB0  }
0xa8: {  	[tilespmem:s13], [sflag:$0x3] =	stream.linear.gather [hbm4b:s29+s3], $0x50, $0x38;
	[tilespmem:$0x680] =	vst v63  }
0xa9: {  	_ =	swait.ge [sflag:s12], $0x50  }
0xaa: {  	[sflag:s12] =	ssyncset.done $0x0  }
0xab: {  	[sflag:s12] =	ssyncadd.s32 $0xFFFFFFB0  }
0xac: {  	[spmem:s2] =	stream.indirect.scatter.add.f32 [tilespmem:s15], [sflag:$0x1], $0x1, s13, s14, $0xb8;
	[tilespmem:$0x680] =	vst v63  }
0xad: {  	_ =	swait.ge [sflag:s18], $0x50  }
0xae: {  	[sflag:s18] =	ssyncset.done $0x0  }
0xaf: {  	s30 =	sadd.s32 s24, s8;
	[sflag:s18] =	ssyncadd.s32 $0xFFFFFFB0  }
0xb0: {  	[tilespmem:s16], [sflag:$0x3] =	stream.linear.gather [hbm4b:s30+s3], $0x50, $0x38;
	[tilespmem:$0x680] =	vst v63  }
0xb1: {  	_ =	swait.ge [sflag:s12], $0x50  }
0xb2: {  	[sflag:s12] =	ssyncset.done $0x0  }
0xb3: {  	[sflag:s12] =	ssyncadd.s32 $0xFFFFFFB0  }
0xb4: {  	[spmem:s2] =	stream.indirect.scatter.add.f32 [tilespmem:s15], [sflag:$0x2], $0x1, s16, s14, $0xb8;
	[tilespmem:$0x680] =	vst v63  }
0xb5: {  	_ =	swait.ge [sflag:s17], $0x50  }
0xb6: {  	[sflag:s17] =	ssyncset.done $0x0  }
0xb7: {  	s31 =	sadd.s32 s24, s7;
	[sflag:s17] =	ssyncadd.s32 $0xFFFFFFB0  }
0xb8: {  	[tilespmem:s13], [sflag:$0x3] =	stream.linear.gather [hbm4b:s31+s3], $0x50, $0x38;
	[tilespmem:$0x680] =	vst v63  }
0xb9: {  	_ =	swait.ge [sflag:s12], $0x50  }
0xba: {  	[sflag:s12] =	ssyncset.done $0x0  }
0xbb: {  	[sflag:s12] =	ssyncadd.s32 $0xFFFFFFB0  }
0xbc: {  	[spmem:s2] =	stream.indirect.scatter.add.f32 [tilespmem:s15], [sflag:$0x1], $0x1, s13, s14, $0xb8;
	[tilespmem:$0x680] =	vst v63  }
0xbd: {  	_ =	swait.ge [sflag:s17], $0x50  }
0xbe: {  	[sflag:s17] =	ssyncset.done $0x0  }
0xbf: {  	[sflag:s17] =	ssyncadd.s32 $0xFFFFFFB0  }
0xc0: {  	_ =	swait.ge [sflag:s18], $0x50  }
0xc1: {  	s23 =	sadd.s32 $0x1, s23;
	[sflag:s18] =	ssyncset.done $0x0  }
0xc2: {  	p0 =	sne.s32 s23, s6;
	[sflag:s18] =	ssyncadd.s32 $0xFFFFFFB0  }
.Ltmp1:
0xc3: {  	[bflag:$0x0] =	sbarrier.arrive $0xFFFF;
	(pc) =	sbr.rel @p0 .LBB2_1-.Ltmp1, $4  }
0xc4: {  	[hbm:s5@s21], [sflag:s19] =	dma.strided [spmem:s20@s22], $0x50, s17, $0x10   }
0xc5: {  	_ =	swait.ge [sflag:s12], $0x50  }
0xc6: {  	[sflag:s12] =	ssyncset.done $0x0  }
0xc7: {  	[sflag:s12] =	ssyncadd.s32 $0xFFFFFFB0  }
0xc8: {  	_ =	sfence.sel $0x180000  }
0xc9: {  	[bflag:$0x0] =	sbarrier.arrive $0xFFFF  }
0xca: {  	p0 =	sne.s32 s1, $0x0;
	_ =	strace $0x90000047  }
0xcb: {  	s0 =	sadd.s32 @!p0 $0x100000, s0;
	[bflag:$0x2] =	sbarrier.arrive $0xFFFF  }
0xcc: {  	[sflag:s0] =	ssyncadd.tile.s32 @!p0 $0x1;
	_ =	shalt  }
.Lfunc_end2:
_tile_overlayer_lowered:
.L_overlay_start_2:
0xcd: {  	(tag) =	ssettag $0x2  }
0xce: {  	s0 =	rddreg [dreg:$0x0];
	s2 =	stileid.u32  }
0xcf: {  	s1 =	rddreg [dreg:$0x1];
	p0 =	sne.s32 s2, $0x0  }
0xd0: {  	s3 =	rddreg [dreg:$0x2];
	[bflag:$0x3] =	sbarrier.arrive $0xFFFF;
	s2 =	simm.s32 @!p0 $0x1C03  }
0xd1: {  	[timem:s3], [sflag:s2] =	dma.local @!p0 [hbm:s0], s1  }
0xd2: {  	s0 =	simm.s32 @!p0 $0x3  }
0xd3: {  	_ =	swait.ge @!p0 [sflag:s0], s1  }
0xd4: {  	s1 =	ssub.s32 @!p0 $0x0, s1;
	[sflag:s0] =	ssyncset.done @!p0 $0x0  }
0xd5: {  	[sflag:s0] =	ssyncadd.s32 @!p0 s1  }
0xd6: {  	[bflag:$0x3] =	sbarrier.arrive $0xFFFF  }
0xd7: {  	_ =	shalt  }

</sc_bundles>
